<compile_context>
chip_gen: v7x
topology: tpu7x:2x2x1
jax: 0.10.2.dev20260603
libtpu: 0.0.44.dev20260713+nightly
codegen_flags: <defaults>
</compile_context>

<pallas_src>
import functools
import math

import jax
import jax.numpy as jnp
from jax import lax
from jax.experimental import pallas as pl
from jax.experimental.pallas import tpu as pltpu
from jax.experimental.pallas import tpu_sc as plsc

N = 10000
E = 160000
D = 256
H = 8
HP = 16
DH = 32
INV_SCALE = 1.0 / math.sqrt(DH)
NEG = -1e30

CH = 128
NCH = E // CH
NW = 32
ROWS = 1000
NPAD = 10240
NPW = NPAD // 16
NHALF = NPAD // 2
NHPW = NHALF // 16
NTRASH = 16



def _proj_body(xq, xk, xv, wq, bq, wk, bk, wv, bv, q_o, k_o, vlo_o, vhi_o):
    q = jnp.dot(xq[...], wq[...], preferred_element_type=jnp.float32) + bq[...]
    k = jnp.dot(xk[...], wk[...], preferred_element_type=jnp.float32) + bk[...]
    v = jnp.dot(xv[...], wv[...], preferred_element_type=jnp.float32) + bv[...]
    q_o[...] = q
    k_o[...] = k
    vlo_o[...] = v[:, :128]
    vhi_o[...] = v[:, 128:]


def _scores_body(qd, ks, ea, we, be, s_o):
    r = lax.broadcasted_iota(jnp.int32, (D, HP), 0) // DH
    c = lax.broadcasted_iota(jnp.int32, (D, HP), 1)
    bd = (r == c).astype(jnp.float32)
    p = qd[...] * ks[...]
    s = jnp.dot(p, bd, preferred_element_type=jnp.float32) * INV_SCALE
    s = s + jnp.dot(ea[...], we[...], preferred_element_type=jnp.float32) + be[...]
    s_o[...] = s


def _max_body(s, m_o):
    i = pl.program_id(0)
    blk = jnp.max(s[...], axis=0, keepdims=True)

    @pl.when(i == 0)
    def _():
        m_o[...] = blk

    @pl.when(i > 0)
    def _():
        m_o[...] = jnp.maximum(m_o[...], blk)


def _expand_body(s, m, exst_o):
    ex = jnp.exp(s[...] - m[...])
    hh = lax.broadcasted_iota(jnp.int32, (HP, 128), 0)
    ch = lax.broadcasted_iota(jnp.int32, (HP, 128), 1) // DH
    elo = (hh == ch).astype(jnp.float32)
    ehi = (hh == ch + 4).astype(jnp.float32)
    exst_o[0] = jnp.dot(ex, elo, preferred_element_type=jnp.float32)
    exst_o[1] = jnp.dot(ex, ehi, preferred_element_type=jnp.float32)


def _outproj_body(lo, hi, p, wo, bo, o):
    acc = jnp.dot(lo[...] / (p[0] + 1e-16), wo[:128, :],
                  preferred_element_type=jnp.float32)
    acc = acc + jnp.dot(hi[...] / (p[1] + 1e-16), wo[128:, :],
                        preferred_element_type=jnp.float32)
    o[...] = acc + bo[...]



_MESH = plsc.VectorSubcoreMesh(core_axis_name="c", subcore_axis_name="s")


def _gather_qk_body(q_hbm, k_hbm, dst_hbm, src_hbm, qd_hbm, ks_hbm,
                    didx, sidx, qrows, krows, sem, sem2):
    c = lax.axis_index("c")
    s = lax.axis_index("s")
    w = s * 2 + c
    nloop = (NCH - w + NW - 1) // NW

    def body(i, _):
        base = (w + i * NW) * CH
        pltpu.sync_copy(dst_hbm.at[pl.ds(base, CH)], didx)
        pltpu.async_copy(q_hbm.at[didx], qrows, sem).wait()
        pltpu.sync_copy(qrows, qd_hbm.at[pl.ds(base, CH)])
        pltpu.sync_copy(src_hbm.at[pl.ds(base, CH)], sidx)
        pltpu.async_copy(k_hbm.at[sidx], krows, sem2).wait()
        pltpu.sync_copy(krows, ks_hbm.at[pl.ds(base, CH)])
        return 0

    lax.fori_loop(0, nloop, body, 0, unroll=False)


def _segsum_body(exst_hbm, dst_hbm, zeros_hbm, part_hbm,
                 didx, excbuf, accum, sem):
    c = lax.axis_index("c")
    s = lax.axis_index("s")
    cE = c * E
    nloop = (NCH - s + 15) // 16

    @pl.when(s == 0)
    def _():
        pltpu.sync_copy(zeros_hbm, accum)

    plsc.subcore_barrier()

    def body(i, _):
        base = (s + i * 16) * CH
        pltpu.sync_copy(dst_hbm.at[pl.ds(base, CH)], didx)
        pltpu.sync_copy(exst_hbm.at[pl.ds(cE + base, CH)], excbuf)
        pltpu.sync_copy(excbuf, accum.at[didx], add=True)
        return 0

    lax.fori_loop(0, nloop, body, 0, unroll=False)
    plsc.subcore_barrier()
    pltpu.sync_copy(accum.at[pl.ds(s * NPW, NPW)],
                    part_hbm.at[pl.ds(c * NPAD + s * NPW, NPW)])


def _msg_body(v2_hbm, exst_hbm, dst_hbm, src_hbm, zeros_hbm, out_hbm,
              didx, sidx, excbuf, vsbuf, accum, sem):
    c = lax.axis_index("c")
    s = lax.axis_index("s")
    cN = c * N
    cE = c * E
    nloop = (NCH - s + 15) // 16

    @pl.when(s == 0)
    def _():
        pltpu.sync_copy(zeros_hbm, accum)

    plsc.subcore_barrier()

    def body(i, _):
        base = (s + i * 16) * CH
        pltpu.sync_copy(dst_hbm.at[pl.ds(base, CH)], didx)
        pltpu.sync_copy(src_hbm.at[pl.ds(base, CH)], sidx)

        for j in range(CH // 16):
            sidx[pl.ds(j * 16, 16)] = sidx[pl.ds(j * 16, 16)] + cN

        pltpu.sync_copy(exst_hbm.at[pl.ds(cE + base, CH)], excbuf)
        pltpu.async_copy(v2_hbm.at[sidx], vsbuf, sem).wait()

        def erow(e, _c):
            for j in range(8):
                sl = pl.ds(16 * j, 16)
                vsbuf[e, sl] = vsbuf[e, sl] * excbuf[e, sl]
            return 0

        lax.fori_loop(0, CH, erow, 0, unroll=2)
        pltpu.sync_copy(vsbuf, accum.at[didx], add=True)
        return 0

    lax.fori_loop(0, nloop, body, 0, unroll=False)
    plsc.subcore_barrier()
    pltpu.sync_copy(accum.at[pl.ds(s * NPW, NPW)],
                    out_hbm.at[pl.ds(c * NPAD + s * NPW, NPW)])



def kernel(query, key, value, edge_index, edge_attr,
           Wq, bq, Wk, bk, Wv, bv, Wo, bo, We, be):
    f32 = jnp.float32
    src = edge_index[0]
    dst = edge_index[1]
    bq2 = bq.reshape(1, D)
    bk2 = bk.reshape(1, D)
    bv2 = bv.reshape(1, D)
    bo2 = bo.reshape(1, D)
    We16 = jnp.concatenate([We, jnp.zeros((D, HP - H), f32)], axis=1)
    be16 = jnp.concatenate([be, jnp.full((HP - H,), NEG, f32)]).reshape(1, HP)

    gridN = N // ROWS
    gridE = E // ROWS

    Q, K, Vlo, Vhi = pl.pallas_call(
        _proj_body,
        grid=(gridN,),
        in_specs=[
            pl.BlockSpec((ROWS, D), lambda i: (i, 0)),
            pl.BlockSpec((ROWS, D), lambda i: (i, 0)),
            pl.BlockSpec((ROWS, D), lambda i: (i, 0)),
            pl.BlockSpec((D, D), lambda i: (0, 0)),
            pl.BlockSpec((1, D), lambda i: (0, 0)),
            pl.BlockSpec((D, D), lambda i: (0, 0)),
            pl.BlockSpec((1, D), lambda i: (0, 0)),
            pl.BlockSpec((D, D), lambda i: (0, 0)),
            pl.BlockSpec((1, D), lambda i: (0, 0)),
        ],
        out_specs=[
            pl.BlockSpec((ROWS, D), lambda i: (i, 0)),
            pl.BlockSpec((ROWS, D), lambda i: (i, 0)),
            pl.BlockSpec((ROWS, 128), lambda i: (i, 0)),
            pl.BlockSpec((ROWS, 128), lambda i: (i, 0)),
        ],
        out_shape=[
            jax.ShapeDtypeStruct((N, D), f32),
            jax.ShapeDtypeStruct((N, D), f32),
            jax.ShapeDtypeStruct((N, 128), f32),
            jax.ShapeDtypeStruct((N, 128), f32),
        ],
    )(query, key, value, Wq, bq2, Wk, bk2, Wv, bv2)

    V2 = jnp.concatenate([Vlo, Vhi], axis=0)

    gather_qk = functools.partial(
        pl.kernel,
        mesh=_MESH,
        out_type=[
            jax.ShapeDtypeStruct((E, D), f32),
            jax.ShapeDtypeStruct((E, D), f32),
        ],
        scratch_types=[
            pltpu.VMEM((CH,), jnp.int32),
            pltpu.VMEM((CH,), jnp.int32),
            pltpu.VMEM((CH, D), f32),
            pltpu.VMEM((CH, D), f32),
            pltpu.SemaphoreType.DMA,
            pltpu.SemaphoreType.DMA,
        ],
    )(_gather_qk_body)
    QD, KS = gather_qk(Q, K, dst, src)

    S = pl.pallas_call(
        _scores_body,
        grid=(gridE,),
        in_specs=[
            pl.BlockSpec((ROWS, D), lambda i: (i, 0)),
            pl.BlockSpec((ROWS, D), lambda i: (i, 0)),
            pl.BlockSpec((ROWS, D), lambda i: (i, 0)),
            pl.BlockSpec((D, HP), lambda i: (0, 0)),
            pl.BlockSpec((1, HP), lambda i: (0, 0)),
        ],
        out_specs=pl.BlockSpec((ROWS, HP), lambda i: (i, 0)),
        out_shape=jax.ShapeDtypeStruct((E, HP), f32),
    )(QD, KS, edge_attr, We16, be16)

    M = pl.pallas_call(
        _max_body,
        grid=(gridE,),
        in_specs=[pl.BlockSpec((ROWS, HP), lambda i: (i, 0))],
        out_specs=pl.BlockSpec((1, HP), lambda i: (0, 0)),
        out_shape=jax.ShapeDtypeStruct((1, HP), f32),
    )(S)

    EXST = pl.pallas_call(
        _expand_body,
        grid=(gridE,),
        in_specs=[
            pl.BlockSpec((ROWS, HP), lambda i: (i, 0)),
            pl.BlockSpec((1, HP), lambda i: (0, 0)),
        ],
        out_specs=pl.BlockSpec((2, ROWS, 128), lambda i: (0, i, 0)),
        out_shape=jax.ShapeDtypeStruct((2, E, 128), f32),
    )(S, M)
    EXF = EXST.reshape(2 * E, 128)

    zerosF128 = jnp.zeros((NPAD, 128), f32)

    segsum = functools.partial(
        pl.kernel,
        mesh=_MESH,
        out_type=jax.ShapeDtypeStruct((2 * NPAD, 128), f32),
        scratch_types=[
            pltpu.VMEM((CH,), jnp.int32),
            pltpu.VMEM((CH, 128), f32),
            pltpu.VMEM_SHARED((NPAD, 128), f32),
            pltpu.SemaphoreType.DMA,
        ],
    )(_segsum_body)
    PART = segsum(EXF, dst, zerosF128)

    msg = functools.partial(
        pl.kernel,
        mesh=_MESH,
        out_type=jax.ShapeDtypeStruct((2 * NPAD, 128), f32),
        scratch_types=[
            pltpu.VMEM((CH,), jnp.int32),
            pltpu.VMEM((CH,), jnp.int32),
            pltpu.VMEM((CH, 128), f32),
            pltpu.VMEM((CH, 128), f32),
            pltpu.VMEM_SHARED((NPAD, 128), f32),
            pltpu.SemaphoreType.DMA,
        ],
    )(_msg_body)
    OUTP = msg(V2, EXF, dst, src, zerosF128)

    out = pl.pallas_call(
        _outproj_body,
        grid=(gridN,),
        in_specs=[
            pl.BlockSpec((ROWS, 128), lambda i: (i, 0)),
            pl.BlockSpec((ROWS, 128), lambda i: (i, 0)),
            pl.BlockSpec((2, ROWS, 128), lambda i: (0, i, 0)),
            pl.BlockSpec((D, D), lambda i: (0, 0)),
            pl.BlockSpec((1, D), lambda i: (0, 0)),
        ],
        out_specs=pl.BlockSpec((ROWS, D), lambda i: (i, 0)),
        out_shape=jax.ShapeDtypeStruct((N, D), f32),
    )(OUTP[:N], OUTP[NPAD:NPAD + N], PART.reshape(2, NPAD, 128), Wo, bo2)

    return out

# --- scband reference (transcript-rebuilt; emitter-appended) ---
"""Pipeline reference for scband-multi-head-graph-attention-58402965291281 (READ-ONLY COPY).

The authoritative reference and input builder live on the scoring server;
editing this copy changes nothing except your own understanding.
"""

import jax, jax.numpy as jnp
import numpy as np
import math

N = 10000
E = 160000
D = 256
H = 8
Dh = D // H

def setup_inputs(seed: int = 0) -> dict:
    key = jax.random.key(seed)
    ks = jax.random.split(key, 16)
    s = 0.05
    return {
        "query": jax.random.normal(ks[0], (N, D), dtype=jnp.float32),
        "key": jax.random.normal(ks[1], (N, D), dtype=jnp.float32),
        "value": jax.random.normal(ks[2], (N, D), dtype=jnp.float32),
        "edge_index": jax.random.randint(ks[3], (2, E), 0, N, dtype=jnp.int32),
        "edge_attr": jax.random.normal(ks[4], (E, D), dtype=jnp.float32),
        "Wq": jax.random.normal(ks[5], (D, D), dtype=jnp.float32) * s,
        "bq": jnp.zeros((D,), dtype=jnp.float32),
        "Wk": jax.random.normal(ks[6], (D, D), dtype=jnp.float32) * s,
        "bk": jnp.zeros((D,), dtype=jnp.float32),
        "Wv": jax.random.normal(ks[7], (D, D), dtype=jnp.float32) * s,
        "bv": jnp.zeros((D,), dtype=jnp.float32),
        "Wo": jax.random.normal(ks[8], (D, D), dtype=jnp.float32) * s,
        "bo": jnp.zeros((D,), dtype=jnp.float32),
        "We": jax.random.normal(ks[9], (D, H), dtype=jnp.float32) * s,
        "be": jnp.zeros((H,), dtype=jnp.float32),
    }

def reference(query, key, value, edge_index, edge_attr, Wq, bq, Wk, bk, Wv, bv, Wo, bo, We, be):
    n = query.shape[0]
    scale = math.sqrt(Dh)
    Q = (query @ Wq + bq).reshape(n, H, Dh)
    K = (key @ Wk + bk).reshape(n, H, Dh)
    V = (value @ Wv + bv).reshape(n, H, Dh)
    src = edge_index[0]
    dst = edge_index[1]
    # per-edge attention scores
    attn_scores = (Q[dst] * K[src]).sum(axis=-1) / scale  # [E, H]
    edge_weights = edge_attr @ We + be  # [E, H]
    attn_scores = attn_scores + edge_weights
    # segment softmax over destination nodes
    seg_max = jax.ops.segment_max(attn_scores, dst, num_segments=n)  # [n, H]
    ex = jnp.exp(attn_scores - seg_max[dst])
    seg_sum = jax.ops.segment_sum(ex, dst, num_segments=n)  # [n, H]
    attn_weights = ex / (seg_sum[dst] + 1e-16)  # [E, H]
    # weighted message aggregation (scatter-add)
    messages = V[src] * attn_weights[:, :, None]  # [E, H, Dh]
    out = jax.ops.segment_sum(messages, dst, num_segments=n)  # [n, H, Dh]
    out = out.reshape(n, D)
    out = out @ Wo + bo
    return out

if __name__ == "__main__":
    import jax
    _d = setup_inputs()
    print(jax.jit(kernel)(*tuple(_d.values())))

</pallas_src>

<mosaic_0001>
#map = affine_map<(d0, d1) -> (0, 0)>
#map1 = affine_map<(d0, d1) -> (0)>
module attributes {stable_mosaic.version = 14 : i64} {
  func.func @_gather_qk_body(%arg0: i32, %arg1: i32, %arg2: memref<10000x256xf32, #tpu.memory_space<hbm>>, %arg3: memref<10000x256xf32, #tpu.memory_space<hbm>>, %arg4: memref<160000xi32, #tpu.memory_space<hbm>>, %arg5: memref<160000xi32, #tpu.memory_space<hbm>>, %arg6: memref<160000x256xf32, #tpu.memory_space<hbm>>, %arg7: memref<160000x256xf32, #tpu.memory_space<hbm>>, %arg8: memref<128xi32, #tpu.memory_space<vmem>>, %arg9: memref<128xi32, #tpu.memory_space<vmem>>, %arg10: memref<128x256xf32, #tpu.memory_space<vmem>>, %arg11: memref<128x256xf32, #tpu.memory_space<vmem>>, %arg12: memref<!tpu.dma_semaphore, #tpu.memory_space<semaphore_mem>>, %arg13: memref<!tpu.dma_semaphore, #tpu.memory_space<semaphore_mem>>) attributes {dimension_semantics = [#tpu.dimension_semantics<core_parallel>, #tpu.dimension_semantics<subcore_parallel>], iteration_bounds = array<i64: 2, 16>, scalar_prefetch = 0 : i64, scratch_operands = 6 : i64, tpu.core_type = #tpu.core_type<sc_vector_subcore>, window_params = [{transform_indices = #map}, {transform_indices = #map}, {transform_indices = #map1}, {transform_indices = #map1}, {transform_indices = #map}, {transform_indices = #map}]} {
    %mul3A = arith.constant 2 : i32
    %mul3A_0 = arith.muli %arg1, %mul3A : i32
    %add3A = arith.addi %mul3A_0, %arg0 : i32
    %sub3A = arith.constant 1250 : i32
    %sub3A_1 = arith.subi %sub3A, %add3A : i32
    %add3A_2 = arith.constant 32 : i32
    %add3A_3 = arith.addi %sub3A_1, %add3A_2 : i32
    %sub3A_4 = arith.constant 1 : i32
    %sub3A_5 = arith.subi %add3A_3, %sub3A_4 : i32
    %jit3A = arith.constant 32 : i32
    %div3A = arith.divsi %sub3A_5, %jit3A : i32
    %sign3A = arith.constant 0 : i32
    %sign3A_6 = arith.cmpi sgt, %sub3A_5, %sign3A : i32
    %sign3A_7 = arith.extui %sign3A_6 : i1 to i32
    %sign3A_8 = arith.constant 0 : i32
    %sign3A_9 = arith.cmpi slt, %sub3A_5, %sign3A_8 : i32
    %sign3A_10 = arith.extui %sign3A_9 : i1 to i32
    %sign3A_11 = arith.subi %sign3A_7, %sign3A_10 : i32
    %sign3A_12 = arith.constant 0 : i32
    %sign3A_13 = arith.cmpi sgt, %jit3A, %sign3A_12 : i32
    %sign3A_14 = arith.extui %sign3A_13 : i1 to i32
    %sign3A_15 = arith.constant 0 : i32
    %sign3A_16 = arith.cmpi slt, %jit3A, %sign3A_15 : i32
    %sign3A_17 = arith.extui %sign3A_16 : i1 to i32
    %sign3A_18 = arith.subi %sign3A_14, %sign3A_17 : i32
    %ne3A = arith.cmpi ne, %sign3A_11, %sign3A_18 : i32
    %rem3A = arith.remsi %sub3A_5, %jit3A : i32
    %ne3A_19 = arith.constant 0 : i32
    %ne3A_20 = arith.cmpi ne, %rem3A, %ne3A_19 : i32
    %and3A = arith.andi %ne3A, %ne3A_20 : i1
    %sub3A_21 = arith.constant 1 : i32
    %sub3A_22 = arith.subi %div3A, %sub3A_21 : i32
    %select_n3A = arith.select %and3A, %sub3A_22, %div3A : i32
    %while3A = arith.constant 0 : i32
    %while3A_23 = arith.constant 0 : i32
    %while3A_24 = arith.subi %select_n3A, %while3A : i32
    %while3A_25 = arith.addi %while3A, %while3A_24 : i32
    %while3A_26 = arith.constant 1 : i32
    %while3A_27 = arith.divsi %while3A_24, %while3A_26 : i32
    %while3A_28 = arith.muli %while3A_27, %while3A_26 : i32
    %while3A_29 = arith.addi %while3A, %while3A_28 : i32
    %while3A_30 = arith.constant 1 : i32
    %while3A_31 = scf.for %while3A_34 = %while3A to %while3A_29 step %while3A_30 iter_args(%while3A_35 = %while3A_23) -> (i32)  : i32 {
      %mul3A_36 = arith.constant 32 : i32
      %mul3A_37 = arith.muli %while3A_34, %mul3A_36 : i32
      %add3A_38 = arith.addi %add3A, %mul3A_37 : i32
      %mul3A_39 = arith.constant 128 : i32
      %mul3A_40 = arith.muli %add3A_38, %mul3A_39 : i32
      "tpu.region"() ({
        %run_scoped3A = tpu.sem_alloc : memref<!tpu.dma_semaphore, #tpu.memory_space<semaphore_mem>>
        %dma_start3A_52 = tpu.memref_slice %arg4[%mul3A_40] : memref<160000xi32, #tpu.memory_space<hbm>> -> memref<128xi32, #tpu.memory_space<hbm>>
        %dma_start3A_53 = tpu.memref_slice %arg4[%mul3A_40] : memref<160000xi32, #tpu.memory_space<hbm>> -> memref<128xi32, #tpu.memory_space<hbm>>
        tpu.enqueue_dma source(%dma_start3A_53 : memref<128xi32, #tpu.memory_space<hbm>>) target(%arg8 : memref<128xi32, #tpu.memory_space<vmem>>) target_semaphore(%run_scoped3A : memref<!tpu.dma_semaphore, #tpu.memory_space<semaphore_mem>>)
        %dma_wait3A_54 = tpu.memref_slice %arg4[%mul3A_40] : memref<160000xi32, #tpu.memory_space<hbm>> -> memref<128xi32, #tpu.memory_space<hbm>>
        %dma_wait3A_55 = tpu.memref_slice %arg4[%mul3A_40] : memref<160000xi32, #tpu.memory_space<hbm>> -> memref<128xi32, #tpu.memory_space<hbm>>
        tpu.wait_dma2 semaphore(%run_scoped3A : memref<!tpu.dma_semaphore, #tpu.memory_space<semaphore_mem>>) src(%dma_wait3A_55 : memref<128xi32, #tpu.memory_space<hbm>>) dst(%arg8 : memref<128xi32, #tpu.memory_space<vmem>>)
        tpu.yield
      }) : () -> ()
      %dma_start3A = arith.constant 0 : i32
      %dma_start3A_41 = arith.constant 0 : i32
      %dma_start3A_42 = tpu.memref_slice %arg2[%dma_start3A, %dma_start3A_41] : memref<10000x256xf32, #tpu.memory_space<hbm>> -> memref<10000x256xf32, #tpu.memory_space<hbm>>
      tpu.enqueue_indirect_dma source(%dma_start3A_42 : memref<10000x256xf32, #tpu.memory_space<hbm>>) target(%arg10 : memref<128x256xf32, #tpu.memory_space<vmem>>) offsets(%arg8 : memref<128xi32, #tpu.memory_space<vmem>>) semaphore(%arg12 : memref<!tpu.dma_semaphore, #tpu.memory_space<semaphore_mem>>)
      %dma_wait3A = arith.constant 0 : i32
      %dma_wait3A_43 = arith.constant 0 : i32
      %dma_wait3A_44 = tpu.memref_slice %arg2[%dma_wait3A, %dma_wait3A_43] : memref<10000x256xf32, #tpu.memory_space<hbm>> -> memref<10000x256xf32, #tpu.memory_space<hbm>>
      tpu.wait_indirect_dma semaphore(%arg12 : memref<!tpu.dma_semaphore, #tpu.memory_space<semaphore_mem>>) src(%dma_wait3A_44 : memref<10000x256xf32, #tpu.memory_space<hbm>>) dst(%arg10 : memref<128x256xf32, #tpu.memory_space<vmem>>)
      "tpu.region"() ({
        %run_scoped3A = tpu.sem_alloc : memref<!tpu.dma_semaphore, #tpu.memory_space<semaphore_mem>>
        %dma_start3A_52 = arith.constant 0 : i32
        %dma_start3A_53 = tpu.memref_slice %arg6[%mul3A_40, %dma_start3A_52] : memref<160000x256xf32, #tpu.memory_space<hbm>> -> memref<128x256xf32, #tpu.memory_space<hbm>>
        %dma_start3A_54 = arith.constant 0 : i32
        %dma_start3A_55 = tpu.memref_slice %arg6[%mul3A_40, %dma_start3A_54] : memref<160000x256xf32, #tpu.memory_space<hbm>> -> memref<128x256xf32, #tpu.memory_space<hbm>>
        tpu.enqueue_dma source(%arg10 : memref<128x256xf32, #tpu.memory_space<vmem>>) target(%dma_start3A_55 : memref<128x256xf32, #tpu.memory_space<hbm>>) target_semaphore(%run_scoped3A : memref<!tpu.dma_semaphore, #tpu.memory_space<semaphore_mem>>)
        %dma_wait3A_56 = arith.constant 0 : i32
        %dma_wait3A_57 = tpu.memref_slice %arg6[%mul3A_40, %dma_wait3A_56] : memref<160000x256xf32, #tpu.memory_space<hbm>> -> memref<128x256xf32, #tpu.memory_space<hbm>>
        %dma_wait3A_58 = arith.constant 0 : i32
        %dma_wait3A_59 = tpu.memref_slice %arg6[%mul3A_40, %dma_wait3A_58] : memref<160000x256xf32, #tpu.memory_space<hbm>> -> memref<128x256xf32, #tpu.memory_space<hbm>>
        tpu.wait_dma2 semaphore(%run_scoped3A : memref<!tpu.dma_semaphore, #tpu.memory_space<semaphore_mem>>) src(%arg10 : memref<128x256xf32, #tpu.memory_space<vmem>>) dst(%dma_wait3A_59 : memref<128x256xf32, #tpu.memory_space<hbm>>)
        tpu.yield
      }) : () -> ()
      "tpu.region"() ({
        %run_scoped3A = tpu.sem_alloc : memref<!tpu.dma_semaphore, #tpu.memory_space<semaphore_mem>>
        %dma_start3A_52 = tpu.memref_slice %arg5[%mul3A_40] : memref<160000xi32, #tpu.memory_space<hbm>> -> memref<128xi32, #tpu.memory_space<hbm>>
        %dma_start3A_53 = tpu.memref_slice %arg5[%mul3A_40] : memref<160000xi32, #tpu.memory_space<hbm>> -> memref<128xi32, #tpu.memory_space<hbm>>
        tpu.enqueue_dma source(%dma_start3A_53 : memref<128xi32, #tpu.memory_space<hbm>>) target(%arg9 : memref<128xi32, #tpu.memory_space<vmem>>) target_semaphore(%run_scoped3A : memref<!tpu.dma_semaphore, #tpu.memory_space<semaphore_mem>>)
        %dma_wait3A_54 = tpu.memref_slice %arg5[%mul3A_40] : memref<160000xi32, #tpu.memory_space<hbm>> -> memref<128xi32, #tpu.memory_space<hbm>>
        %dma_wait3A_55 = tpu.memref_slice %arg5[%mul3A_40] : memref<160000xi32, #tpu.memory_space<hbm>> -> memref<128xi32, #tpu.memory_space<hbm>>
        tpu.wait_dma2 semaphore(%run_scoped3A : memref<!tpu.dma_semaphore, #tpu.memory_space<semaphore_mem>>) src(%dma_wait3A_55 : memref<128xi32, #tpu.memory_space<hbm>>) dst(%arg9 : memref<128xi32, #tpu.memory_space<vmem>>)
        tpu.yield
      }) : () -> ()
      %dma_start3A_45 = arith.constant 0 : i32
      %dma_start3A_46 = arith.constant 0 : i32
      %dma_start3A_47 = tpu.memref_slice %arg3[%dma_start3A_45, %dma_start3A_46] : memref<10000x256xf32, #tpu.memory_space<hbm>> -> memref<10000x256xf32, #tpu.memory_space<hbm>>
      tpu.enqueue_indirect_dma source(%dma_start3A_47 : memref<10000x256xf32, #tpu.memory_space<hbm>>) target(%arg11 : memref<128x256xf32, #tpu.memory_space<vmem>>) offsets(%arg9 : memref<128xi32, #tpu.memory_space<vmem>>) semaphore(%arg13 : memref<!tpu.dma_semaphore, #tpu.memory_space<semaphore_mem>>)
      %dma_wait3A_48 = arith.constant 0 : i32
      %dma_wait3A_49 = arith.constant 0 : i32
      %dma_wait3A_50 = tpu.memref_slice %arg3[%dma_wait3A_48, %dma_wait3A_49] : memref<10000x256xf32, #tpu.memory_space<hbm>> -> memref<10000x256xf32, #tpu.memory_space<hbm>>
      tpu.wait_indirect_dma semaphore(%arg13 : memref<!tpu.dma_semaphore, #tpu.memory_space<semaphore_mem>>) src(%dma_wait3A_50 : memref<10000x256xf32, #tpu.memory_space<hbm>>) dst(%arg11 : memref<128x256xf32, #tpu.memory_space<vmem>>)
      "tpu.region"() ({
        %run_scoped3A = tpu.sem_alloc : memref<!tpu.dma_semaphore, #tpu.memory_space<semaphore_mem>>
        %dma_start3A_52 = arith.constant 0 : i32
        %dma_start3A_53 = tpu.memref_slice %arg7[%mul3A_40, %dma_start3A_52] : memref<160000x256xf32, #tpu.memory_space<hbm>> -> memref<128x256xf32, #tpu.memory_space<hbm>>
        %dma_start3A_54 = arith.constant 0 : i32
        %dma_start3A_55 = tpu.memref_slice %arg7[%mul3A_40, %dma_start3A_54] : memref<160000x256xf32, #tpu.memory_space<hbm>> -> memref<128x256xf32, #tpu.memory_space<hbm>>
        tpu.enqueue_dma source(%arg11 : memref<128x256xf32, #tpu.memory_space<vmem>>) target(%dma_start3A_55 : memref<128x256xf32, #tpu.memory_space<hbm>>) target_semaphore(%run_scoped3A : memref<!tpu.dma_semaphore, #tpu.memory_space<semaphore_mem>>)
        %dma_wait3A_56 = arith.constant 0 : i32
        %dma_wait3A_57 = tpu.memref_slice %arg7[%mul3A_40, %dma_wait3A_56] : memref<160000x256xf32, #tpu.memory_space<hbm>> -> memref<128x256xf32, #tpu.memory_space<hbm>>
        %dma_wait3A_58 = arith.constant 0 : i32
        %dma_wait3A_59 = tpu.memref_slice %arg7[%mul3A_40, %dma_wait3A_58] : memref<160000x256xf32, #tpu.memory_space<hbm>> -> memref<128x256xf32, #tpu.memory_space<hbm>>
        tpu.wait_dma2 semaphore(%run_scoped3A : memref<!tpu.dma_semaphore, #tpu.memory_space<semaphore_mem>>) src(%arg11 : memref<128x256xf32, #tpu.memory_space<vmem>>) dst(%dma_wait3A_59 : memref<128x256xf32, #tpu.memory_space<hbm>>)
        tpu.yield
      }) : () -> ()
      %while3A_51 = arith.constant 0 : i32
      scf.yield %while3A_51 : i32
    }
    %while3A_32 = arith.constant 1 : i32
    %while3A_33 = scf.for %while3A_34 = %while3A_29 to %while3A_25 step %while3A_32 iter_args(%while3A_35 = %while3A_31) -> (i32)  : i32 {
      %mul3A_36 = arith.constant 32 : i32
      %mul3A_37 = arith.muli %while3A_34, %mul3A_36 : i32
      %add3A_38 = arith.addi %add3A, %mul3A_37 : i32
      %mul3A_39 = arith.constant 128 : i32
      %mul3A_40 = arith.muli %add3A_38, %mul3A_39 : i32
      "tpu.region"() ({
        %run_scoped3A = tpu.sem_alloc : memref<!tpu.dma_semaphore, #tpu.memory_space<semaphore_mem>>
        %dma_start3A_52 = tpu.memref_slice %arg4[%mul3A_40] : memref<160000xi32, #tpu.memory_space<hbm>> -> memref<128xi32, #tpu.memory_space<hbm>>
        %dma_start3A_53 = tpu.memref_slice %arg4[%mul3A_40] : memref<160000xi32, #tpu.memory_space<hbm>> -> memref<128xi32, #tpu.memory_space<hbm>>
        tpu.enqueue_dma source(%dma_start3A_53 : memref<128xi32, #tpu.memory_space<hbm>>) target(%arg8 : memref<128xi32, #tpu.memory_space<vmem>>) target_semaphore(%run_scoped3A : memref<!tpu.dma_semaphore, #tpu.memory_space<semaphore_mem>>)
        %dma_wait3A_54 = tpu.memref_slice %arg4[%mul3A_40] : memref<160000xi32, #tpu.memory_space<hbm>> -> memref<128xi32, #tpu.memory_space<hbm>>
        %dma_wait3A_55 = tpu.memref_slice %arg4[%mul3A_40] : memref<160000xi32, #tpu.memory_space<hbm>> -> memref<128xi32, #tpu.memory_space<hbm>>
        tpu.wait_dma2 semaphore(%run_scoped3A : memref<!tpu.dma_semaphore, #tpu.memory_space<semaphore_mem>>) src(%dma_wait3A_55 : memref<128xi32, #tpu.memory_space<hbm>>) dst(%arg8 : memref<128xi32, #tpu.memory_space<vmem>>)
        tpu.yield
      }) : () -> ()
      %dma_start3A = arith.constant 0 : i32
      %dma_start3A_41 = arith.constant 0 : i32
      %dma_start3A_42 = tpu.memref_slice %arg2[%dma_start3A, %dma_start3A_41] : memref<10000x256xf32, #tpu.memory_space<hbm>> -> memref<10000x256xf32, #tpu.memory_space<hbm>>
      tpu.enqueue_indirect_dma source(%dma_start3A_42 : memref<10000x256xf32, #tpu.memory_space<hbm>>) target(%arg10 : memref<128x256xf32, #tpu.memory_space<vmem>>) offsets(%arg8 : memref<128xi32, #tpu.memory_space<vmem>>) semaphore(%arg12 : memref<!tpu.dma_semaphore, #tpu.memory_space<semaphore_mem>>)
      %dma_wait3A = arith.constant 0 : i32
      %dma_wait3A_43 = arith.constant 0 : i32
      %dma_wait3A_44 = tpu.memref_slice %arg2[%dma_wait3A, %dma_wait3A_43] : memref<10000x256xf32, #tpu.memory_space<hbm>> -> memref<10000x256xf32, #tpu.memory_space<hbm>>
      tpu.wait_indirect_dma semaphore(%arg12 : memref<!tpu.dma_semaphore, #tpu.memory_space<semaphore_mem>>) src(%dma_wait3A_44 : memref<10000x256xf32, #tpu.memory_space<hbm>>) dst(%arg10 : memref<128x256xf32, #tpu.memory_space<vmem>>)
      "tpu.region"() ({
        %run_scoped3A = tpu.sem_alloc : memref<!tpu.dma_semaphore, #tpu.memory_space<semaphore_mem>>
        %dma_start3A_52 = arith.constant 0 : i32
        %dma_start3A_53 = tpu.memref_slice %arg6[%mul3A_40, %dma_start3A_52] : memref<160000x256xf32, #tpu.memory_space<hbm>> -> memref<128x256xf32, #tpu.memory_space<hbm>>
        %dma_start3A_54 = arith.constant 0 : i32
        %dma_start3A_55 = tpu.memref_slice %arg6[%mul3A_40, %dma_start3A_54] : memref<160000x256xf32, #tpu.memory_space<hbm>> -> memref<128x256xf32, #tpu.memory_space<hbm>>
        tpu.enqueue_dma source(%arg10 : memref<128x256xf32, #tpu.memory_space<vmem>>) target(%dma_start3A_55 : memref<128x256xf32, #tpu.memory_space<hbm>>) target_semaphore(%run_scoped3A : memref<!tpu.dma_semaphore, #tpu.memory_space<semaphore_mem>>)
        %dma_wait3A_56 = arith.constant 0 : i32
        %dma_wait3A_57 = tpu.memref_slice %arg6[%mul3A_40, %dma_wait3A_56] : memref<160000x256xf32, #tpu.memory_space<hbm>> -> memref<128x256xf32, #tpu.memory_space<hbm>>
        %dma_wait3A_58 = arith.constant 0 : i32
        %dma_wait3A_59 = tpu.memref_slice %arg6[%mul3A_40, %dma_wait3A_58] : memref<160000x256xf32, #tpu.memory_space<hbm>> -> memref<128x256xf32, #tpu.memory_space<hbm>>
        tpu.wait_dma2 semaphore(%run_scoped3A : memref<!tpu.dma_semaphore, #tpu.memory_space<semaphore_mem>>) src(%arg10 : memref<128x256xf32, #tpu.memory_space<vmem>>) dst(%dma_wait3A_59 : memref<128x256xf32, #tpu.memory_space<hbm>>)
        tpu.yield
      }) : () -> ()
      "tpu.region"() ({
        %run_scoped3A = tpu.sem_alloc : memref<!tpu.dma_semaphore, #tpu.memory_space<semaphore_mem>>
        %dma_start3A_52 = tpu.memref_slice %arg5[%mul3A_40] : memref<160000xi32, #tpu.memory_space<hbm>> -> memref<128xi32, #tpu.memory_space<hbm>>
        %dma_start3A_53 = tpu.memref_slice %arg5[%mul3A_40] : memref<160000xi32, #tpu.memory_space<hbm>> -> memref<128xi32, #tpu.memory_space<hbm>>
        tpu.enqueue_dma source(%dma_start3A_53 : memref<128xi32, #tpu.memory_space<hbm>>) target(%arg9 : memref<128xi32, #tpu.memory_space<vmem>>) target_semaphore(%run_scoped3A : memref<!tpu.dma_semaphore, #tpu.memory_space<semaphore_mem>>)
        %dma_wait3A_54 = tpu.memref_slice %arg5[%mul3A_40] : memref<160000xi32, #tpu.memory_space<hbm>> -> memref<128xi32, #tpu.memory_space<hbm>>
        %dma_wait3A_55 = tpu.memref_slice %arg5[%mul3A_40] : memref<160000xi32, #tpu.memory_space<hbm>> -> memref<128xi32, #tpu.memory_space<hbm>>
        tpu.wait_dma2 semaphore(%run_scoped3A : memref<!tpu.dma_semaphore, #tpu.memory_space<semaphore_mem>>) src(%dma_wait3A_55 : memref<128xi32, #tpu.memory_space<hbm>>) dst(%arg9 : memref<128xi32, #tpu.memory_space<vmem>>)
        tpu.yield
      }) : () -> ()
      %dma_start3A_45 = arith.constant 0 : i32
      %dma_start3A_46 = arith.constant 0 : i32
      %dma_start3A_47 = tpu.memref_slice %arg3[%dma_start3A_45, %dma_start3A_46] : memref<10000x256xf32, #tpu.memory_space<hbm>> -> memref<10000x256xf32, #tpu.memory_space<hbm>>
      tpu.enqueue_indirect_dma source(%dma_start3A_47 : memref<10000x256xf32, #tpu.memory_space<hbm>>) target(%arg11 : memref<128x256xf32, #tpu.memory_space<vmem>>) offsets(%arg9 : memref<128xi32, #tpu.memory_space<vmem>>) semaphore(%arg13 : memref<!tpu.dma_semaphore, #tpu.memory_space<semaphore_mem>>)
      %dma_wait3A_48 = arith.constant 0 : i32
      %dma_wait3A_49 = arith.constant 0 : i32
      %dma_wait3A_50 = tpu.memref_slice %arg3[%dma_wait3A_48, %dma_wait3A_49] : memref<10000x256xf32, #tpu.memory_space<hbm>> -> memref<10000x256xf32, #tpu.memory_space<hbm>>
      tpu.wait_indirect_dma semaphore(%arg13 : memref<!tpu.dma_semaphore, #tpu.memory_space<semaphore_mem>>) src(%dma_wait3A_50 : memref<10000x256xf32, #tpu.memory_space<hbm>>) dst(%arg11 : memref<128x256xf32, #tpu.memory_space<vmem>>)
      "tpu.region"() ({
        %run_scoped3A = tpu.sem_alloc : memref<!tpu.dma_semaphore, #tpu.memory_space<semaphore_mem>>
        %dma_start3A_52 = arith.constant 0 : i32
        %dma_start3A_53 = tpu.memref_slice %arg7[%mul3A_40, %dma_start3A_52] : memref<160000x256xf32, #tpu.memory_space<hbm>> -> memref<128x256xf32, #tpu.memory_space<hbm>>
        %dma_start3A_54 = arith.constant 0 : i32
        %dma_start3A_55 = tpu.memref_slice %arg7[%mul3A_40, %dma_start3A_54] : memref<160000x256xf32, #tpu.memory_space<hbm>> -> memref<128x256xf32, #tpu.memory_space<hbm>>
        tpu.enqueue_dma source(%arg11 : memref<128x256xf32, #tpu.memory_space<vmem>>) target(%dma_start3A_55 : memref<128x256xf32, #tpu.memory_space<hbm>>) target_semaphore(%run_scoped3A : memref<!tpu.dma_semaphore, #tpu.memory_space<semaphore_mem>>)
        %dma_wait3A_56 = arith.constant 0 : i32
        %dma_wait3A_57 = tpu.memref_slice %arg7[%mul3A_40, %dma_wait3A_56] : memref<160000x256xf32, #tpu.memory_space<hbm>> -> memref<128x256xf32, #tpu.memory_space<hbm>>
        %dma_wait3A_58 = arith.constant 0 : i32
        %dma_wait3A_59 = tpu.memref_slice %arg7[%mul3A_40, %dma_wait3A_58] : memref<160000x256xf32, #tpu.memory_space<hbm>> -> memref<128x256xf32, #tpu.memory_space<hbm>>
        tpu.wait_dma2 semaphore(%run_scoped3A : memref<!tpu.dma_semaphore, #tpu.memory_space<semaphore_mem>>) src(%arg11 : memref<128x256xf32, #tpu.memory_space<vmem>>) dst(%dma_wait3A_59 : memref<128x256xf32, #tpu.memory_space<hbm>>)
        tpu.yield
      }) : () -> ()
      %while3A_51 = arith.constant 0 : i32
      scf.yield %while3A_51 : i32
    }
    return
  }
}

#map = affine_map<(d0, d1) -> (0, 0)>
#map1 = affine_map<(d0, d1) -> (0)>
module attributes {stable_mosaic.version = 14 : i64} {
  func.func @_segsum_body(%arg0: i32, %arg1: i32, %arg2: memref<320000x128xf32, #tpu.memory_space<hbm>>, %arg3: memref<160000xi32, #tpu.memory_space<hbm>>, %arg4: memref<10240x128xf32, #tpu.memory_space<hbm>>, %arg5: memref<20480x128xf32, #tpu.memory_space<hbm>>, %arg6: memref<128xi32, #tpu.memory_space<vmem>>, %arg7: memref<128x128xf32, #tpu.memory_space<vmem>>, %arg8: memref<10240x128xf32, #tpu.memory_space<vmem_shared>>, %arg9: memref<!tpu.dma_semaphore, #tpu.memory_space<semaphore_mem>>) attributes {dimension_semantics = [#tpu.dimension_semantics<core_parallel>, #tpu.dimension_semantics<subcore_parallel>], iteration_bounds = array<i64: 2, 16>, scalar_prefetch = 0 : i64, scratch_operands = 4 : i64, tpu.core_type = #tpu.core_type<sc_vector_subcore>, window_params = [{transform_indices = #map}, {transform_indices = #map1}, {transform_indices = #map}, {transform_indices = #map}]} {
    %mul3A = arith.constant 160000 : i32
    %mul3A_0 = arith.muli %arg0, %mul3A : i32
    %sub3A = arith.constant 1250 : i32
    %sub3A_1 = arith.subi %sub3A, %arg1 : i32
    %add3A = arith.constant 15 : i32
    %add3A_2 = arith.addi %sub3A_1, %add3A : i32
    %jit3A = arith.constant 16 : i32
    %div3A = arith.divsi %add3A_2, %jit3A : i32
    %sign3A = arith.constant 0 : i32
    %sign3A_3 = arith.cmpi sgt, %add3A_2, %sign3A : i32
    %sign3A_4 = arith.extui %sign3A_3 : i1 to i32
    %sign3A_5 = arith.constant 0 : i32
    %sign3A_6 = arith.cmpi slt, %add3A_2, %sign3A_5 : i32
    %sign3A_7 = arith.extui %sign3A_6 : i1 to i32
    %sign3A_8 = arith.subi %sign3A_4, %sign3A_7 : i32
    %sign3A_9 = arith.constant 0 : i32
    %sign3A_10 = arith.cmpi sgt, %jit3A, %sign3A_9 : i32
    %sign3A_11 = arith.extui %sign3A_10 : i1 to i32
    %sign3A_12 = arith.constant 0 : i32
    %sign3A_13 = arith.cmpi slt, %jit3A, %sign3A_12 : i32
    %sign3A_14 = arith.extui %sign3A_13 : i1 to i32
    %sign3A_15 = arith.subi %sign3A_11, %sign3A_14 : i32
    %ne3A = arith.cmpi ne, %sign3A_8, %sign3A_15 : i32
    %rem3A = arith.remsi %add3A_2, %jit3A : i32
    %ne3A_16 = arith.constant 0 : i32
    %ne3A_17 = arith.cmpi ne, %rem3A, %ne3A_16 : i32
    %and3A = arith.andi %ne3A, %ne3A_17 : i1
    %sub3A_18 = arith.constant 1 : i32
    %sub3A_19 = arith.subi %div3A, %sub3A_18 : i32
    %select_n3A = arith.select %and3A, %sub3A_19, %div3A : i32
    %eq3A = arith.constant 0 : i32
    %eq3A_20 = arith.cmpi eq, %arg1, %eq3A : i32
    %convert_element_type3A = arith.extui %eq3A_20 : i1 to i32
    %cond3A = arith.constant 0 : i32
    %cond3A_21 = arith.cmpi ne, %convert_element_type3A, %cond3A : i32
    scf.if %cond3A_21 {
      "tpu.region"() ({
        %run_scoped3A = tpu.sem_alloc : memref<!tpu.dma_semaphore, #tpu.memory_space<semaphore_mem>>
        tpu.enqueue_dma source(%arg4 : memref<10240x128xf32, #tpu.memory_space<hbm>>) target(%arg8 : memref<10240x128xf32, #tpu.memory_space<vmem_shared>>) target_semaphore(%run_scoped3A : memref<!tpu.dma_semaphore, #tpu.memory_space<semaphore_mem>>)
        tpu.wait_dma2 semaphore(%run_scoped3A : memref<!tpu.dma_semaphore, #tpu.memory_space<semaphore_mem>>) src(%arg4 : memref<10240x128xf32, #tpu.memory_space<hbm>>) dst(%arg8 : memref<10240x128xf32, #tpu.memory_space<vmem_shared>>)
        tpu.yield
      }) : () -> ()
    } else {
    }
    %barrier3A = arith.constant 0 : index
    tpu.barrier barrier_id(%barrier3A)
    %while3A = arith.constant 0 : i32
    %while3A_22 = arith.constant 0 : i32
    %while3A_23 = arith.subi %select_n3A, %while3A : i32
    %while3A_24 = arith.addi %while3A, %while3A_23 : i32
    %while3A_25 = arith.constant 1 : i32
    %while3A_26 = arith.divsi %while3A_23, %while3A_25 : i32
    %while3A_27 = arith.muli %while3A_26, %while3A_25 : i32
    %while3A_28 = arith.addi %while3A, %while3A_27 : i32
    %while3A_29 = arith.constant 1 : i32
    %while3A_30 = scf.for %while3A_41 = %while3A to %while3A_28 step %while3A_29 iter_args(%while3A_42 = %while3A_22) -> (i32)  : i32 {
      %mul3A_43 = arith.constant 16 : i32
      %mul3A_44 = arith.muli %while3A_41, %mul3A_43 : i32
      %add3A_45 = arith.addi %arg1, %mul3A_44 : i32
      %mul3A_46 = arith.constant 128 : i32
      %mul3A_47 = arith.muli %add3A_45, %mul3A_46 : i32
      "tpu.region"() ({
        %run_scoped3A = tpu.sem_alloc : memref<!tpu.dma_semaphore, #tpu.memory_space<semaphore_mem>>
        %dma_start3A = tpu.memref_slice %arg3[%mul3A_47] : memref<160000xi32, #tpu.memory_space<hbm>> -> memref<128xi32, #tpu.memory_space<hbm>>
        %dma_start3A_50 = tpu.memref_slice %arg3[%mul3A_47] : memref<160000xi32, #tpu.memory_space<hbm>> -> memref<128xi32, #tpu.memory_space<hbm>>
        tpu.enqueue_dma source(%dma_start3A_50 : memref<128xi32, #tpu.memory_space<hbm>>) target(%arg6 : memref<128xi32, #tpu.memory_space<vmem>>) target_semaphore(%run_scoped3A : memref<!tpu.dma_semaphore, #tpu.memory_space<semaphore_mem>>)
        %dma_wait3A = tpu.memref_slice %arg3[%mul3A_47] : memref<160000xi32, #tpu.memory_space<hbm>> -> memref<128xi32, #tpu.memory_space<hbm>>
        %dma_wait3A_51 = tpu.memref_slice %arg3[%mul3A_47] : memref<160000xi32, #tpu.memory_space<hbm>> -> memref<128xi32, #tpu.memory_space<hbm>>
        tpu.wait_dma2 semaphore(%run_scoped3A : memref<!tpu.dma_semaphore, #tpu.memory_space<semaphore_mem>>) src(%dma_wait3A_51 : memref<128xi32, #tpu.memory_space<hbm>>) dst(%arg6 : memref<128xi32, #tpu.memory_space<vmem>>)
        tpu.yield
      }) : () -> ()
      %add3A_48 = arith.addi %mul3A_0, %mul3A_47 : i32
      "tpu.region"() ({
        %run_scoped3A = tpu.sem_alloc : memref<!tpu.dma_semaphore, #tpu.memory_space<semaphore_mem>>
        %dma_start3A = arith.constant 0 : i32
        %dma_start3A_50 = tpu.memref_slice %arg2[%add3A_48, %dma_start3A] : memref<320000x128xf32, #tpu.memory_space<hbm>> -> memref<128x128xf32, #tpu.memory_space<hbm>>
        %dma_start3A_51 = arith.constant 0 : i32
        %dma_start3A_52 = tpu.memref_slice %arg2[%add3A_48, %dma_start3A_51] : memref<320000x128xf32, #tpu.memory_space<hbm>> -> memref<128x128xf32, #tpu.memory_space<hbm>>
        tpu.enqueue_dma source(%dma_start3A_52 : memref<128x128xf32, #tpu.memory_space<hbm>>) target(%arg7 : memref<128x128xf32, #tpu.memory_space<vmem>>) target_semaphore(%run_scoped3A : memref<!tpu.dma_semaphore, #tpu.memory_space<semaphore_mem>>)
        %dma_wait3A = arith.constant 0 : i32
        %dma_wait3A_53 = tpu.memref_slice %arg2[%add3A_48, %dma_wait3A] : memref<320000x128xf32, #tpu.memory_space<hbm>> -> memref<128x128xf32, #tpu.memory_space<hbm>>
        %dma_wait3A_54 = arith.constant 0 : i32
        %dma_wait3A_55 = tpu.memref_slice %arg2[%add3A_48, %dma_wait3A_54] : memref<320000x128xf32, #tpu.memory_space<hbm>> -> memref<128x128xf32, #tpu.memory_space<hbm>>
        tpu.wait_dma2 semaphore(%run_scoped3A : memref<!tpu.dma_semaphore, #tpu.memory_space<semaphore_mem>>) src(%dma_wait3A_55 : memref<128x128xf32, #tpu.memory_space<hbm>>) dst(%arg7 : memref<128x128xf32, #tpu.memory_space<vmem>>)
        tpu.yield
      }) : () -> ()
      "tpu.region"() ({
        %run_scoped3A = tpu.sem_alloc : memref<!tpu.dma_semaphore, #tpu.memory_space<semaphore_mem>>
        %dma_start3A = arith.constant 0 : i32
        %dma_start3A_50 = arith.constant 0 : i32
        %dma_start3A_51 = tpu.memref_slice %arg8[%dma_start3A, %dma_start3A_50] : memref<10240x128xf32, #tpu.memory_space<vmem_shared>> -> memref<10240x128xf32, #tpu.memory_space<vmem_shared>>
        tpu.enqueue_indirect_dma source(%arg7 : memref<128x128xf32, #tpu.memory_space<vmem>>) target(%dma_start3A_51 : memref<10240x128xf32, #tpu.memory_space<vmem_shared>>) offsets(%arg6 : memref<128xi32, #tpu.memory_space<vmem>>) semaphore(%run_scoped3A : memref<!tpu.dma_semaphore, #tpu.memory_space<semaphore_mem>>) {add = true}
        %dma_wait3A = arith.constant 0 : i32
        %dma_wait3A_52 = arith.constant 0 : i32
        %dma_wait3A_53 = tpu.memref_slice %arg8[%dma_wait3A, %dma_wait3A_52] : memref<10240x128xf32, #tpu.memory_space<vmem_shared>> -> memref<10240x128xf32, #tpu.memory_space<vmem_shared>>
        tpu.wait_indirect_dma semaphore(%run_scoped3A : memref<!tpu.dma_semaphore, #tpu.memory_space<semaphore_mem>>) src(%arg7 : memref<128x128xf32, #tpu.memory_space<vmem>>) dst(%dma_wait3A_53 : memref<10240x128xf32, #tpu.memory_space<vmem_shared>>)
        tpu.yield
      }) : () -> ()
      %while3A_49 = arith.constant 0 : i32
      scf.yield %while3A_49 : i32
    }
    %while3A_31 = arith.constant 1 : i32
    %while3A_32 = scf.for %while3A_41 = %while3A_28 to %while3A_24 step %while3A_31 iter_args(%while3A_42 = %while3A_30) -> (i32)  : i32 {
      %mul3A_43 = arith.constant 16 : i32
      %mul3A_44 = arith.muli %while3A_41, %mul3A_43 : i32
      %add3A_45 = arith.addi %arg1, %mul3A_44 : i32
      %mul3A_46 = arith.constant 128 : i32
      %mul3A_47 = arith.muli %add3A_45, %mul3A_46 : i32
      "tpu.region"() ({
        %run_scoped3A = tpu.sem_alloc : memref<!tpu.dma_semaphore, #tpu.memory_space<semaphore_mem>>
        %dma_start3A = tpu.memref_slice %arg3[%mul3A_47] : memref<160000xi32, #tpu.memory_space<hbm>> -> memref<128xi32, #tpu.memory_space<hbm>>
        %dma_start3A_50 = tpu.memref_slice %arg3[%mul3A_47] : memref<160000xi32, #tpu.memory_space<hbm>> -> memref<128xi32, #tpu.memory_space<hbm>>
        tpu.enqueue_dma source(%dma_start3A_50 : memref<128xi32, #tpu.memory_space<hbm>>) target(%arg6 : memref<128xi32, #tpu.memory_space<vmem>>) target_semaphore(%run_scoped3A : memref<!tpu.dma_semaphore, #tpu.memory_space<semaphore_mem>>)
        %dma_wait3A = tpu.memref_slice %arg3[%mul3A_47] : memref<160000xi32, #tpu.memory_space<hbm>> -> memref<128xi32, #tpu.memory_space<hbm>>
        %dma_wait3A_51 = tpu.memref_slice %arg3[%mul3A_47] : memref<160000xi32, #tpu.memory_space<hbm>> -> memref<128xi32, #tpu.memory_space<hbm>>
        tpu.wait_dma2 semaphore(%run_scoped3A : memref<!tpu.dma_semaphore, #tpu.memory_space<semaphore_mem>>) src(%dma_wait3A_51 : memref<128xi32, #tpu.memory_space<hbm>>) dst(%arg6 : memref<128xi32, #tpu.memory_space<vmem>>)
        tpu.yield
      }) : () -> ()
      %add3A_48 = arith.addi %mul3A_0, %mul3A_47 : i32
      "tpu.region"() ({
        %run_scoped3A = tpu.sem_alloc : memref<!tpu.dma_semaphore, #tpu.memory_space<semaphore_mem>>
        %dma_start3A = arith.constant 0 : i32
        %dma_start3A_50 = tpu.memref_slice %arg2[%add3A_48, %dma_start3A] : memref<320000x128xf32, #tpu.memory_space<hbm>> -> memref<128x128xf32, #tpu.memory_space<hbm>>
        %dma_start3A_51 = arith.constant 0 : i32
        %dma_start3A_52 = tpu.memref_slice %arg2[%add3A_48, %dma_start3A_51] : memref<320000x128xf32, #tpu.memory_space<hbm>> -> memref<128x128xf32, #tpu.memory_space<hbm>>
        tpu.enqueue_dma source(%dma_start3A_52 : memref<128x128xf32, #tpu.memory_space<hbm>>) target(%arg7 : memref<128x128xf32, #tpu.memory_space<vmem>>) target_semaphore(%run_scoped3A : memref<!tpu.dma_semaphore, #tpu.memory_space<semaphore_mem>>)
        %dma_wait3A = arith.constant 0 : i32
        %dma_wait3A_53 = tpu.memref_slice %arg2[%add3A_48, %dma_wait3A] : memref<320000x128xf32, #tpu.memory_space<hbm>> -> memref<128x128xf32, #tpu.memory_space<hbm>>
        %dma_wait3A_54 = arith.constant 0 : i32
        %dma_wait3A_55 = tpu.memref_slice %arg2[%add3A_48, %dma_wait3A_54] : memref<320000x128xf32, #tpu.memory_space<hbm>> -> memref<128x128xf32, #tpu.memory_space<hbm>>
        tpu.wait_dma2 semaphore(%run_scoped3A : memref<!tpu.dma_semaphore, #tpu.memory_space<semaphore_mem>>) src(%dma_wait3A_55 : memref<128x128xf32, #tpu.memory_space<hbm>>) dst(%arg7 : memref<128x128xf32, #tpu.memory_space<vmem>>)
        tpu.yield
      }) : () -> ()
      "tpu.region"() ({
        %run_scoped3A = tpu.sem_alloc : memref<!tpu.dma_semaphore, #tpu.memory_space<semaphore_mem>>
        %dma_start3A = arith.constant 0 : i32
        %dma_start3A_50 = arith.constant 0 : i32
        %dma_start3A_51 = tpu.memref_slice %arg8[%dma_start3A, %dma_start3A_50] : memref<10240x128xf32, #tpu.memory_space<vmem_shared>> -> memref<10240x128xf32, #tpu.memory_space<vmem_shared>>
        tpu.enqueue_indirect_dma source(%arg7 : memref<128x128xf32, #tpu.memory_space<vmem>>) target(%dma_start3A_51 : memref<10240x128xf32, #tpu.memory_space<vmem_shared>>) offsets(%arg6 : memref<128xi32, #tpu.memory_space<vmem>>) semaphore(%run_scoped3A : memref<!tpu.dma_semaphore, #tpu.memory_space<semaphore_mem>>) {add = true}
        %dma_wait3A = arith.constant 0 : i32
        %dma_wait3A_52 = arith.constant 0 : i32
        %dma_wait3A_53 = tpu.memref_slice %arg8[%dma_wait3A, %dma_wait3A_52] : memref<10240x128xf32, #tpu.memory_space<vmem_shared>> -> memref<10240x128xf32, #tpu.memory_space<vmem_shared>>
        tpu.wait_indirect_dma semaphore(%run_scoped3A : memref<!tpu.dma_semaphore, #tpu.memory_space<semaphore_mem>>) src(%arg7 : memref<128x128xf32, #tpu.memory_space<vmem>>) dst(%dma_wait3A_53 : memref<10240x128xf32, #tpu.memory_space<vmem_shared>>)
        tpu.yield
      }) : () -> ()
      %while3A_49 = arith.constant 0 : i32
      scf.yield %while3A_49 : i32
    }
    %barrier3A_33 = arith.constant 0 : index
    tpu.barrier barrier_id(%barrier3A_33)
    %mul3A_34 = arith.constant 640 : i32
    %mul3A_35 = arith.muli %arg1, %mul3A_34 : i32
    %mul3A_36 = arith.constant 10240 : i32
    %mul3A_37 = arith.muli %arg0, %mul3A_36 : i32
    %mul3A_38 = arith.constant 640 : i32
    %mul3A_39 = arith.muli %arg1, %mul3A_38 : i32
    %add3A_40 = arith.addi %mul3A_37, %mul3A_39 : i32
    "tpu.region"() ({
      %run_scoped3A = tpu.sem_alloc : memref<!tpu.dma_semaphore, #tpu.memory_space<semaphore_mem>>
      %dma_start3A = arith.constant 0 : i32
      %dma_start3A_41 = tpu.memref_slice %arg5[%add3A_40, %dma_start3A] : memref<20480x128xf32, #tpu.memory_space<hbm>> -> memref<640x128xf32, #tpu.memory_space<hbm>>
      %dma_start3A_42 = arith.constant 0 : i32
      %dma_start3A_43 = tpu.memref_slice %arg8[%mul3A_35, %dma_start3A_42] : memref<10240x128xf32, #tpu.memory_space<vmem_shared>> -> memref<640x128xf32, #tpu.memory_space<vmem_shared>>
      tpu.enqueue_dma source(%dma_start3A_43 : memref<640x128xf32, #tpu.memory_space<vmem_shared>>) target(%dma_start3A_41 : memref<640x128xf32, #tpu.memory_space<hbm>>) target_semaphore(%run_scoped3A : memref<!tpu.dma_semaphore, #tpu.memory_space<semaphore_mem>>)
      %dma_wait3A = arith.constant 0 : i32
      %dma_wait3A_44 = tpu.memref_slice %arg5[%add3A_40, %dma_wait3A] : memref<20480x128xf32, #tpu.memory_space<hbm>> -> memref<640x128xf32, #tpu.memory_space<hbm>>
      %dma_wait3A_45 = arith.constant 0 : i32
      %dma_wait3A_46 = tpu.memref_slice %arg8[%mul3A_35, %dma_wait3A_45] : memref<10240x128xf32, #tpu.memory_space<vmem_shared>> -> memref<640x128xf32, #tpu.memory_space<vmem_shared>>
      tpu.wait_dma2 semaphore(%run_scoped3A : memref<!tpu.dma_semaphore, #tpu.memory_space<semaphore_mem>>) src(%dma_wait3A_46 : memref<640x128xf32, #tpu.memory_space<vmem_shared>>) dst(%dma_wait3A_44 : memref<640x128xf32, #tpu.memory_space<hbm>>)
      tpu.yield
    }) : () -> ()
    return
  }
}

#map = affine_map<(d0, d1) -> (0, 0)>
#map1 = affine_map<(d0, d1) -> (0)>
module attributes {stable_mosaic.version = 14 : i64} {
  func.func @_msg_body(%arg0: i32, %arg1: i32, %arg2: memref<20000x128xf32, #tpu.memory_space<hbm>>, %arg3: memref<320000x128xf32, #tpu.memory_space<hbm>>, %arg4: memref<160000xi32, #tpu.memory_space<hbm>>, %arg5: memref<160000xi32, #tpu.memory_space<hbm>>, %arg6: memref<10240x128xf32, #tpu.memory_space<hbm>>, %arg7: memref<20480x128xf32, #tpu.memory_space<hbm>>, %arg8: memref<128xi32, #tpu.memory_space<vmem>>, %arg9: memref<128xi32, #tpu.memory_space<vmem>>, %arg10: memref<128x128xf32, #tpu.memory_space<vmem>>, %arg11: memref<128x128xf32, #tpu.memory_space<vmem>>, %arg12: memref<10240x128xf32, #tpu.memory_space<vmem_shared>>, %arg13: memref<!tpu.dma_semaphore, #tpu.memory_space<semaphore_mem>>) attributes {dimension_semantics = [#tpu.dimension_semantics<core_parallel>, #tpu.dimension_semantics<subcore_parallel>], iteration_bounds = array<i64: 2, 16>, scalar_prefetch = 0 : i64, scratch_operands = 6 : i64, tpu.core_type = #tpu.core_type<sc_vector_subcore>, window_params = [{transform_indices = #map}, {transform_indices = #map}, {transform_indices = #map1}, {transform_indices = #map1}, {transform_indices = #map}, {transform_indices = #map}]} {
    %mul3A = arith.constant 10000 : i32
    %mul3A_0 = arith.muli %arg0, %mul3A : i32
    %mul3A_1 = arith.constant 160000 : i32
    %mul3A_2 = arith.muli %arg0, %mul3A_1 : i32
    %sub3A = arith.constant 1250 : i32
    %sub3A_3 = arith.subi %sub3A, %arg1 : i32
    %add3A = arith.constant 15 : i32
    %add3A_4 = arith.addi %sub3A_3, %add3A : i32
    %jit3A = arith.constant 16 : i32
    %div3A = arith.divsi %add3A_4, %jit3A : i32
    %sign3A = arith.constant 0 : i32
    %sign3A_5 = arith.cmpi sgt, %add3A_4, %sign3A : i32
    %sign3A_6 = arith.extui %sign3A_5 : i1 to i32
    %sign3A_7 = arith.constant 0 : i32
    %sign3A_8 = arith.cmpi slt, %add3A_4, %sign3A_7 : i32
    %sign3A_9 = arith.extui %sign3A_8 : i1 to i32
    %sign3A_10 = arith.subi %sign3A_6, %sign3A_9 : i32
    %sign3A_11 = arith.constant 0 : i32
    %sign3A_12 = arith.cmpi sgt, %jit3A, %sign3A_11 : i32
    %sign3A_13 = arith.extui %sign3A_12 : i1 to i32
    %sign3A_14 = arith.constant 0 : i32
    %sign3A_15 = arith.cmpi slt, %jit3A, %sign3A_14 : i32
    %sign3A_16 = arith.extui %sign3A_15 : i1 to i32
    %sign3A_17 = arith.subi %sign3A_13, %sign3A_16 : i32
    %ne3A = arith.cmpi ne, %sign3A_10, %sign3A_17 : i32
    %rem3A = arith.remsi %add3A_4, %jit3A : i32
    %ne3A_18 = arith.constant 0 : i32
    %ne3A_19 = arith.cmpi ne, %rem3A, %ne3A_18 : i32
    %and3A = arith.andi %ne3A, %ne3A_19 : i1
    %sub3A_20 = arith.constant 1 : i32
    %sub3A_21 = arith.subi %div3A, %sub3A_20 : i32
    %select_n3A = arith.select %and3A, %sub3A_21, %div3A : i32
    %eq3A = arith.constant 0 : i32
    %eq3A_22 = arith.cmpi eq, %arg1, %eq3A : i32
    %convert_element_type3A = arith.extui %eq3A_22 : i1 to i32
    %cond3A = arith.constant 0 : i32
    %cond3A_23 = arith.cmpi ne, %convert_element_type3A, %cond3A : i32
    scf.if %cond3A_23 {
      "tpu.region"() ({
        %run_scoped3A = tpu.sem_alloc : memref<!tpu.dma_semaphore, #tpu.memory_space<semaphore_mem>>
        tpu.enqueue_dma source(%arg6 : memref<10240x128xf32, #tpu.memory_space<hbm>>) target(%arg12 : memref<10240x128xf32, #tpu.memory_space<vmem_shared>>) target_semaphore(%run_scoped3A : memref<!tpu.dma_semaphore, #tpu.memory_space<semaphore_mem>>)
        tpu.wait_dma2 semaphore(%run_scoped3A : memref<!tpu.dma_semaphore, #tpu.memory_space<semaphore_mem>>) src(%arg6 : memref<10240x128xf32, #tpu.memory_space<hbm>>) dst(%arg12 : memref<10240x128xf32, #tpu.memory_space<vmem_shared>>)
        tpu.yield
      }) : () -> ()
    } else {
    }
    %barrier3A = arith.constant 0 : index
    tpu.barrier barrier_id(%barrier3A)
    %while3A = arith.constant 0 : i32
    %while3A_24 = arith.constant 0 : i32
    %while3A_25 = arith.subi %select_n3A, %while3A : i32
    %while3A_26 = arith.addi %while3A, %while3A_25 : i32
    %while3A_27 = arith.constant 1 : i32
    %while3A_28 = arith.divsi %while3A_25, %while3A_27 : i32
    %while3A_29 = arith.muli %while3A_28, %while3A_27 : i32
    %while3A_30 = arith.addi %while3A, %while3A_29 : i32
    %while3A_31 = arith.constant 1 : i32
    %while3A_32 = scf.for %while3A_43 = %while3A to %while3A_30 step %while3A_31 iter_args(%while3A_44 = %while3A_24) -> (i32)  : i32 {
      %mul3A_45 = arith.constant 16 : i32
      %mul3A_46 = arith.muli %while3A_43, %mul3A_45 : i32
      %add3A_47 = arith.addi %arg1, %mul3A_46 : i32
      %mul3A_48 = arith.constant 128 : i32
      %mul3A_49 = arith.muli %add3A_47, %mul3A_48 : i32
      "tpu.region"() ({
        %run_scoped3A = tpu.sem_alloc : memref<!tpu.dma_semaphore, #tpu.memory_space<semaphore_mem>>
        %dma_start3A_132 = tpu.memref_slice %arg4[%mul3A_49] : memref<160000xi32, #tpu.memory_space<hbm>> -> memref<128xi32, #tpu.memory_space<hbm>>
        %dma_start3A_133 = tpu.memref_slice %arg4[%mul3A_49] : memref<160000xi32, #tpu.memory_space<hbm>> -> memref<128xi32, #tpu.memory_space<hbm>>
        tpu.enqueue_dma source(%dma_start3A_133 : memref<128xi32, #tpu.memory_space<hbm>>) target(%arg8 : memref<128xi32, #tpu.memory_space<vmem>>) target_semaphore(%run_scoped3A : memref<!tpu.dma_semaphore, #tpu.memory_space<semaphore_mem>>)
        %dma_wait3A_134 = tpu.memref_slice %arg4[%mul3A_49] : memref<160000xi32, #tpu.memory_space<hbm>> -> memref<128xi32, #tpu.memory_space<hbm>>
        %dma_wait3A_135 = tpu.memref_slice %arg4[%mul3A_49] : memref<160000xi32, #tpu.memory_space<hbm>> -> memref<128xi32, #tpu.memory_space<hbm>>
        tpu.wait_dma2 semaphore(%run_scoped3A : memref<!tpu.dma_semaphore, #tpu.memory_space<semaphore_mem>>) src(%dma_wait3A_135 : memref<128xi32, #tpu.memory_space<hbm>>) dst(%arg8 : memref<128xi32, #tpu.memory_space<vmem>>)
        tpu.yield
      }) : () -> ()
      "tpu.region"() ({
        %run_scoped3A = tpu.sem_alloc : memref<!tpu.dma_semaphore, #tpu.memory_space<semaphore_mem>>
        %dma_start3A_132 = tpu.memref_slice %arg5[%mul3A_49] : memref<160000xi32, #tpu.memory_space<hbm>> -> memref<128xi32, #tpu.memory_space<hbm>>
        %dma_start3A_133 = tpu.memref_slice %arg5[%mul3A_49] : memref<160000xi32, #tpu.memory_space<hbm>> -> memref<128xi32, #tpu.memory_space<hbm>>
        tpu.enqueue_dma source(%dma_start3A_133 : memref<128xi32, #tpu.memory_space<hbm>>) target(%arg9 : memref<128xi32, #tpu.memory_space<vmem>>) target_semaphore(%run_scoped3A : memref<!tpu.dma_semaphore, #tpu.memory_space<semaphore_mem>>)
        %dma_wait3A_134 = tpu.memref_slice %arg5[%mul3A_49] : memref<160000xi32, #tpu.memory_space<hbm>> -> memref<128xi32, #tpu.memory_space<hbm>>
        %dma_wait3A_135 = tpu.memref_slice %arg5[%mul3A_49] : memref<160000xi32, #tpu.memory_space<hbm>> -> memref<128xi32, #tpu.memory_space<hbm>>
        tpu.wait_dma2 semaphore(%run_scoped3A : memref<!tpu.dma_semaphore, #tpu.memory_space<semaphore_mem>>) src(%dma_wait3A_135 : memref<128xi32, #tpu.memory_space<hbm>>) dst(%arg9 : memref<128xi32, #tpu.memory_space<vmem>>)
        tpu.yield
      }) : () -> ()
      %get3A = arith.constant 0 : index
      %get3A_50 = tpu.vector_load %arg9[%get3A] {strides = array<i32>} : memref<128xi32, #tpu.memory_space<vmem>>, vector<16xi32>,
      %get3A_51 = vector.shape_cast %get3A_50 : vector<16xi32> to vector<16xi32>
      %add3A_52 = vector.broadcast %mul3A_0 : i32 to vector<16xi32>
      %add3A_53 = arith.addi %get3A_51, %add3A_52 : vector<16xi32>
      %swap3A = arith.constant 0 : index
      %swap3A_54 = tpu.vector_load %arg9[%swap3A] {strides = array<i32>} : memref<128xi32, #tpu.memory_space<vmem>>, vector<16xi32>,
      %swap3A_55 = vector.shape_cast %swap3A_54 : vector<16xi32> to vector<16xi32>
      %swap3A_56 = vector.shape_cast %add3A_53 : vector<16xi32> to vector<16xi32>
      tpu.vector_store %arg9[%swap3A], %swap3A_56 {strides = array<i32>} : memref<128xi32, #tpu.memory_space<vmem>>, vector<16xi32>,
      %get3A_57 = arith.constant 16 : index
      %get3A_58 = tpu.vector_load %arg9[%get3A_57] {strides = array<i32>} : memref<128xi32, #tpu.memory_space<vmem>>, vector<16xi32>,
      %get3A_59 = vector.shape_cast %get3A_58 : vector<16xi32> to vector<16xi32>
      %add3A_60 = vector.broadcast %mul3A_0 : i32 to vector<16xi32>
      %add3A_61 = arith.addi %get3A_59, %add3A_60 : vector<16xi32>
      %swap3A_62 = arith.constant 16 : index
      %swap3A_63 = tpu.vector_load %arg9[%swap3A_62] {strides = array<i32>} : memref<128xi32, #tpu.memory_space<vmem>>, vector<16xi32>,
      %swap3A_64 = vector.shape_cast %swap3A_63 : vector<16xi32> to vector<16xi32>
      %swap3A_65 = vector.shape_cast %add3A_61 : vector<16xi32> to vector<16xi32>
      tpu.vector_store %arg9[%swap3A_62], %swap3A_65 {strides = array<i32>} : memref<128xi32, #tpu.memory_space<vmem>>, vector<16xi32>,
      %get3A_66 = arith.constant 32 : index
      %get3A_67 = tpu.vector_load %arg9[%get3A_66] {strides = array<i32>} : memref<128xi32, #tpu.memory_space<vmem>>, vector<16xi32>,
      %get3A_68 = vector.shape_cast %get3A_67 : vector<16xi32> to vector<16xi32>
      %add3A_69 = vector.broadcast %mul3A_0 : i32 to vector<16xi32>
      %add3A_70 = arith.addi %get3A_68, %add3A_69 : vector<16xi32>
      %swap3A_71 = arith.constant 32 : index
      %swap3A_72 = tpu.vector_load %arg9[%swap3A_71] {strides = array<i32>} : memref<128xi32, #tpu.memory_space<vmem>>, vector<16xi32>,
      %swap3A_73 = vector.shape_cast %swap3A_72 : vector<16xi32> to vector<16xi32>
      %swap3A_74 = vector.shape_cast %add3A_70 : vector<16xi32> to vector<16xi32>
      tpu.vector_store %arg9[%swap3A_71], %swap3A_74 {strides = array<i32>} : memref<128xi32, #tpu.memory_space<vmem>>, vector<16xi32>,
      %get3A_75 = arith.constant 48 : index
      %get3A_76 = tpu.vector_load %arg9[%get3A_75] {strides = array<i32>} : memref<128xi32, #tpu.memory_space<vmem>>, vector<16xi32>,
      %get3A_77 = vector.shape_cast %get3A_76 : vector<16xi32> to vector<16xi32>
      %add3A_78 = vector.broadcast %mul3A_0 : i32 to vector<16xi32>
      %add3A_79 = arith.addi %get3A_77, %add3A_78 : vector<16xi32>
      %swap3A_80 = arith.constant 48 : index
      %swap3A_81 = tpu.vector_load %arg9[%swap3A_80] {strides = array<i32>} : memref<128xi32, #tpu.memory_space<vmem>>, vector<16xi32>,
      %swap3A_82 = vector.shape_cast %swap3A_81 : vector<16xi32> to vector<16xi32>
      %swap3A_83 = vector.shape_cast %add3A_79 : vector<16xi32> to vector<16xi32>
      tpu.vector_store %arg9[%swap3A_80], %swap3A_83 {strides = array<i32>} : memref<128xi32, #tpu.memory_space<vmem>>, vector<16xi32>,
      %get3A_84 = arith.constant 64 : index
      %get3A_85 = tpu.vector_load %arg9[%get3A_84] {strides = array<i32>} : memref<128xi32, #tpu.memory_space<vmem>>, vector<16xi32>,
      %get3A_86 = vector.shape_cast %get3A_85 : vector<16xi32> to vector<16xi32>
      %add3A_87 = vector.broadcast %mul3A_0 : i32 to vector<16xi32>
      %add3A_88 = arith.addi %get3A_86, %add3A_87 : vector<16xi32>
      %swap3A_89 = arith.constant 64 : index
      %swap3A_90 = tpu.vector_load %arg9[%swap3A_89] {strides = array<i32>} : memref<128xi32, #tpu.memory_space<vmem>>, vector<16xi32>,
      %swap3A_91 = vector.shape_cast %swap3A_90 : vector<16xi32> to vector<16xi32>
      %swap3A_92 = vector.shape_cast %add3A_88 : vector<16xi32> to vector<16xi32>
      tpu.vector_store %arg9[%swap3A_89], %swap3A_92 {strides = array<i32>} : memref<128xi32, #tpu.memory_space<vmem>>, vector<16xi32>,
      %get3A_93 = arith.constant 80 : index
      %get3A_94 = tpu.vector_load %arg9[%get3A_93] {strides = array<i32>} : memref<128xi32, #tpu.memory_space<vmem>>, vector<16xi32>,
      %get3A_95 = vector.shape_cast %get3A_94 : vector<16xi32> to vector<16xi32>
      %add3A_96 = vector.broadcast %mul3A_0 : i32 to vector<16xi32>
      %add3A_97 = arith.addi %get3A_95, %add3A_96 : vector<16xi32>
      %swap3A_98 = arith.constant 80 : index
      %swap3A_99 = tpu.vector_load %arg9[%swap3A_98] {strides = array<i32>} : memref<128xi32, #tpu.memory_space<vmem>>, vector<16xi32>,
      %swap3A_100 = vector.shape_cast %swap3A_99 : vector<16xi32> to vector<16xi32>
      %swap3A_101 = vector.shape_cast %add3A_97 : vector<16xi32> to vector<16xi32>
      tpu.vector_store %arg9[%swap3A_98], %swap3A_101 {strides = array<i32>} : memref<128xi32, #tpu.memory_space<vmem>>, vector<16xi32>,
      %get3A_102 = arith.constant 96 : index
      %get3A_103 = tpu.vector_load %arg9[%get3A_102] {strides = array<i32>} : memref<128xi32, #tpu.memory_space<vmem>>, vector<16xi32>,
      %get3A_104 = vector.shape_cast %get3A_103 : vector<16xi32> to vector<16xi32>
      %add3A_105 = vector.broadcast %mul3A_0 : i32 to vector<16xi32>
      %add3A_106 = arith.addi %get3A_104, %add3A_105 : vector<16xi32>
      %swap3A_107 = arith.constant 96 : index
      %swap3A_108 = tpu.vector_load %arg9[%swap3A_107] {strides = array<i32>} : memref<128xi32, #tpu.memory_space<vmem>>, vector<16xi32>,
      %swap3A_109 = vector.shape_cast %swap3A_108 : vector<16xi32> to vector<16xi32>
      %swap3A_110 = vector.shape_cast %add3A_106 : vector<16xi32> to vector<16xi32>
      tpu.vector_store %arg9[%swap3A_107], %swap3A_110 {strides = array<i32>} : memref<128xi32, #tpu.memory_space<vmem>>, vector<16xi32>,
      %get3A_111 = arith.constant 112 : index
      %get3A_112 = tpu.vector_load %arg9[%get3A_111] {strides = array<i32>} : memref<128xi32, #tpu.memory_space<vmem>>, vector<16xi32>,
      %get3A_113 = vector.shape_cast %get3A_112 : vector<16xi32> to vector<16xi32>
      %add3A_114 = vector.broadcast %mul3A_0 : i32 to vector<16xi32>
      %add3A_115 = arith.addi %get3A_113, %add3A_114 : vector<16xi32>
      %swap3A_116 = arith.constant 112 : index
      %swap3A_117 = tpu.vector_load %arg9[%swap3A_116] {strides = array<i32>} : memref<128xi32, #tpu.memory_space<vmem>>, vector<16xi32>,
      %swap3A_118 = vector.shape_cast %swap3A_117 : vector<16xi32> to vector<16xi32>
      %swap3A_119 = vector.shape_cast %add3A_115 : vector<16xi32> to vector<16xi32>
      tpu.vector_store %arg9[%swap3A_116], %swap3A_119 {strides = array<i32>} : memref<128xi32, #tpu.memory_space<vmem>>, vector<16xi32>,
      %add3A_120 = arith.addi %mul3A_2, %mul3A_49 : i32
      "tpu.region"() ({
        %run_scoped3A = tpu.sem_alloc : memref<!tpu.dma_semaphore, #tpu.memory_space<semaphore_mem>>
        %dma_start3A_132 = arith.constant 0 : i32
        %dma_start3A_133 = tpu.memref_slice %arg3[%add3A_120, %dma_start3A_132] : memref<320000x128xf32, #tpu.memory_space<hbm>> -> memref<128x128xf32, #tpu.memory_space<hbm>>
        %dma_start3A_134 = arith.constant 0 : i32
        %dma_start3A_135 = tpu.memref_slice %arg3[%add3A_120, %dma_start3A_134] : memref<320000x128xf32, #tpu.memory_space<hbm>> -> memref<128x128xf32, #tpu.memory_space<hbm>>
        tpu.enqueue_dma source(%dma_start3A_135 : memref<128x128xf32, #tpu.memory_space<hbm>>) target(%arg10 : memref<128x128xf32, #tpu.memory_space<vmem>>) target_semaphore(%run_scoped3A : memref<!tpu.dma_semaphore, #tpu.memory_space<semaphore_mem>>)
        %dma_wait3A_136 = arith.constant 0 : i32
        %dma_wait3A_137 = tpu.memref_slice %arg3[%add3A_120, %dma_wait3A_136] : memref<320000x128xf32, #tpu.memory_space<hbm>> -> memref<128x128xf32, #tpu.memory_space<hbm>>
        %dma_wait3A_138 = arith.constant 0 : i32
        %dma_wait3A_139 = tpu.memref_slice %arg3[%add3A_120, %dma_wait3A_138] : memref<320000x128xf32, #tpu.memory_space<hbm>> -> memref<128x128xf32, #tpu.memory_space<hbm>>
        tpu.wait_dma2 semaphore(%run_scoped3A : memref<!tpu.dma_semaphore, #tpu.memory_space<semaphore_mem>>) src(%dma_wait3A_139 : memref<128x128xf32, #tpu.memory_space<hbm>>) dst(%arg10 : memref<128x128xf32, #tpu.memory_space<vmem>>)
        tpu.yield
      }) : () -> ()
      %dma_start3A = arith.constant 0 : i32
      %dma_start3A_121 = arith.constant 0 : i32
      %dma_start3A_122 = tpu.memref_slice %arg2[%dma_start3A, %dma_start3A_121] : memref<20000x128xf32, #tpu.memory_space<hbm>> -> memref<20000x128xf32, #tpu.memory_space<hbm>>
      tpu.enqueue_indirect_dma source(%dma_start3A_122 : memref<20000x128xf32, #tpu.memory_space<hbm>>) target(%arg11 : memref<128x128xf32, #tpu.memory_space<vmem>>) offsets(%arg9 : memref<128xi32, #tpu.memory_space<vmem>>) semaphore(%arg13 : memref<!tpu.dma_semaphore, #tpu.memory_space<semaphore_mem>>)
      %dma_wait3A = arith.constant 0 : i32
      %dma_wait3A_123 = arith.constant 0 : i32
      %dma_wait3A_124 = tpu.memref_slice %arg2[%dma_wait3A, %dma_wait3A_123] : memref<20000x128xf32, #tpu.memory_space<hbm>> -> memref<20000x128xf32, #tpu.memory_space<hbm>>
      tpu.wait_indirect_dma semaphore(%arg13 : memref<!tpu.dma_semaphore, #tpu.memory_space<semaphore_mem>>) src(%dma_wait3A_124 : memref<20000x128xf32, #tpu.memory_space<hbm>>) dst(%arg11 : memref<128x128xf32, #tpu.memory_space<vmem>>)
      %scan3A = arith.constant 0 : i32
      %scan3A_125 = arith.constant 0 : i32
      %scan3A_126 = arith.constant 128 : i32
      %scan3A_127 = arith.addi %scan3A_125, %scan3A_126 : i32
      %scan3A_128 = arith.constant 2 : i32
      %scan3A_129 = scf.for %scan3A_132 = %scan3A_125 to %scan3A_127 step %scan3A_128 iter_args(%scan3A_133 = %scan3A) -> (i32)  : i32 {
        %get3A_134 = arith.index_cast %scan3A_132 : i32 to index
        %get3A_135 = arith.constant 0 : index
        %get3A_136 = tpu.vector_load %arg11[%get3A_134, %get3A_135] {strides = array<i32>} : memref<128x128xf32, #tpu.memory_space<vmem>>, vector<1x16xf32>,
        %get3A_137 = vector.shape_cast %get3A_136 : vector<1x16xf32> to vector<16xf32>
        %get3A_138 = arith.index_cast %scan3A_132 : i32 to index
        %get3A_139 = arith.constant 0 : index
        %get3A_140 = tpu.vector_load %arg10[%get3A_138, %get3A_139] {strides = array<i32>} : memref<128x128xf32, #tpu.memory_space<vmem>>, vector<1x16xf32>,
        %get3A_141 = vector.shape_cast %get3A_140 : vector<1x16xf32> to vector<16xf32>
        %mul3A_142 = arith.mulf %get3A_137, %get3A_141 : vector<16xf32>
        %swap3A_143 = arith.index_cast %scan3A_132 : i32 to index
        %swap3A_144 = arith.constant 0 : index
        %swap3A_145 = tpu.vector_load %arg11[%swap3A_143, %swap3A_144] {strides = array<i32>} : memref<128x128xf32, #tpu.memory_space<vmem>>, vector<1x16xf32>,
        %swap3A_146 = vector.shape_cast %swap3A_145 : vector<1x16xf32> to vector<16xf32>
        %swap3A_147 = vector.shape_cast %mul3A_142 : vector<16xf32> to vector<1x16xf32>
        tpu.vector_store %arg11[%swap3A_143, %swap3A_144], %swap3A_147 {strides = array<i32>} : memref<128x128xf32, #tpu.memory_space<vmem>>, vector<1x16xf32>,
        %get3A_148 = arith.index_cast %scan3A_132 : i32 to index
        %get3A_149 = arith.constant 16 : index
        %get3A_150 = tpu.vector_load %arg11[%get3A_148, %get3A_149] {strides = array<i32>} : memref<128x128xf32, #tpu.memory_space<vmem>>, vector<1x16xf32>,
        %get3A_151 = vector.shape_cast %get3A_150 : vector<1x16xf32> to vector<16xf32>
        %get3A_152 = arith.index_cast %scan3A_132 : i32 to index
        %get3A_153 = arith.constant 16 : index
        %get3A_154 = tpu.vector_load %arg10[%get3A_152, %get3A_153] {strides = array<i32>} : memref<128x128xf32, #tpu.memory_space<vmem>>, vector<1x16xf32>,
        %get3A_155 = vector.shape_cast %get3A_154 : vector<1x16xf32> to vector<16xf32>
        %mul3A_156 = arith.mulf %get3A_151, %get3A_155 : vector<16xf32>
        %swap3A_157 = arith.index_cast %scan3A_132 : i32 to index
        %swap3A_158 = arith.constant 16 : index
        %swap3A_159 = tpu.vector_load %arg11[%swap3A_157, %swap3A_158] {strides = array<i32>} : memref<128x128xf32, #tpu.memory_space<vmem>>, vector<1x16xf32>,
        %swap3A_160 = vector.shape_cast %swap3A_159 : vector<1x16xf32> to vector<16xf32>
        %swap3A_161 = vector.shape_cast %mul3A_156 : vector<16xf32> to vector<1x16xf32>
        tpu.vector_store %arg11[%swap3A_157, %swap3A_158], %swap3A_161 {strides = array<i32>} : memref<128x128xf32, #tpu.memory_space<vmem>>, vector<1x16xf32>,
        %get3A_162 = arith.index_cast %scan3A_132 : i32 to index
        %get3A_163 = arith.constant 32 : index
        %get3A_164 = tpu.vector_load %arg11[%get3A_162, %get3A_163] {strides = array<i32>} : memref<128x128xf32, #tpu.memory_space<vmem>>, vector<1x16xf32>,
        %get3A_165 = vector.shape_cast %get3A_164 : vector<1x16xf32> to vector<16xf32>
        %get3A_166 = arith.index_cast %scan3A_132 : i32 to index
        %get3A_167 = arith.constant 32 : index
        %get3A_168 = tpu.vector_load %arg10[%get3A_166, %get3A_167] {strides = array<i32>} : memref<128x128xf32, #tpu.memory_space<vmem>>, vector<1x16xf32>,
        %get3A_169 = vector.shape_cast %get3A_168 : vector<1x16xf32> to vector<16xf32>
        %mul3A_170 = arith.mulf %get3A_165, %get3A_169 : vector<16xf32>
        %swap3A_171 = arith.index_cast %scan3A_132 : i32 to index
        %swap3A_172 = arith.constant 32 : index
        %swap3A_173 = tpu.vector_load %arg11[%swap3A_171, %swap3A_172] {strides = array<i32>} : memref<128x128xf32, #tpu.memory_space<vmem>>, vector<1x16xf32>,
        %swap3A_174 = vector.shape_cast %swap3A_173 : vector<1x16xf32> to vector<16xf32>
        %swap3A_175 = vector.shape_cast %mul3A_170 : vector<16xf32> to vector<1x16xf32>
        tpu.vector_store %arg11[%swap3A_171, %swap3A_172], %swap3A_175 {strides = array<i32>} : memref<128x128xf32, #tpu.memory_space<vmem>>, vector<1x16xf32>,
        %get3A_176 = arith.index_cast %scan3A_132 : i32 to index
        %get3A_177 = arith.constant 48 : index
        %get3A_178 = tpu.vector_load %arg11[%get3A_176, %get3A_177] {strides = array<i32>} : memref<128x128xf32, #tpu.memory_space<vmem>>, vector<1x16xf32>,
        %get3A_179 = vector.shape_cast %get3A_178 : vector<1x16xf32> to vector<16xf32>
        %get3A_180 = arith.index_cast %scan3A_132 : i32 to index
        %get3A_181 = arith.constant 48 : index
        %get3A_182 = tpu.vector_load %arg10[%get3A_180, %get3A_181] {strides = array<i32>} : memref<128x128xf32, #tpu.memory_space<vmem>>, vector<1x16xf32>,
        %get3A_183 = vector.shape_cast %get3A_182 : vector<1x16xf32> to vector<16xf32>
        %mul3A_184 = arith.mulf %get3A_179, %get3A_183 : vector<16xf32>
        %swap3A_185 = arith.index_cast %scan3A_132 : i32 to index
        %swap3A_186 = arith.constant 48 : index
        %swap3A_187 = tpu.vector_load %arg11[%swap3A_185, %swap3A_186] {strides = array<i32>} : memref<128x128xf32, #tpu.memory_space<vmem>>, vector<1x16xf32>,
        %swap3A_188 = vector.shape_cast %swap3A_187 : vector<1x16xf32> to vector<16xf32>
        %swap3A_189 = vector.shape_cast %mul3A_184 : vector<16xf32> to vector<1x16xf32>
        tpu.vector_store %arg11[%swap3A_185, %swap3A_186], %swap3A_189 {strides = array<i32>} : memref<128x128xf32, #tpu.memory_space<vmem>>, vector<1x16xf32>,
        %get3A_190 = arith.index_cast %scan3A_132 : i32 to index
        %get3A_191 = arith.constant 64 : index
        %get3A_192 = tpu.vector_load %arg11[%get3A_190, %get3A_191] {strides = array<i32>} : memref<128x128xf32, #tpu.memory_space<vmem>>, vector<1x16xf32>,
        %get3A_193 = vector.shape_cast %get3A_192 : vector<1x16xf32> to vector<16xf32>
        %get3A_194 = arith.index_cast %scan3A_132 : i32 to index
        %get3A_195 = arith.constant 64 : index
        %get3A_196 = tpu.vector_load %arg10[%get3A_194, %get3A_195] {strides = array<i32>} : memref<128x128xf32, #tpu.memory_space<vmem>>, vector<1x16xf32>,
        %get3A_197 = vector.shape_cast %get3A_196 : vector<1x16xf32> to vector<16xf32>
        %mul3A_198 = arith.mulf %get3A_193, %get3A_197 : vector<16xf32>
        %swap3A_199 = arith.index_cast %scan3A_132 : i32 to index
        %swap3A_200 = arith.constant 64 : index
        %swap3A_201 = tpu.vector_load %arg11[%swap3A_199, %swap3A_200] {strides = array<i32>} : memref<128x128xf32, #tpu.memory_space<vmem>>, vector<1x16xf32>,
        %swap3A_202 = vector.shape_cast %swap3A_201 : vector<1x16xf32> to vector<16xf32>
        %swap3A_203 = vector.shape_cast %mul3A_198 : vector<16xf32> to vector<1x16xf32>
        tpu.vector_store %arg11[%swap3A_199, %swap3A_200], %swap3A_203 {strides = array<i32>} : memref<128x128xf32, #tpu.memory_space<vmem>>, vector<1x16xf32>,
        %get3A_204 = arith.index_cast %scan3A_132 : i32 to index
        %get3A_205 = arith.constant 80 : index
        %get3A_206 = tpu.vector_load %arg11[%get3A_204, %get3A_205] {strides = array<i32>} : memref<128x128xf32, #tpu.memory_space<vmem>>, vector<1x16xf32>,
        %get3A_207 = vector.shape_cast %get3A_206 : vector<1x16xf32> to vector<16xf32>
        %get3A_208 = arith.index_cast %scan3A_132 : i32 to index
        %get3A_209 = arith.constant 80 : index
        %get3A_210 = tpu.vector_load %arg10[%get3A_208, %get3A_209] {strides = array<i32>} : memref<128x128xf32, #tpu.memory_space<vmem>>, vector<1x16xf32>,
        %get3A_211 = vector.shape_cast %get3A_210 : vector<1x16xf32> to vector<16xf32>
        %mul3A_212 = arith.mulf %get3A_207, %get3A_211 : vector<16xf32>
        %swap3A_213 = arith.index_cast %scan3A_132 : i32 to index
        %swap3A_214 = arith.constant 80 : index
        %swap3A_215 = tpu.vector_load %arg11[%swap3A_213, %swap3A_214] {strides = array<i32>} : memref<128x128xf32, #tpu.memory_space<vmem>>, vector<1x16xf32>,
        %swap3A_216 = vector.shape_cast %swap3A_215 : vector<1x16xf32> to vector<16xf32>
        %swap3A_217 = vector.shape_cast %mul3A_212 : vector<16xf32> to vector<1x16xf32>
        tpu.vector_store %arg11[%swap3A_213, %swap3A_214], %swap3A_217 {strides = array<i32>} : memref<128x128xf32, #tpu.memory_space<vmem>>, vector<1x16xf32>,
        %get3A_218 = arith.index_cast %scan3A_132 : i32 to index
        %get3A_219 = arith.constant 96 : index
        %get3A_220 = tpu.vector_load %arg11[%get3A_218, %get3A_219] {strides = array<i32>} : memref<128x128xf32, #tpu.memory_space<vmem>>, vector<1x16xf32>,
        %get3A_221 = vector.shape_cast %get3A_220 : vector<1x16xf32> to vector<16xf32>
        %get3A_222 = arith.index_cast %scan3A_132 : i32 to index
        %get3A_223 = arith.constant 96 : index
        %get3A_224 = tpu.vector_load %arg10[%get3A_222, %get3A_223] {strides = array<i32>} : memref<128x128xf32, #tpu.memory_space<vmem>>, vector<1x16xf32>,
        %get3A_225 = vector.shape_cast %get3A_224 : vector<1x16xf32> to vector<16xf32>
        %mul3A_226 = arith.mulf %get3A_221, %get3A_225 : vector<16xf32>
        %swap3A_227 = arith.index_cast %scan3A_132 : i32 to index
        %swap3A_228 = arith.constant 96 : index
        %swap3A_229 = tpu.vector_load %arg11[%swap3A_227, %swap3A_228] {strides = array<i32>} : memref<128x128xf32, #tpu.memory_space<vmem>>, vector<1x16xf32>,
        %swap3A_230 = vector.shape_cast %swap3A_229 : vector<1x16xf32> to vector<16xf32>
        %swap3A_231 = vector.shape_cast %mul3A_226 : vector<16xf32> to vector<1x16xf32>
        tpu.vector_store %arg11[%swap3A_227, %swap3A_228], %swap3A_231 {strides = array<i32>} : memref<128x128xf32, #tpu.memory_space<vmem>>, vector<1x16xf32>,
        %get3A_232 = arith.index_cast %scan3A_132 : i32 to index
        %get3A_233 = arith.constant 112 : index
        %get3A_234 = tpu.vector_load %arg11[%get3A_232, %get3A_233] {strides = array<i32>} : memref<128x128xf32, #tpu.memory_space<vmem>>, vector<1x16xf32>,
        %get3A_235 = vector.shape_cast %get3A_234 : vector<1x16xf32> to vector<16xf32>
        %get3A_236 = arith.index_cast %scan3A_132 : i32 to index
        %get3A_237 = arith.constant 112 : index
        %get3A_238 = tpu.vector_load %arg10[%get3A_236, %get3A_237] {strides = array<i32>} : memref<128x128xf32, #tpu.memory_space<vmem>>, vector<1x16xf32>,
        %get3A_239 = vector.shape_cast %get3A_238 : vector<1x16xf32> to vector<16xf32>
        %mul3A_240 = arith.mulf %get3A_235, %get3A_239 : vector<16xf32>
        %swap3A_241 = arith.index_cast %scan3A_132 : i32 to index
        %swap3A_242 = arith.constant 112 : index
        %swap3A_243 = tpu.vector_load %arg11[%swap3A_241, %swap3A_242] {strides = array<i32>} : memref<128x128xf32, #tpu.memory_space<vmem>>, vector<1x16xf32>,
        %swap3A_244 = vector.shape_cast %swap3A_243 : vector<1x16xf32> to vector<16xf32>
        %swap3A_245 = vector.shape_cast %mul3A_240 : vector<16xf32> to vector<1x16xf32>
        tpu.vector_store %arg11[%swap3A_241, %swap3A_242], %swap3A_245 {strides = array<i32>} : memref<128x128xf32, #tpu.memory_space<vmem>>, vector<1x16xf32>,
        %scan3A_246 = arith.constant 0 : i32
        %scan3A_247 = arith.constant 1 : i32
        %scan3A_248 = arith.addi %scan3A_132, %scan3A_247 : i32
        %get3A_249 = arith.index_cast %scan3A_248 : i32 to index
        %get3A_250 = arith.constant 0 : index
        %get3A_251 = tpu.vector_load %arg11[%get3A_249, %get3A_250] {strides = array<i32>} : memref<128x128xf32, #tpu.memory_space<vmem>>, vector<1x16xf32>,
        %get3A_252 = vector.shape_cast %get3A_251 : vector<1x16xf32> to vector<16xf32>
        %get3A_253 = arith.index_cast %scan3A_248 : i32 to index
        %get3A_254 = arith.constant 0 : index
        %get3A_255 = tpu.vector_load %arg10[%get3A_253, %get3A_254] {strides = array<i32>} : memref<128x128xf32, #tpu.memory_space<vmem>>, vector<1x16xf32>,
        %get3A_256 = vector.shape_cast %get3A_255 : vector<1x16xf32> to vector<16xf32>
        %mul3A_257 = arith.mulf %get3A_252, %get3A_256 : vector<16xf32>
        %swap3A_258 = arith.index_cast %scan3A_248 : i32 to index
        %swap3A_259 = arith.constant 0 : index
        %swap3A_260 = tpu.vector_load %arg11[%swap3A_258, %swap3A_259] {strides = array<i32>} : memref<128x128xf32, #tpu.memory_space<vmem>>, vector<1x16xf32>,
        %swap3A_261 = vector.shape_cast %swap3A_260 : vector<1x16xf32> to vector<16xf32>
        %swap3A_262 = vector.shape_cast %mul3A_257 : vector<16xf32> to vector<1x16xf32>
        tpu.vector_store %arg11[%swap3A_258, %swap3A_259], %swap3A_262 {strides = array<i32>} : memref<128x128xf32, #tpu.memory_space<vmem>>, vector<1x16xf32>,
        %get3A_263 = arith.index_cast %scan3A_248 : i32 to index
        %get3A_264 = arith.constant 16 : index
        %get3A_265 = tpu.vector_load %arg11[%get3A_263, %get3A_264] {strides = array<i32>} : memref<128x128xf32, #tpu.memory_space<vmem>>, vector<1x16xf32>,
        %get3A_266 = vector.shape_cast %get3A_265 : vector<1x16xf32> to vector<16xf32>
        %get3A_267 = arith.index_cast %scan3A_248 : i32 to index
        %get3A_268 = arith.constant 16 : index
        %get3A_269 = tpu.vector_load %arg10[%get3A_267, %get3A_268] {strides = array<i32>} : memref<128x128xf32, #tpu.memory_space<vmem>>, vector<1x16xf32>,
        %get3A_270 = vector.shape_cast %get3A_269 : vector<1x16xf32> to vector<16xf32>
        %mul3A_271 = arith.mulf %get3A_266, %get3A_270 : vector<16xf32>
        %swap3A_272 = arith.index_cast %scan3A_248 : i32 to index
        %swap3A_273 = arith.constant 16 : index
        %swap3A_274 = tpu.vector_load %arg11[%swap3A_272, %swap3A_273] {strides = array<i32>} : memref<128x128xf32, #tpu.memory_space<vmem>>, vector<1x16xf32>,
        %swap3A_275 = vector.shape_cast %swap3A_274 : vector<1x16xf32> to vector<16xf32>
        %swap3A_276 = vector.shape_cast %mul3A_271 : vector<16xf32> to vector<1x16xf32>
        tpu.vector_store %arg11[%swap3A_272, %swap3A_273], %swap3A_276 {strides = array<i32>} : memref<128x128xf32, #tpu.memory_space<vmem>>, vector<1x16xf32>,
        %get3A_277 = arith.index_cast %scan3A_248 : i32 to index
        %get3A_278 = arith.constant 32 : index
        %get3A_279 = tpu.vector_load %arg11[%get3A_277, %get3A_278] {strides = array<i32>} : memref<128x128xf32, #tpu.memory_space<vmem>>, vector<1x16xf32>,
        %get3A_280 = vector.shape_cast %get3A_279 : vector<1x16xf32> to vector<16xf32>
        %get3A_281 = arith.index_cast %scan3A_248 : i32 to index
        %get3A_282 = arith.constant 32 : index
        %get3A_283 = tpu.vector_load %arg10[%get3A_281, %get3A_282] {strides = array<i32>} : memref<128x128xf32, #tpu.memory_space<vmem>>, vector<1x16xf32>,
        %get3A_284 = vector.shape_cast %get3A_283 : vector<1x16xf32> to vector<16xf32>
        %mul3A_285 = arith.mulf %get3A_280, %get3A_284 : vector<16xf32>
        %swap3A_286 = arith.index_cast %scan3A_248 : i32 to index
        %swap3A_287 = arith.constant 32 : index
        %swap3A_288 = tpu.vector_load %arg11[%swap3A_286, %swap3A_287] {strides = array<i32>} : memref<128x128xf32, #tpu.memory_space<vmem>>, vector<1x16xf32>,
        %swap3A_289 = vector.shape_cast %swap3A_288 : vector<1x16xf32> to vector<16xf32>
        %swap3A_290 = vector.shape_cast %mul3A_285 : vector<16xf32> to vector<1x16xf32>
        tpu.vector_store %arg11[%swap3A_286, %swap3A_287], %swap3A_290 {strides = array<i32>} : memref<128x128xf32, #tpu.memory_space<vmem>>, vector<1x16xf32>,
        %get3A_291 = arith.index_cast %scan3A_248 : i32 to index
        %get3A_292 = arith.constant 48 : index
        %get3A_293 = tpu.vector_load %arg11[%get3A_291, %get3A_292] {strides = array<i32>} : memref<128x128xf32, #tpu.memory_space<vmem>>, vector<1x16xf32>,
        %get3A_294 = vector.shape_cast %get3A_293 : vector<1x16xf32> to vector<16xf32>
        %get3A_295 = arith.index_cast %scan3A_248 : i32 to index
        %get3A_296 = arith.constant 48 : index
        %get3A_297 = tpu.vector_load %arg10[%get3A_295, %get3A_296] {strides = array<i32>} : memref<128x128xf32, #tpu.memory_space<vmem>>, vector<1x16xf32>,
        %get3A_298 = vector.shape_cast %get3A_297 : vector<1x16xf32> to vector<16xf32>
        %mul3A_299 = arith.mulf %get3A_294, %get3A_298 : vector<16xf32>
        %swap3A_300 = arith.index_cast %scan3A_248 : i32 to index
        %swap3A_301 = arith.constant 48 : index
        %swap3A_302 = tpu.vector_load %arg11[%swap3A_300, %swap3A_301] {strides = array<i32>} : memref<128x128xf32, #tpu.memory_space<vmem>>, vector<1x16xf32>,
        %swap3A_303 = vector.shape_cast %swap3A_302 : vector<1x16xf32> to vector<16xf32>
        %swap3A_304 = vector.shape_cast %mul3A_299 : vector<16xf32> to vector<1x16xf32>
        tpu.vector_store %arg11[%swap3A_300, %swap3A_301], %swap3A_304 {strides = array<i32>} : memref<128x128xf32, #tpu.memory_space<vmem>>, vector<1x16xf32>,
        %get3A_305 = arith.index_cast %scan3A_248 : i32 to index
        %get3A_306 = arith.constant 64 : index
        %get3A_307 = tpu.vector_load %arg11[%get3A_305, %get3A_306] {strides = array<i32>} : memref<128x128xf32, #tpu.memory_space<vmem>>, vector<1x16xf32>,
        %get3A_308 = vector.shape_cast %get3A_307 : vector<1x16xf32> to vector<16xf32>
        %get3A_309 = arith.index_cast %scan3A_248 : i32 to index
        %get3A_310 = arith.constant 64 : index
        %get3A_311 = tpu.vector_load %arg10[%get3A_309, %get3A_310] {strides = array<i32>} : memref<128x128xf32, #tpu.memory_space<vmem>>, vector<1x16xf32>,
        %get3A_312 = vector.shape_cast %get3A_311 : vector<1x16xf32> to vector<16xf32>
        %mul3A_313 = arith.mulf %get3A_308, %get3A_312 : vector<16xf32>
        %swap3A_314 = arith.index_cast %scan3A_248 : i32 to index
        %swap3A_315 = arith.constant 64 : index
        %swap3A_316 = tpu.vector_load %arg11[%swap3A_314, %swap3A_315] {strides = array<i32>} : memref<128x128xf32, #tpu.memory_space<vmem>>, vector<1x16xf32>,
        %swap3A_317 = vector.shape_cast %swap3A_316 : vector<1x16xf32> to vector<16xf32>
        %swap3A_318 = vector.shape_cast %mul3A_313 : vector<16xf32> to vector<1x16xf32>
        tpu.vector_store %arg11[%swap3A_314, %swap3A_315], %swap3A_318 {strides = array<i32>} : memref<128x128xf32, #tpu.memory_space<vmem>>, vector<1x16xf32>,
        %get3A_319 = arith.index_cast %scan3A_248 : i32 to index
        %get3A_320 = arith.constant 80 : index
        %get3A_321 = tpu.vector_load %arg11[%get3A_319, %get3A_320] {strides = array<i32>} : memref<128x128xf32, #tpu.memory_space<vmem>>, vector<1x16xf32>,
        %get3A_322 = vector.shape_cast %get3A_321 : vector<1x16xf32> to vector<16xf32>
        %get3A_323 = arith.index_cast %scan3A_248 : i32 to index
        %get3A_324 = arith.constant 80 : index
        %get3A_325 = tpu.vector_load %arg10[%get3A_323, %get3A_324] {strides = array<i32>} : memref<128x128xf32, #tpu.memory_space<vmem>>, vector<1x16xf32>,
        %get3A_326 = vector.shape_cast %get3A_325 : vector<1x16xf32> to vector<16xf32>
        %mul3A_327 = arith.mulf %get3A_322, %get3A_326 : vector<16xf32>
        %swap3A_328 = arith.index_cast %scan3A_248 : i32 to index
        %swap3A_329 = arith.constant 80 : index
        %swap3A_330 = tpu.vector_load %arg11[%swap3A_328, %swap3A_329] {strides = array<i32>} : memref<128x128xf32, #tpu.memory_space<vmem>>, vector<1x16xf32>,
        %swap3A_331 = vector.shape_cast %swap3A_330 : vector<1x16xf32> to vector<16xf32>
        %swap3A_332 = vector.shape_cast %mul3A_327 : vector<16xf32> to vector<1x16xf32>
        tpu.vector_store %arg11[%swap3A_328, %swap3A_329], %swap3A_332 {strides = array<i32>} : memref<128x128xf32, #tpu.memory_space<vmem>>, vector<1x16xf32>,
        %get3A_333 = arith.index_cast %scan3A_248 : i32 to index
        %get3A_334 = arith.constant 96 : index
        %get3A_335 = tpu.vector_load %arg11[%get3A_333, %get3A_334] {strides = array<i32>} : memref<128x128xf32, #tpu.memory_space<vmem>>, vector<1x16xf32>,
        %get3A_336 = vector.shape_cast %get3A_335 : vector<1x16xf32> to vector<16xf32>
        %get3A_337 = arith.index_cast %scan3A_248 : i32 to index
        %get3A_338 = arith.constant 96 : index
        %get3A_339 = tpu.vector_load %arg10[%get3A_337, %get3A_338] {strides = array<i32>} : memref<128x128xf32, #tpu.memory_space<vmem>>, vector<1x16xf32>,
        %get3A_340 = vector.shape_cast %get3A_339 : vector<1x16xf32> to vector<16xf32>
        %mul3A_341 = arith.mulf %get3A_336, %get3A_340 : vector<16xf32>
        %swap3A_342 = arith.index_cast %scan3A_248 : i32 to index
        %swap3A_343 = arith.constant 96 : index
        %swap3A_344 = tpu.vector_load %arg11[%swap3A_342, %swap3A_343] {strides = array<i32>} : memref<128x128xf32, #tpu.memory_space<vmem>>, vector<1x16xf32>,
        %swap3A_345 = vector.shape_cast %swap3A_344 : vector<1x16xf32> to vector<16xf32>
        %swap3A_346 = vector.shape_cast %mul3A_341 : vector<16xf32> to vector<1x16xf32>
        tpu.vector_store %arg11[%swap3A_342, %swap3A_343], %swap3A_346 {strides = array<i32>} : memref<128x128xf32, #tpu.memory_space<vmem>>, vector<1x16xf32>,
        %get3A_347 = arith.index_cast %scan3A_248 : i32 to index
        %get3A_348 = arith.constant 112 : index
        %get3A_349 = tpu.vector_load %arg11[%get3A_347, %get3A_348] {strides = array<i32>} : memref<128x128xf32, #tpu.memory_space<vmem>>, vector<1x16xf32>,
        %get3A_350 = vector.shape_cast %get3A_349 : vector<1x16xf32> to vector<16xf32>
        %get3A_351 = arith.index_cast %scan3A_248 : i32 to index
        %get3A_352 = arith.constant 112 : index
        %get3A_353 = tpu.vector_load %arg10[%get3A_351, %get3A_352] {strides = array<i32>} : memref<128x128xf32, #tpu.memory_space<vmem>>, vector<1x16xf32>,
        %get3A_354 = vector.shape_cast %get3A_353 : vector<1x16xf32> to vector<16xf32>
        %mul3A_355 = arith.mulf %get3A_350, %get3A_354 : vector<16xf32>
        %swap3A_356 = arith.index_cast %scan3A_248 : i32 to index
        %swap3A_357 = arith.constant 112 : index
        %swap3A_358 = tpu.vector_load %arg11[%swap3A_356, %swap3A_357] {strides = array<i32>} : memref<128x128xf32, #tpu.memory_space<vmem>>, vector<1x16xf32>,
        %swap3A_359 = vector.shape_cast %swap3A_358 : vector<1x16xf32> to vector<16xf32>
        %swap3A_360 = vector.shape_cast %mul3A_355 : vector<16xf32> to vector<1x16xf32>
        tpu.vector_store %arg11[%swap3A_356, %swap3A_357], %swap3A_360 {strides = array<i32>} : memref<128x128xf32, #tpu.memory_space<vmem>>, vector<1x16xf32>,
        %scan3A_361 = arith.constant 0 : i32
        scf.yield %scan3A_361 : i32
      }
      %scan3A_130 = arith.constant 128 : i32
      "tpu.region"() ({
        %run_scoped3A = tpu.sem_alloc : memref<!tpu.dma_semaphore, #tpu.memory_space<semaphore_mem>>
        %dma_start3A_132 = arith.constant 0 : i32
        %dma_start3A_133 = arith.constant 0 : i32
        %dma_start3A_134 = tpu.memref_slice %arg12[%dma_start3A_132, %dma_start3A_133] : memref<10240x128xf32, #tpu.memory_space<vmem_shared>> -> memref<10240x128xf32, #tpu.memory_space<vmem_shared>>
        tpu.enqueue_indirect_dma source(%arg11 : memref<128x128xf32, #tpu.memory_space<vmem>>) target(%dma_start3A_134 : memref<10240x128xf32, #tpu.memory_space<vmem_shared>>) offsets(%arg8 : memref<128xi32, #tpu.memory_space<vmem>>) semaphore(%run_scoped3A : memref<!tpu.dma_semaphore, #tpu.memory_space<semaphore_mem>>) {add = true}
        %dma_wait3A_135 = arith.constant 0 : i32
        %dma_wait3A_136 = arith.constant 0 : i32
        %dma_wait3A_137 = tpu.memref_slice %arg12[%dma_wait3A_135, %dma_wait3A_136] : memref<10240x128xf32, #tpu.memory_space<vmem_shared>> -> memref<10240x128xf32, #tpu.memory_space<vmem_shared>>
        tpu.wait_indirect_dma semaphore(%run_scoped3A : memref<!tpu.dma_semaphore, #tpu.memory_space<semaphore_mem>>) src(%arg11 : memref<128x128xf32, #tpu.memory_space<vmem>>) dst(%dma_wait3A_137 : memref<10240x128xf32, #tpu.memory_space<vmem_shared>>)
        tpu.yield
      }) : () -> ()
      %while3A_131 = arith.constant 0 : i32
      scf.yield %while3A_131 : i32
    }
    %while3A_33 = arith.constant 1 : i32
    %while3A_34 = scf.for %while3A_43 = %while3A_30 to %while3A_26 step %while3A_33 iter_args(%while3A_44 = %while3A_32) -> (i32)  : i32 {
      %mul3A_45 = arith.constant 16 : i32
      %mul3A_46 = arith.muli %while3A_43, %mul3A_45 : i32
      %add3A_47 = arith.addi %arg1, %mul3A_46 : i32
      %mul3A_48 = arith.constant 128 : i32
      %mul3A_49 = arith.muli %add3A_47, %mul3A_48 : i32
      "tpu.region"() ({
        %run_scoped3A = tpu.sem_alloc : memref<!tpu.dma_semaphore, #tpu.memory_space<semaphore_mem>>
        %dma_start3A_132 = tpu.memref_slice %arg4[%mul3A_49] : memref<160000xi32, #tpu.memory_space<hbm>> -> memref<128xi32, #tpu.memory_space<hbm>>
        %dma_start3A_133 = tpu.memref_slice %arg4[%mul3A_49] : memref<160000xi32, #tpu.memory_space<hbm>> -> memref<128xi32, #tpu.memory_space<hbm>>
        tpu.enqueue_dma source(%dma_start3A_133 : memref<128xi32, #tpu.memory_space<hbm>>) target(%arg8 : memref<128xi32, #tpu.memory_space<vmem>>) target_semaphore(%run_scoped3A : memref<!tpu.dma_semaphore, #tpu.memory_space<semaphore_mem>>)
        %dma_wait3A_134 = tpu.memref_slice %arg4[%mul3A_49] : memref<160000xi32, #tpu.memory_space<hbm>> -> memref<128xi32, #tpu.memory_space<hbm>>
        %dma_wait3A_135 = tpu.memref_slice %arg4[%mul3A_49] : memref<160000xi32, #tpu.memory_space<hbm>> -> memref<128xi32, #tpu.memory_space<hbm>>
        tpu.wait_dma2 semaphore(%run_scoped3A : memref<!tpu.dma_semaphore, #tpu.memory_space<semaphore_mem>>) src(%dma_wait3A_135 : memref<128xi32, #tpu.memory_space<hbm>>) dst(%arg8 : memref<128xi32, #tpu.memory_space<vmem>>)
        tpu.yield
      }) : () -> ()
      "tpu.region"() ({
        %run_scoped3A = tpu.sem_alloc : memref<!tpu.dma_semaphore, #tpu.memory_space<semaphore_mem>>
        %dma_start3A_132 = tpu.memref_slice %arg5[%mul3A_49] : memref<160000xi32, #tpu.memory_space<hbm>> -> memref<128xi32, #tpu.memory_space<hbm>>
        %dma_start3A_133 = tpu.memref_slice %arg5[%mul3A_49] : memref<160000xi32, #tpu.memory_space<hbm>> -> memref<128xi32, #tpu.memory_space<hbm>>
        tpu.enqueue_dma source(%dma_start3A_133 : memref<128xi32, #tpu.memory_space<hbm>>) target(%arg9 : memref<128xi32, #tpu.memory_space<vmem>>) target_semaphore(%run_scoped3A : memref<!tpu.dma_semaphore, #tpu.memory_space<semaphore_mem>>)
        %dma_wait3A_134 = tpu.memref_slice %arg5[%mul3A_49] : memref<160000xi32, #tpu.memory_space<hbm>> -> memref<128xi32, #tpu.memory_space<hbm>>
        %dma_wait3A_135 = tpu.memref_slice %arg5[%mul3A_49] : memref<160000xi32, #tpu.memory_space<hbm>> -> memref<128xi32, #tpu.memory_space<hbm>>
        tpu.wait_dma2 semaphore(%run_scoped3A : memref<!tpu.dma_semaphore, #tpu.memory_space<semaphore_mem>>) src(%dma_wait3A_135 : memref<128xi32, #tpu.memory_space<hbm>>) dst(%arg9 : memref<128xi32, #tpu.memory_space<vmem>>)
        tpu.yield
      }) : () -> ()
      %get3A = arith.constant 0 : index
      %get3A_50 = tpu.vector_load %arg9[%get3A] {strides = array<i32>} : memref<128xi32, #tpu.memory_space<vmem>>, vector<16xi32>,
      %get3A_51 = vector.shape_cast %get3A_50 : vector<16xi32> to vector<16xi32>
      %add3A_52 = vector.broadcast %mul3A_0 : i32 to vector<16xi32>
      %add3A_53 = arith.addi %get3A_51, %add3A_52 : vector<16xi32>
      %swap3A = arith.constant 0 : index
      %swap3A_54 = tpu.vector_load %arg9[%swap3A] {strides = array<i32>} : memref<128xi32, #tpu.memory_space<vmem>>, vector<16xi32>,
      %swap3A_55 = vector.shape_cast %swap3A_54 : vector<16xi32> to vector<16xi32>
      %swap3A_56 = vector.shape_cast %add3A_53 : vector<16xi32> to vector<16xi32>
      tpu.vector_store %arg9[%swap3A], %swap3A_56 {strides = array<i32>} : memref<128xi32, #tpu.memory_space<vmem>>, vector<16xi32>,
      %get3A_57 = arith.constant 16 : index
      %get3A_58 = tpu.vector_load %arg9[%get3A_57] {strides = array<i32>} : memref<128xi32, #tpu.memory_space<vmem>>, vector<16xi32>,
      %get3A_59 = vector.shape_cast %get3A_58 : vector<16xi32> to vector<16xi32>
      %add3A_60 = vector.broadcast %mul3A_0 : i32 to vector<16xi32>
      %add3A_61 = arith.addi %get3A_59, %add3A_60 : vector<16xi32>
      %swap3A_62 = arith.constant 16 : index
      %swap3A_63 = tpu.vector_load %arg9[%swap3A_62] {strides = array<i32>} : memref<128xi32, #tpu.memory_space<vmem>>, vector<16xi32>,
      %swap3A_64 = vector.shape_cast %swap3A_63 : vector<16xi32> to vector<16xi32>
      %swap3A_65 = vector.shape_cast %add3A_61 : vector<16xi32> to vector<16xi32>
      tpu.vector_store %arg9[%swap3A_62], %swap3A_65 {strides = array<i32>} : memref<128xi32, #tpu.memory_space<vmem>>, vector<16xi32>,
      %get3A_66 = arith.constant 32 : index
      %get3A_67 = tpu.vector_load %arg9[%get3A_66] {strides = array<i32>} : memref<128xi32, #tpu.memory_space<vmem>>, vector<16xi32>,
      %get3A_68 = vector.shape_cast %get3A_67 : vector<16xi32> to vector<16xi32>
      %add3A_69 = vector.broadcast %mul3A_0 : i32 to vector<16xi32>
      %add3A_70 = arith.addi %get3A_68, %add3A_69 : vector<16xi32>
      %swap3A_71 = arith.constant 32 : index
      %swap3A_72 = tpu.vector_load %arg9[%swap3A_71] {strides = array<i32>} : memref<128xi32, #tpu.memory_space<vmem>>, vector<16xi32>,
      %swap3A_73 = vector.shape_cast %swap3A_72 : vector<16xi32> to vector<16xi32>
      %swap3A_74 = vector.shape_cast %add3A_70 : vector<16xi32> to vector<16xi32>
      tpu.vector_store %arg9[%swap3A_71], %swap3A_74 {strides = array<i32>} : memref<128xi32, #tpu.memory_space<vmem>>, vector<16xi32>,
      %get3A_75 = arith.constant 48 : index
      %get3A_76 = tpu.vector_load %arg9[%get3A_75] {strides = array<i32>} : memref<128xi32, #tpu.memory_space<vmem>>, vector<16xi32>,
      %get3A_77 = vector.shape_cast %get3A_76 : vector<16xi32> to vector<16xi32>
      %add3A_78 = vector.broadcast %mul3A_0 : i32 to vector<16xi32>
      %add3A_79 = arith.addi %get3A_77, %add3A_78 : vector<16xi32>
      %swap3A_80 = arith.constant 48 : index
      %swap3A_81 = tpu.vector_load %arg9[%swap3A_80] {strides = array<i32>} : memref<128xi32, #tpu.memory_space<vmem>>, vector<16xi32>,
      %swap3A_82 = vector.shape_cast %swap3A_81 : vector<16xi32> to vector<16xi32>
      %swap3A_83 = vector.shape_cast %add3A_79 : vector<16xi32> to vector<16xi32>
      tpu.vector_store %arg9[%swap3A_80], %swap3A_83 {strides = array<i32>} : memref<128xi32, #tpu.memory_space<vmem>>, vector<16xi32>,
      %get3A_84 = arith.constant 64 : index
      %get3A_85 = tpu.vector_load %arg9[%get3A_84] {strides = array<i32>} : memref<128xi32, #tpu.memory_space<vmem>>, vector<16xi32>,
      %get3A_86 = vector.shape_cast %get3A_85 : vector<16xi32> to vector<16xi32>
      %add3A_87 = vector.broadcast %mul3A_0 : i32 to vector<16xi32>
      %add3A_88 = arith.addi %get3A_86, %add3A_87 : vector<16xi32>
      %swap3A_89 = arith.constant 64 : index
      %swap3A_90 = tpu.vector_load %arg9[%swap3A_89] {strides = array<i32>} : memref<128xi32, #tpu.memory_space<vmem>>, vector<16xi32>,
      %swap3A_91 = vector.shape_cast %swap3A_90 : vector<16xi32> to vector<16xi32>
      %swap3A_92 = vector.shape_cast %add3A_88 : vector<16xi32> to vector<16xi32>
      tpu.vector_store %arg9[%swap3A_89], %swap3A_92 {strides = array<i32>} : memref<128xi32, #tpu.memory_space<vmem>>, vector<16xi32>,
      %get3A_93 = arith.constant 80 : index
      %get3A_94 = tpu.vector_load %arg9[%get3A_93] {strides = array<i32>} : memref<128xi32, #tpu.memory_space<vmem>>, vector<16xi32>,
      %get3A_95 = vector.shape_cast %get3A_94 : vector<16xi32> to vector<16xi32>
      %add3A_96 = vector.broadcast %mul3A_0 : i32 to vector<16xi32>
      %add3A_97 = arith.addi %get3A_95, %add3A_96 : vector<16xi32>
      %swap3A_98 = arith.constant 80 : index
      %swap3A_99 = tpu.vector_load %arg9[%swap3A_98] {strides = array<i32>} : memref<128xi32, #tpu.memory_space<vmem>>, vector<16xi32>,
      %swap3A_100 = vector.shape_cast %swap3A_99 : vector<16xi32> to vector<16xi32>
      %swap3A_101 = vector.shape_cast %add3A_97 : vector<16xi32> to vector<16xi32>
      tpu.vector_store %arg9[%swap3A_98], %swap3A_101 {strides = array<i32>} : memref<128xi32, #tpu.memory_space<vmem>>, vector<16xi32>,
      %get3A_102 = arith.constant 96 : index
      %get3A_103 = tpu.vector_load %arg9[%get3A_102] {strides = array<i32>} : memref<128xi32, #tpu.memory_space<vmem>>, vector<16xi32>,
      %get3A_104 = vector.shape_cast %get3A_103 : vector<16xi32> to vector<16xi32>
      %add3A_105 = vector.broadcast %mul3A_0 : i32 to vector<16xi32>
      %add3A_106 = arith.addi %get3A_104, %add3A_105 : vector<16xi32>
      %swap3A_107 = arith.constant 96 : index
      %swap3A_108 = tpu.vector_load %arg9[%swap3A_107] {strides = array<i32>} : memref<128xi32, #tpu.memory_space<vmem>>, vector<16xi32>,
      %swap3A_109 = vector.shape_cast %swap3A_108 : vector<16xi32> to vector<16xi32>
      %swap3A_110 = vector.shape_cast %add3A_106 : vector<16xi32> to vector<16xi32>
      tpu.vector_store %arg9[%swap3A_107], %swap3A_110 {strides = array<i32>} : memref<128xi32, #tpu.memory_space<vmem>>, vector<16xi32>,
      %get3A_111 = arith.constant 112 : index
      %get3A_112 = tpu.vector_load %arg9[%get3A_111] {strides = array<i32>} : memref<128xi32, #tpu.memory_space<vmem>>, vector<16xi32>,
      %get3A_113 = vector.shape_cast %get3A_112 : vector<16xi32> to vector<16xi32>
      %add3A_114 = vector.broadcast %mul3A_0 : i32 to vector<16xi32>
      %add3A_115 = arith.addi %get3A_113, %add3A_114 : vector<16xi32>
      %swap3A_116 = arith.constant 112 : index
      %swap3A_117 = tpu.vector_load %arg9[%swap3A_116] {strides = array<i32>} : memref<128xi32, #tpu.memory_space<vmem>>, vector<16xi32>,
      %swap3A_118 = vector.shape_cast %swap3A_117 : vector<16xi32> to vector<16xi32>
      %swap3A_119 = vector.shape_cast %add3A_115 : vector<16xi32> to vector<16xi32>
      tpu.vector_store %arg9[%swap3A_116], %swap3A_119 {strides = array<i32>} : memref<128xi32, #tpu.memory_space<vmem>>, vector<16xi32>,
      %add3A_120 = arith.addi %mul3A_2, %mul3A_49 : i32
      "tpu.region"() ({
        %run_scoped3A = tpu.sem_alloc : memref<!tpu.dma_semaphore, #tpu.memory_space<semaphore_mem>>
        %dma_start3A_132 = arith.constant 0 : i32
        %dma_start3A_133 = tpu.memref_slice %arg3[%add3A_120, %dma_start3A_132] : memref<320000x128xf32, #tpu.memory_space<hbm>> -> memref<128x128xf32, #tpu.memory_space<hbm>>
        %dma_start3A_134 = arith.constant 0 : i32
        %dma_start3A_135 = tpu.memref_slice %arg3[%add3A_120, %dma_start3A_134] : memref<320000x128xf32, #tpu.memory_space<hbm>> -> memref<128x128xf32, #tpu.memory_space<hbm>>
        tpu.enqueue_dma source(%dma_start3A_135 : memref<128x128xf32, #tpu.memory_space<hbm>>) target(%arg10 : memref<128x128xf32, #tpu.memory_space<vmem>>) target_semaphore(%run_scoped3A : memref<!tpu.dma_semaphore, #tpu.memory_space<semaphore_mem>>)
        %dma_wait3A_136 = arith.constant 0 : i32
        %dma_wait3A_137 = tpu.memref_slice %arg3[%add3A_120, %dma_wait3A_136] : memref<320000x128xf32, #tpu.memory_space<hbm>> -> memref<128x128xf32, #tpu.memory_space<hbm>>
        %dma_wait3A_138 = arith.constant 0 : i32
        %dma_wait3A_139 = tpu.memref_slice %arg3[%add3A_120, %dma_wait3A_138] : memref<320000x128xf32, #tpu.memory_space<hbm>> -> memref<128x128xf32, #tpu.memory_space<hbm>>
        tpu.wait_dma2 semaphore(%run_scoped3A : memref<!tpu.dma_semaphore, #tpu.memory_space<semaphore_mem>>) src(%dma_wait3A_139 : memref<128x128xf32, #tpu.memory_space<hbm>>) dst(%arg10 : memref<128x128xf32, #tpu.memory_space<vmem>>)
        tpu.yield
      }) : () -> ()
      %dma_start3A = arith.constant 0 : i32
      %dma_start3A_121 = arith.constant 0 : i32
      %dma_start3A_122 = tpu.memref_slice %arg2[%dma_start3A, %dma_start3A_121] : memref<20000x128xf32, #tpu.memory_space<hbm>> -> memref<20000x128xf32, #tpu.memory_space<hbm>>
      tpu.enqueue_indirect_dma source(%dma_start3A_122 : memref<20000x128xf32, #tpu.memory_space<hbm>>) target(%arg11 : memref<128x128xf32, #tpu.memory_space<vmem>>) offsets(%arg9 : memref<128xi32, #tpu.memory_space<vmem>>) semaphore(%arg13 : memref<!tpu.dma_semaphore, #tpu.memory_space<semaphore_mem>>)
      %dma_wait3A = arith.constant 0 : i32
      %dma_wait3A_123 = arith.constant 0 : i32
      %dma_wait3A_124 = tpu.memref_slice %arg2[%dma_wait3A, %dma_wait3A_123] : memref<20000x128xf32, #tpu.memory_space<hbm>> -> memref<20000x128xf32, #tpu.memory_space<hbm>>
      tpu.wait_indirect_dma semaphore(%arg13 : memref<!tpu.dma_semaphore, #tpu.memory_space<semaphore_mem>>) src(%dma_wait3A_124 : memref<20000x128xf32, #tpu.memory_space<hbm>>) dst(%arg11 : memref<128x128xf32, #tpu.memory_space<vmem>>)
      %scan3A = arith.constant 0 : i32
      %scan3A_125 = arith.constant 0 : i32
      %scan3A_126 = arith.constant 128 : i32
      %scan3A_127 = arith.addi %scan3A_125, %scan3A_126 : i32
      %scan3A_128 = arith.constant 2 : i32
      %scan3A_129 = scf.for %scan3A_132 = %scan3A_125 to %scan3A_127 step %scan3A_128 iter_args(%scan3A_133 = %scan3A) -> (i32)  : i32 {
        %get3A_134 = arith.index_cast %scan3A_132 : i32 to index
        %get3A_135 = arith.constant 0 : index
        %get3A_136 = tpu.vector_load %arg11[%get3A_134, %get3A_135] {strides = array<i32>} : memref<128x128xf32, #tpu.memory_space<vmem>>, vector<1x16xf32>,
        %get3A_137 = vector.shape_cast %get3A_136 : vector<1x16xf32> to vector<16xf32>
        %get3A_138 = arith.index_cast %scan3A_132 : i32 to index
        %get3A_139 = arith.constant 0 : index
        %get3A_140 = tpu.vector_load %arg10[%get3A_138, %get3A_139] {strides = array<i32>} : memref<128x128xf32, #tpu.memory_space<vmem>>, vector<1x16xf32>,
        %get3A_141 = vector.shape_cast %get3A_140 : vector<1x16xf32> to vector<16xf32>
        %mul3A_142 = arith.mulf %get3A_137, %get3A_141 : vector<16xf32>
        %swap3A_143 = arith.index_cast %scan3A_132 : i32 to index
        %swap3A_144 = arith.constant 0 : index
        %swap3A_145 = tpu.vector_load %arg11[%swap3A_143, %swap3A_144] {strides = array<i32>} : memref<128x128xf32, #tpu.memory_space<vmem>>, vector<1x16xf32>,
        %swap3A_146 = vector.shape_cast %swap3A_145 : vector<1x16xf32> to vector<16xf32>
        %swap3A_147 = vector.shape_cast %mul3A_142 : vector<16xf32> to vector<1x16xf32>
        tpu.vector_store %arg11[%swap3A_143, %swap3A_144], %swap3A_147 {strides = array<i32>} : memref<128x128xf32, #tpu.memory_space<vmem>>, vector<1x16xf32>,
        %get3A_148 = arith.index_cast %scan3A_132 : i32 to index
        %get3A_149 = arith.constant 16 : index
        %get3A_150 = tpu.vector_load %arg11[%get3A_148, %get3A_149] {strides = array<i32>} : memref<128x128xf32, #tpu.memory_space<vmem>>, vector<1x16xf32>,
        %get3A_151 = vector.shape_cast %get3A_150 : vector<1x16xf32> to vector<16xf32>
        %get3A_152 = arith.index_cast %scan3A_132 : i32 to index
        %get3A_153 = arith.constant 16 : index
        %get3A_154 = tpu.vector_load %arg10[%get3A_152, %get3A_153] {strides = array<i32>} : memref<128x128xf32, #tpu.memory_space<vmem>>, vector<1x16xf32>,
        %get3A_155 = vector.shape_cast %get3A_154 : vector<1x16xf32> to vector<16xf32>
        %mul3A_156 = arith.mulf %get3A_151, %get3A_155 : vector<16xf32>
        %swap3A_157 = arith.index_cast %scan3A_132 : i32 to index
        %swap3A_158 = arith.constant 16 : index
        %swap3A_159 = tpu.vector_load %arg11[%swap3A_157, %swap3A_158] {strides = array<i32>} : memref<128x128xf32, #tpu.memory_space<vmem>>, vector<1x16xf32>,
        %swap3A_160 = vector.shape_cast %swap3A_159 : vector<1x16xf32> to vector<16xf32>
        %swap3A_161 = vector.shape_cast %mul3A_156 : vector<16xf32> to vector<1x16xf32>
        tpu.vector_store %arg11[%swap3A_157, %swap3A_158], %swap3A_161 {strides = array<i32>} : memref<128x128xf32, #tpu.memory_space<vmem>>, vector<1x16xf32>,
        %get3A_162 = arith.index_cast %scan3A_132 : i32 to index
        %get3A_163 = arith.constant 32 : index
        %get3A_164 = tpu.vector_load %arg11[%get3A_162, %get3A_163] {strides = array<i32>} : memref<128x128xf32, #tpu.memory_space<vmem>>, vector<1x16xf32>,
        %get3A_165 = vector.shape_cast %get3A_164 : vector<1x16xf32> to vector<16xf32>
        %get3A_166 = arith.index_cast %scan3A_132 : i32 to index
        %get3A_167 = arith.constant 32 : index
        %get3A_168 = tpu.vector_load %arg10[%get3A_166, %get3A_167] {strides = array<i32>} : memref<128x128xf32, #tpu.memory_space<vmem>>, vector<1x16xf32>,
        %get3A_169 = vector.shape_cast %get3A_168 : vector<1x16xf32> to vector<16xf32>
        %mul3A_170 = arith.mulf %get3A_165, %get3A_169 : vector<16xf32>
        %swap3A_171 = arith.index_cast %scan3A_132 : i32 to index
        %swap3A_172 = arith.constant 32 : index
        %swap3A_173 = tpu.vector_load %arg11[%swap3A_171, %swap3A_172] {strides = array<i32>} : memref<128x128xf32, #tpu.memory_space<vmem>>, vector<1x16xf32>,
        %swap3A_174 = vector.shape_cast %swap3A_173 : vector<1x16xf32> to vector<16xf32>
        %swap3A_175 = vector.shape_cast %mul3A_170 : vector<16xf32> to vector<1x16xf32>
        tpu.vector_store %arg11[%swap3A_171, %swap3A_172], %swap3A_175 {strides = array<i32>} : memref<128x128xf32, #tpu.memory_space<vmem>>, vector<1x16xf32>,
        %get3A_176 = arith.index_cast %scan3A_132 : i32 to index
        %get3A_177 = arith.constant 48 : index
        %get3A_178 = tpu.vector_load %arg11[%get3A_176, %get3A_177] {strides = array<i32>} : memref<128x128xf32, #tpu.memory_space<vmem>>, vector<1x16xf32>,
        %get3A_179 = vector.shape_cast %get3A_178 : vector<1x16xf32> to vector<16xf32>
        %get3A_180 = arith.index_cast %scan3A_132 : i32 to index
        %get3A_181 = arith.constant 48 : index
        %get3A_182 = tpu.vector_load %arg10[%get3A_180, %get3A_181] {strides = array<i32>} : memref<128x128xf32, #tpu.memory_space<vmem>>, vector<1x16xf32>,
        %get3A_183 = vector.shape_cast %get3A_182 : vector<1x16xf32> to vector<16xf32>
        %mul3A_184 = arith.mulf %get3A_179, %get3A_183 : vector<16xf32>
        %swap3A_185 = arith.index_cast %scan3A_132 : i32 to index
        %swap3A_186 = arith.constant 48 : index
        %swap3A_187 = tpu.vector_load %arg11[%swap3A_185, %swap3A_186] {strides = array<i32>} : memref<128x128xf32, #tpu.memory_space<vmem>>, vector<1x16xf32>,
        %swap3A_188 = vector.shape_cast %swap3A_187 : vector<1x16xf32> to vector<16xf32>
        %swap3A_189 = vector.shape_cast %mul3A_184 : vector<16xf32> to vector<1x16xf32>
        tpu.vector_store %arg11[%swap3A_185, %swap3A_186], %swap3A_189 {strides = array<i32>} : memref<128x128xf32, #tpu.memory_space<vmem>>, vector<1x16xf32>,
        %get3A_190 = arith.index_cast %scan3A_132 : i32 to index
        %get3A_191 = arith.constant 64 : index
        %get3A_192 = tpu.vector_load %arg11[%get3A_190, %get3A_191] {strides = array<i32>} : memref<128x128xf32, #tpu.memory_space<vmem>>, vector<1x16xf32>,
        %get3A_193 = vector.shape_cast %get3A_192 : vector<1x16xf32> to vector<16xf32>
        %get3A_194 = arith.index_cast %scan3A_132 : i32 to index
        %get3A_195 = arith.constant 64 : index
        %get3A_196 = tpu.vector_load %arg10[%get3A_194, %get3A_195] {strides = array<i32>} : memref<128x128xf32, #tpu.memory_space<vmem>>, vector<1x16xf32>,
        %get3A_197 = vector.shape_cast %get3A_196 : vector<1x16xf32> to vector<16xf32>
        %mul3A_198 = arith.mulf %get3A_193, %get3A_197 : vector<16xf32>
        %swap3A_199 = arith.index_cast %scan3A_132 : i32 to index
        %swap3A_200 = arith.constant 64 : index
        %swap3A_201 = tpu.vector_load %arg11[%swap3A_199, %swap3A_200] {strides = array<i32>} : memref<128x128xf32, #tpu.memory_space<vmem>>, vector<1x16xf32>,
        %swap3A_202 = vector.shape_cast %swap3A_201 : vector<1x16xf32> to vector<16xf32>
        %swap3A_203 = vector.shape_cast %mul3A_198 : vector<16xf32> to vector<1x16xf32>
        tpu.vector_store %arg11[%swap3A_199, %swap3A_200], %swap3A_203 {strides = array<i32>} : memref<128x128xf32, #tpu.memory_space<vmem>>, vector<1x16xf32>,
        %get3A_204 = arith.index_cast %scan3A_132 : i32 to index
        %get3A_205 = arith.constant 80 : index
        %get3A_206 = tpu.vector_load %arg11[%get3A_204, %get3A_205] {strides = array<i32>} : memref<128x128xf32, #tpu.memory_space<vmem>>, vector<1x16xf32>,
        %get3A_207 = vector.shape_cast %get3A_206 : vector<1x16xf32> to vector<16xf32>
        %get3A_208 = arith.index_cast %scan3A_132 : i32 to index
        %get3A_209 = arith.constant 80 : index
        %get3A_210 = tpu.vector_load %arg10[%get3A_208, %get3A_209] {strides = array<i32>} : memref<128x128xf32, #tpu.memory_space<vmem>>, vector<1x16xf32>,
        %get3A_211 = vector.shape_cast %get3A_210 : vector<1x16xf32> to vector<16xf32>
        %mul3A_212 = arith.mulf %get3A_207, %get3A_211 : vector<16xf32>
        %swap3A_213 = arith.index_cast %scan3A_132 : i32 to index
        %swap3A_214 = arith.constant 80 : index
        %swap3A_215 = tpu.vector_load %arg11[%swap3A_213, %swap3A_214] {strides = array<i32>} : memref<128x128xf32, #tpu.memory_space<vmem>>, vector<1x16xf32>,
        %swap3A_216 = vector.shape_cast %swap3A_215 : vector<1x16xf32> to vector<16xf32>
        %swap3A_217 = vector.shape_cast %mul3A_212 : vector<16xf32> to vector<1x16xf32>
        tpu.vector_store %arg11[%swap3A_213, %swap3A_214], %swap3A_217 {strides = array<i32>} : memref<128x128xf32, #tpu.memory_space<vmem>>, vector<1x16xf32>,
        %get3A_218 = arith.index_cast %scan3A_132 : i32 to index
        %get3A_219 = arith.constant 96 : index
        %get3A_220 = tpu.vector_load %arg11[%get3A_218, %get3A_219] {strides = array<i32>} : memref<128x128xf32, #tpu.memory_space<vmem>>, vector<1x16xf32>,
        %get3A_221 = vector.shape_cast %get3A_220 : vector<1x16xf32> to vector<16xf32>
        %get3A_222 = arith.index_cast %scan3A_132 : i32 to index
        %get3A_223 = arith.constant 96 : index
        %get3A_224 = tpu.vector_load %arg10[%get3A_222, %get3A_223] {strides = array<i32>} : memref<128x128xf32, #tpu.memory_space<vmem>>, vector<1x16xf32>,
        %get3A_225 = vector.shape_cast %get3A_224 : vector<1x16xf32> to vector<16xf32>
        %mul3A_226 = arith.mulf %get3A_221, %get3A_225 : vector<16xf32>
        %swap3A_227 = arith.index_cast %scan3A_132 : i32 to index
        %swap3A_228 = arith.constant 96 : index
        %swap3A_229 = tpu.vector_load %arg11[%swap3A_227, %swap3A_228] {strides = array<i32>} : memref<128x128xf32, #tpu.memory_space<vmem>>, vector<1x16xf32>,
        %swap3A_230 = vector.shape_cast %swap3A_229 : vector<1x16xf32> to vector<16xf32>
        %swap3A_231 = vector.shape_cast %mul3A_226 : vector<16xf32> to vector<1x16xf32>
        tpu.vector_store %arg11[%swap3A_227, %swap3A_228], %swap3A_231 {strides = array<i32>} : memref<128x128xf32, #tpu.memory_space<vmem>>, vector<1x16xf32>,
        %get3A_232 = arith.index_cast %scan3A_132 : i32 to index
        %get3A_233 = arith.constant 112 : index
        %get3A_234 = tpu.vector_load %arg11[%get3A_232, %get3A_233] {strides = array<i32>} : memref<128x128xf32, #tpu.memory_space<vmem>>, vector<1x16xf32>,
        %get3A_235 = vector.shape_cast %get3A_234 : vector<1x16xf32> to vector<16xf32>
        %get3A_236 = arith.index_cast %scan3A_132 : i32 to index
        %get3A_237 = arith.constant 112 : index
        %get3A_238 = tpu.vector_load %arg10[%get3A_236, %get3A_237] {strides = array<i32>} : memref<128x128xf32, #tpu.memory_space<vmem>>, vector<1x16xf32>,
        %get3A_239 = vector.shape_cast %get3A_238 : vector<1x16xf32> to vector<16xf32>
        %mul3A_240 = arith.mulf %get3A_235, %get3A_239 : vector<16xf32>
        %swap3A_241 = arith.index_cast %scan3A_132 : i32 to index
        %swap3A_242 = arith.constant 112 : index
        %swap3A_243 = tpu.vector_load %arg11[%swap3A_241, %swap3A_242] {strides = array<i32>} : memref<128x128xf32, #tpu.memory_space<vmem>>, vector<1x16xf32>,
        %swap3A_244 = vector.shape_cast %swap3A_243 : vector<1x16xf32> to vector<16xf32>
        %swap3A_245 = vector.shape_cast %mul3A_240 : vector<16xf32> to vector<1x16xf32>
        tpu.vector_store %arg11[%swap3A_241, %swap3A_242], %swap3A_245 {strides = array<i32>} : memref<128x128xf32, #tpu.memory_space<vmem>>, vector<1x16xf32>,
        %scan3A_246 = arith.constant 0 : i32
        %scan3A_247 = arith.constant 1 : i32
        %scan3A_248 = arith.addi %scan3A_132, %scan3A_247 : i32
        %get3A_249 = arith.index_cast %scan3A_248 : i32 to index
        %get3A_250 = arith.constant 0 : index
        %get3A_251 = tpu.vector_load %arg11[%get3A_249, %get3A_250] {strides = array<i32>} : memref<128x128xf32, #tpu.memory_space<vmem>>, vector<1x16xf32>,
        %get3A_252 = vector.shape_cast %get3A_251 : vector<1x16xf32> to vector<16xf32>
        %get3A_253 = arith.index_cast %scan3A_248 : i32 to index
        %get3A_254 = arith.constant 0 : index
        %get3A_255 = tpu.vector_load %arg10[%get3A_253, %get3A_254] {strides = array<i32>} : memref<128x128xf32, #tpu.memory_space<vmem>>, vector<1x16xf32>,
        %get3A_256 = vector.shape_cast %get3A_255 : vector<1x16xf32> to vector<16xf32>
        %mul3A_257 = arith.mulf %get3A_252, %get3A_256 : vector<16xf32>
        %swap3A_258 = arith.index_cast %scan3A_248 : i32 to index
        %swap3A_259 = arith.constant 0 : index
        %swap3A_260 = tpu.vector_load %arg11[%swap3A_258, %swap3A_259] {strides = array<i32>} : memref<128x128xf32, #tpu.memory_space<vmem>>, vector<1x16xf32>,
        %swap3A_261 = vector.shape_cast %swap3A_260 : vector<1x16xf32> to vector<16xf32>
        %swap3A_262 = vector.shape_cast %mul3A_257 : vector<16xf32> to vector<1x16xf32>
        tpu.vector_store %arg11[%swap3A_258, %swap3A_259], %swap3A_262 {strides = array<i32>} : memref<128x128xf32, #tpu.memory_space<vmem>>, vector<1x16xf32>,
        %get3A_263 = arith.index_cast %scan3A_248 : i32 to index
        %get3A_264 = arith.constant 16 : index
        %get3A_265 = tpu.vector_load %arg11[%get3A_263, %get3A_264] {strides = array<i32>} : memref<128x128xf32, #tpu.memory_space<vmem>>, vector<1x16xf32>,
        %get3A_266 = vector.shape_cast %get3A_265 : vector<1x16xf32> to vector<16xf32>
        %get3A_267 = arith.index_cast %scan3A_248 : i32 to index
        %get3A_268 = arith.constant 16 : index
        %get3A_269 = tpu.vector_load %arg10[%get3A_267, %get3A_268] {strides = array<i32>} : memref<128x128xf32, #tpu.memory_space<vmem>>, vector<1x16xf32>,
        %get3A_270 = vector.shape_cast %get3A_269 : vector<1x16xf32> to vector<16xf32>
        %mul3A_271 = arith.mulf %get3A_266, %get3A_270 : vector<16xf32>
        %swap3A_272 = arith.index_cast %scan3A_248 : i32 to index
        %swap3A_273 = arith.constant 16 : index
        %swap3A_274 = tpu.vector_load %arg11[%swap3A_272, %swap3A_273] {strides = array<i32>} : memref<128x128xf32, #tpu.memory_space<vmem>>, vector<1x16xf32>,
        %swap3A_275 = vector.shape_cast %swap3A_274 : vector<1x16xf32> to vector<16xf32>
        %swap3A_276 = vector.shape_cast %mul3A_271 : vector<16xf32> to vector<1x16xf32>
        tpu.vector_store %arg11[%swap3A_272, %swap3A_273], %swap3A_276 {strides = array<i32>} : memref<128x128xf32, #tpu.memory_space<vmem>>, vector<1x16xf32>,
        %get3A_277 = arith.index_cast %scan3A_248 : i32 to index
        %get3A_278 = arith.constant 32 : index
        %get3A_279 = tpu.vector_load %arg11[%get3A_277, %get3A_278] {strides = array<i32>} : memref<128x128xf32, #tpu.memory_space<vmem>>, vector<1x16xf32>,
        %get3A_280 = vector.shape_cast %get3A_279 : vector<1x16xf32> to vector<16xf32>
        %get3A_281 = arith.index_cast %scan3A_248 : i32 to index
        %get3A_282 = arith.constant 32 : index
        %get3A_283 = tpu.vector_load %arg10[%get3A_281, %get3A_282] {strides = array<i32>} : memref<128x128xf32, #tpu.memory_space<vmem>>, vector<1x16xf32>,
        %get3A_284 = vector.shape_cast %get3A_283 : vector<1x16xf32> to vector<16xf32>
        %mul3A_285 = arith.mulf %get3A_280, %get3A_284 : vector<16xf32>
        %swap3A_286 = arith.index_cast %scan3A_248 : i32 to index
        %swap3A_287 = arith.constant 32 : index
        %swap3A_288 = tpu.vector_load %arg11[%swap3A_286, %swap3A_287] {strides = array<i32>} : memref<128x128xf32, #tpu.memory_space<vmem>>, vector<1x16xf32>,
        %swap3A_289 = vector.shape_cast %swap3A_288 : vector<1x16xf32> to vector<16xf32>
        %swap3A_290 = vector.shape_cast %mul3A_285 : vector<16xf32> to vector<1x16xf32>
        tpu.vector_store %arg11[%swap3A_286, %swap3A_287], %swap3A_290 {strides = array<i32>} : memref<128x128xf32, #tpu.memory_space<vmem>>, vector<1x16xf32>,
        %get3A_291 = arith.index_cast %scan3A_248 : i32 to index
        %get3A_292 = arith.constant 48 : index
        %get3A_293 = tpu.vector_load %arg11[%get3A_291, %get3A_292] {strides = array<i32>} : memref<128x128xf32, #tpu.memory_space<vmem>>, vector<1x16xf32>,
        %get3A_294 = vector.shape_cast %get3A_293 : vector<1x16xf32> to vector<16xf32>
        %get3A_295 = arith.index_cast %scan3A_248 : i32 to index
        %get3A_296 = arith.constant 48 : index
        %get3A_297 = tpu.vector_load %arg10[%get3A_295, %get3A_296] {strides = array<i32>} : memref<128x128xf32, #tpu.memory_space<vmem>>, vector<1x16xf32>,
        %get3A_298 = vector.shape_cast %get3A_297 : vector<1x16xf32> to vector<16xf32>
        %mul3A_299 = arith.mulf %get3A_294, %get3A_298 : vector<16xf32>
        %swap3A_300 = arith.index_cast %scan3A_248 : i32 to index
        %swap3A_301 = arith.constant 48 : index
        %swap3A_302 = tpu.vector_load %arg11[%swap3A_300, %swap3A_301] {strides = array<i32>} : memref<128x128xf32, #tpu.memory_space<vmem>>, vector<1x16xf32>,
        %swap3A_303 = vector.shape_cast %swap3A_302 : vector<1x16xf32> to vector<16xf32>
        %swap3A_304 = vector.shape_cast %mul3A_299 : vector<16xf32> to vector<1x16xf32>
        tpu.vector_store %arg11[%swap3A_300, %swap3A_301], %swap3A_304 {strides = array<i32>} : memref<128x128xf32, #tpu.memory_space<vmem>>, vector<1x16xf32>,
        %get3A_305 = arith.index_cast %scan3A_248 : i32 to index
        %get3A_306 = arith.constant 64 : index
        %get3A_307 = tpu.vector_load %arg11[%get3A_305, %get3A_306] {strides = array<i32>} : memref<128x128xf32, #tpu.memory_space<vmem>>, vector<1x16xf32>,
        %get3A_308 = vector.shape_cast %get3A_307 : vector<1x16xf32> to vector<16xf32>
        %get3A_309 = arith.index_cast %scan3A_248 : i32 to index
        %get3A_310 = arith.constant 64 : index
        %get3A_311 = tpu.vector_load %arg10[%get3A_309, %get3A_310] {strides = array<i32>} : memref<128x128xf32, #tpu.memory_space<vmem>>, vector<1x16xf32>,
        %get3A_312 = vector.shape_cast %get3A_311 : vector<1x16xf32> to vector<16xf32>
        %mul3A_313 = arith.mulf %get3A_308, %get3A_312 : vector<16xf32>
        %swap3A_314 = arith.index_cast %scan3A_248 : i32 to index
        %swap3A_315 = arith.constant 64 : index
        %swap3A_316 = tpu.vector_load %arg11[%swap3A_314, %swap3A_315] {strides = array<i32>} : memref<128x128xf32, #tpu.memory_space<vmem>>, vector<1x16xf32>,
        %swap3A_317 = vector.shape_cast %swap3A_316 : vector<1x16xf32> to vector<16xf32>
        %swap3A_318 = vector.shape_cast %mul3A_313 : vector<16xf32> to vector<1x16xf32>
        tpu.vector_store %arg11[%swap3A_314, %swap3A_315], %swap3A_318 {strides = array<i32>} : memref<128x128xf32, #tpu.memory_space<vmem>>, vector<1x16xf32>,
        %get3A_319 = arith.index_cast %scan3A_248 : i32 to index
        %get3A_320 = arith.constant 80 : index
        %get3A_321 = tpu.vector_load %arg11[%get3A_319, %get3A_320] {strides = array<i32>} : memref<128x128xf32, #tpu.memory_space<vmem>>, vector<1x16xf32>,
        %get3A_322 = vector.shape_cast %get3A_321 : vector<1x16xf32> to vector<16xf32>
        %get3A_323 = arith.index_cast %scan3A_248 : i32 to index
        %get3A_324 = arith.constant 80 : index
        %get3A_325 = tpu.vector_load %arg10[%get3A_323, %get3A_324] {strides = array<i32>} : memref<128x128xf32, #tpu.memory_space<vmem>>, vector<1x16xf32>,
        %get3A_326 = vector.shape_cast %get3A_325 : vector<1x16xf32> to vector<16xf32>
        %mul3A_327 = arith.mulf %get3A_322, %get3A_326 : vector<16xf32>
        %swap3A_328 = arith.index_cast %scan3A_248 : i32 to index
        %swap3A_329 = arith.constant 80 : index
        %swap3A_330 = tpu.vector_load %arg11[%swap3A_328, %swap3A_329] {strides = array<i32>} : memref<128x128xf32, #tpu.memory_space<vmem>>, vector<1x16xf32>,
        %swap3A_331 = vector.shape_cast %swap3A_330 : vector<1x16xf32> to vector<16xf32>
        %swap3A_332 = vector.shape_cast %mul3A_327 : vector<16xf32> to vector<1x16xf32>
        tpu.vector_store %arg11[%swap3A_328, %swap3A_329], %swap3A_332 {strides = array<i32>} : memref<128x128xf32, #tpu.memory_space<vmem>>, vector<1x16xf32>,
        %get3A_333 = arith.index_cast %scan3A_248 : i32 to index
        %get3A_334 = arith.constant 96 : index
        %get3A_335 = tpu.vector_load %arg11[%get3A_333, %get3A_334] {strides = array<i32>} : memref<128x128xf32, #tpu.memory_space<vmem>>, vector<1x16xf32>,
        %get3A_336 = vector.shape_cast %get3A_335 : vector<1x16xf32> to vector<16xf32>
        %get3A_337 = arith.index_cast %scan3A_248 : i32 to index
        %get3A_338 = arith.constant 96 : index
        %get3A_339 = tpu.vector_load %arg10[%get3A_337, %get3A_338] {strides = array<i32>} : memref<128x128xf32, #tpu.memory_space<vmem>>, vector<1x16xf32>,
        %get3A_340 = vector.shape_cast %get3A_339 : vector<1x16xf32> to vector<16xf32>
        %mul3A_341 = arith.mulf %get3A_336, %get3A_340 : vector<16xf32>
        %swap3A_342 = arith.index_cast %scan3A_248 : i32 to index
        %swap3A_343 = arith.constant 96 : index
        %swap3A_344 = tpu.vector_load %arg11[%swap3A_342, %swap3A_343] {strides = array<i32>} : memref<128x128xf32, #tpu.memory_space<vmem>>, vector<1x16xf32>,
        %swap3A_345 = vector.shape_cast %swap3A_344 : vector<1x16xf32> to vector<16xf32>
        %swap3A_346 = vector.shape_cast %mul3A_341 : vector<16xf32> to vector<1x16xf32>
        tpu.vector_store %arg11[%swap3A_342, %swap3A_343], %swap3A_346 {strides = array<i32>} : memref<128x128xf32, #tpu.memory_space<vmem>>, vector<1x16xf32>,
        %get3A_347 = arith.index_cast %scan3A_248 : i32 to index
        %get3A_348 = arith.constant 112 : index
        %get3A_349 = tpu.vector_load %arg11[%get3A_347, %get3A_348] {strides = array<i32>} : memref<128x128xf32, #tpu.memory_space<vmem>>, vector<1x16xf32>,
        %get3A_350 = vector.shape_cast %get3A_349 : vector<1x16xf32> to vector<16xf32>
        %get3A_351 = arith.index_cast %scan3A_248 : i32 to index
        %get3A_352 = arith.constant 112 : index
        %get3A_353 = tpu.vector_load %arg10[%get3A_351, %get3A_352] {strides = array<i32>} : memref<128x128xf32, #tpu.memory_space<vmem>>, vector<1x16xf32>,
        %get3A_354 = vector.shape_cast %get3A_353 : vector<1x16xf32> to vector<16xf32>
        %mul3A_355 = arith.mulf %get3A_350, %get3A_354 : vector<16xf32>
        %swap3A_356 = arith.index_cast %scan3A_248 : i32 to index
        %swap3A_357 = arith.constant 112 : index
        %swap3A_358 = tpu.vector_load %arg11[%swap3A_356, %swap3A_357] {strides = array<i32>} : memref<128x128xf32, #tpu.memory_space<vmem>>, vector<1x16xf32>,
        %swap3A_359 = vector.shape_cast %swap3A_358 : vector<1x16xf32> to vector<16xf32>
        %swap3A_360 = vector.shape_cast %mul3A_355 : vector<16xf32> to vector<1x16xf32>
        tpu.vector_store %arg11[%swap3A_356, %swap3A_357], %swap3A_360 {strides = array<i32>} : memref<128x128xf32, #tpu.memory_space<vmem>>, vector<1x16xf32>,
        %scan3A_361 = arith.constant 0 : i32
        scf.yield %scan3A_361 : i32
      }
      %scan3A_130 = arith.constant 128 : i32
      "tpu.region"() ({
        %run_scoped3A = tpu.sem_alloc : memref<!tpu.dma_semaphore, #tpu.memory_space<semaphore_mem>>
        %dma_start3A_132 = arith.constant 0 : i32
        %dma_start3A_133 = arith.constant 0 : i32
        %dma_start3A_134 = tpu.memref_slice %arg12[%dma_start3A_132, %dma_start3A_133] : memref<10240x128xf32, #tpu.memory_space<vmem_shared>> -> memref<10240x128xf32, #tpu.memory_space<vmem_shared>>
        tpu.enqueue_indirect_dma source(%arg11 : memref<128x128xf32, #tpu.memory_space<vmem>>) target(%dma_start3A_134 : memref<10240x128xf32, #tpu.memory_space<vmem_shared>>) offsets(%arg8 : memref<128xi32, #tpu.memory_space<vmem>>) semaphore(%run_scoped3A : memref<!tpu.dma_semaphore, #tpu.memory_space<semaphore_mem>>) {add = true}
        %dma_wait3A_135 = arith.constant 0 : i32
        %dma_wait3A_136 = arith.constant 0 : i32
        %dma_wait3A_137 = tpu.memref_slice %arg12[%dma_wait3A_135, %dma_wait3A_136] : memref<10240x128xf32, #tpu.memory_space<vmem_shared>> -> memref<10240x128xf32, #tpu.memory_space<vmem_shared>>
        tpu.wait_indirect_dma semaphore(%run_scoped3A : memref<!tpu.dma_semaphore, #tpu.memory_space<semaphore_mem>>) src(%arg11 : memref<128x128xf32, #tpu.memory_space<vmem>>) dst(%dma_wait3A_137 : memref<10240x128xf32, #tpu.memory_space<vmem_shared>>)
        tpu.yield
      }) : () -> ()
      %while3A_131 = arith.constant 0 : i32
      scf.yield %while3A_131 : i32
    }
    %barrier3A_35 = arith.constant 0 : index
    tpu.barrier barrier_id(%barrier3A_35)
    %mul3A_36 = arith.constant 640 : i32
    %mul3A_37 = arith.muli %arg1, %mul3A_36 : i32
    %mul3A_38 = arith.constant 10240 : i32
    %mul3A_39 = arith.muli %arg0, %mul3A_38 : i32
    %mul3A_40 = arith.constant 640 : i32
    %mul3A_41 = arith.muli %arg1, %mul3A_40 : i32
    %add3A_42 = arith.addi %mul3A_39, %mul3A_41 : i32
    "tpu.region"() ({
      %run_scoped3A = tpu.sem_alloc : memref<!tpu.dma_semaphore, #tpu.memory_space<semaphore_mem>>
      %dma_start3A = arith.constant 0 : i32
      %dma_start3A_43 = tpu.memref_slice %arg7[%add3A_42, %dma_start3A] : memref<20480x128xf32, #tpu.memory_space<hbm>> -> memref<640x128xf32, #tpu.memory_space<hbm>>
      %dma_start3A_44 = arith.constant 0 : i32
      %dma_start3A_45 = tpu.memref_slice %arg12[%mul3A_37, %dma_start3A_44] : memref<10240x128xf32, #tpu.memory_space<vmem_shared>> -> memref<640x128xf32, #tpu.memory_space<vmem_shared>>
      tpu.enqueue_dma source(%dma_start3A_45 : memref<640x128xf32, #tpu.memory_space<vmem_shared>>) target(%dma_start3A_43 : memref<640x128xf32, #tpu.memory_space<hbm>>) target_semaphore(%run_scoped3A : memref<!tpu.dma_semaphore, #tpu.memory_space<semaphore_mem>>)
      %dma_wait3A = arith.constant 0 : i32
      %dma_wait3A_46 = tpu.memref_slice %arg7[%add3A_42, %dma_wait3A] : memref<20480x128xf32, #tpu.memory_space<hbm>> -> memref<640x128xf32, #tpu.memory_space<hbm>>
      %dma_wait3A_47 = arith.constant 0 : i32
      %dma_wait3A_48 = tpu.memref_slice %arg12[%mul3A_37, %dma_wait3A_47] : memref<10240x128xf32, #tpu.memory_space<vmem_shared>> -> memref<640x128xf32, #tpu.memory_space<vmem_shared>>
      tpu.wait_dma2 semaphore(%run_scoped3A : memref<!tpu.dma_semaphore, #tpu.memory_space<semaphore_mem>>) src(%dma_wait3A_48 : memref<640x128xf32, #tpu.memory_space<vmem_shared>>) dst(%dma_wait3A_46 : memref<640x128xf32, #tpu.memory_space<hbm>>)
      tpu.yield
    }) : () -> ()
    return
  }
}

module attributes {stable_mosaic.version = 14 : i64} {
  func.func @_proj_body(%arg0: i32, %arg1: memref<1000x256xf32, #tpu.memory_space<vmem>>, %arg2: memref<1000x256xf32, #tpu.memory_space<vmem>>, %arg3: memref<1000x256xf32, #tpu.memory_space<vmem>>, %arg4: memref<256x256xf32, #tpu.memory_space<vmem>>, %arg5: memref<1x256xf32, #tpu.memory_space<vmem>>, %arg6: memref<256x256xf32, #tpu.memory_space<vmem>>, %arg7: memref<1x256xf32, #tpu.memory_space<vmem>>, %arg8: memref<256x256xf32, #tpu.memory_space<vmem>>, %arg9: memref<1x256xf32, #tpu.memory_space<vmem>>, %arg10: memref<1000x256xf32, #tpu.memory_space<vmem>>, %arg11: memref<1000x256xf32, #tpu.memory_space<vmem>>, %arg12: memref<1000x128xf32, #tpu.memory_space<vmem>>, %arg13: memref<1000x128xf32, #tpu.memory_space<vmem>>) attributes {dimension_semantics = [#tpu.dimension_semantics<arbitrary>], iteration_bounds = array<i64: 10>, scalar_prefetch = 0 : i64, scratch_operands = 0 : i64, tpu.core_type = #tpu.core_type<tc>, window_params = [{transform_indices = @transform_0, window_bounds = array<i64: 1000, 256>}, {transform_indices = @transform_1, window_bounds = array<i64: 1000, 256>}, {transform_indices = @transform_2, window_bounds = array<i64: 1000, 256>}, {pipeline_mode = #tpu.pipeline_mode<synchronous>, transform_indices = @transform_3, window_bounds = array<i64: 256, 256>}, {pipeline_mode = #tpu.pipeline_mode<synchronous>, transform_indices = @transform_4, window_bounds = array<i64: 1, 256>}, {pipeline_mode = #tpu.pipeline_mode<synchronous>, transform_indices = @transform_5, window_bounds = array<i64: 256, 256>}, {pipeline_mode = #tpu.pipeline_mode<synchronous>, transform_indices = @transform_6, window_bounds = array<i64: 1, 256>}, {pipeline_mode = #tpu.pipeline_mode<synchronous>, transform_indices = @transform_7, window_bounds = array<i64: 256, 256>}, {pipeline_mode = #tpu.pipeline_mode<synchronous>, transform_indices = @transform_8, window_bounds = array<i64: 1, 256>}, {transform_indices = @transform_9, window_bounds = array<i64: 1000, 256>}, {transform_indices = @transform_10, window_bounds = array<i64: 1000, 256>}, {transform_indices = @transform_11, window_bounds = array<i64: 1000, 128>}, {transform_indices = @transform_12, window_bounds = array<i64: 1000, 128>}]} {
    %get3A = arith.constant 0 : index
    %get3A_0 = arith.constant 0 : index
    %get3A_1 = vector.load %arg1[%get3A, %get3A_0] : memref<1000x256xf32, #tpu.memory_space<vmem>>, vector<1000x256xf32>
    %get3A_2 = arith.constant 0 : index
    %get3A_3 = arith.constant 0 : index
    %get3A_4 = vector.load %arg4[%get3A_2, %get3A_3] : memref<256x256xf32, #tpu.memory_space<vmem>>, vector<256x256xf32>
    %dot_general3A = arith.constant dense<0.000000e+00> : vector<1000x256xf32>
    %dot_general3A_5 = tpu.matmul %get3A_1, %get3A_4, %dot_general3A {dimension_numbers = #tpu.dot_dimension_numbers<[1], [0], [0], [1], [0, 0, 1, 1], [], []>, transpose_lhs_hint = false} : vector<1000x256xf32>, vector<256x256xf32>, vector<1000x256xf32> -> vector<1000x256xf32>
    %get3A_6 = arith.constant 0 : index
    %get3A_7 = arith.constant 0 : index
    %get3A_8 = vector.load %arg5[%get3A_6, %get3A_7] : memref<1x256xf32, #tpu.memory_space<vmem>>, vector<1x256xf32>
    %add3A = vector.broadcast %get3A_8 : vector<1x256xf32> to vector<1000x256xf32>
    %add3A_9 = arith.addf %dot_general3A_5, %add3A : vector<1000x256xf32>
    %get3A_10 = arith.constant 0 : index
    %get3A_11 = arith.constant 0 : index
    %get3A_12 = vector.load %arg2[%get3A_10, %get3A_11] : memref<1000x256xf32, #tpu.memory_space<vmem>>, vector<1000x256xf32>
    %get3A_13 = arith.constant 0 : index
    %get3A_14 = arith.constant 0 : index
    %get3A_15 = vector.load %arg6[%get3A_13, %get3A_14] : memref<256x256xf32, #tpu.memory_space<vmem>>, vector<256x256xf32>
    %dot_general3A_16 = arith.constant dense<0.000000e+00> : vector<1000x256xf32>
    %dot_general3A_17 = tpu.matmul %get3A_12, %get3A_15, %dot_general3A_16 {dimension_numbers = #tpu.dot_dimension_numbers<[1], [0], [0], [1], [0, 0, 1, 1], [], []>, transpose_lhs_hint = false} : vector<1000x256xf32>, vector<256x256xf32>, vector<1000x256xf32> -> vector<1000x256xf32>
    %get3A_18 = arith.constant 0 : index
    %get3A_19 = arith.constant 0 : index
    %get3A_20 = vector.load %arg7[%get3A_18, %get3A_19] : memref<1x256xf32, #tpu.memory_space<vmem>>, vector<1x256xf32>
    %add3A_21 = vector.broadcast %get3A_20 : vector<1x256xf32> to vector<1000x256xf32>
    %add3A_22 = arith.addf %dot_general3A_17, %add3A_21 : vector<1000x256xf32>
    %get3A_23 = arith.constant 0 : index
    %get3A_24 = arith.constant 0 : index
    %get3A_25 = vector.load %arg3[%get3A_23, %get3A_24] : memref<1000x256xf32, #tpu.memory_space<vmem>>, vector<1000x256xf32>
    %get3A_26 = arith.constant 0 : index
    %get3A_27 = arith.constant 0 : index
    %get3A_28 = vector.load %arg8[%get3A_26, %get3A_27] : memref<256x256xf32, #tpu.memory_space<vmem>>, vector<256x256xf32>
    %dot_general3A_29 = arith.constant dense<0.000000e+00> : vector<1000x256xf32>
    %dot_general3A_30 = tpu.matmul %get3A_25, %get3A_28, %dot_general3A_29 {dimension_numbers = #tpu.dot_dimension_numbers<[1], [0], [0], [1], [0, 0, 1, 1], [], []>, transpose_lhs_hint = false} : vector<1000x256xf32>, vector<256x256xf32>, vector<1000x256xf32> -> vector<1000x256xf32>
    %get3A_31 = arith.constant 0 : index
    %get3A_32 = arith.constant 0 : index
    %get3A_33 = vector.load %arg9[%get3A_31, %get3A_32] : memref<1x256xf32, #tpu.memory_space<vmem>>, vector<1x256xf32>
    %add3A_34 = vector.broadcast %get3A_33 : vector<1x256xf32> to vector<1000x256xf32>
    %add3A_35 = arith.addf %dot_general3A_30, %add3A_34 : vector<1000x256xf32>
    %swap3A = arith.constant 0 : index
    %swap3A_36 = arith.constant 0 : index
    %swap3A_37 = vector.load %arg10[%swap3A, %swap3A_36] : memref<1000x256xf32, #tpu.memory_space<vmem>>, vector<1000x256xf32>
    tpu.vector_store %arg10[%swap3A, %swap3A_36], %add3A_9 {strides = array<i32>} : memref<1000x256xf32, #tpu.memory_space<vmem>>, vector<1000x256xf32>,
    %swap3A_38 = arith.constant 0 : index
    %swap3A_39 = arith.constant 0 : index
    %swap3A_40 = vector.load %arg11[%swap3A_38, %swap3A_39] : memref<1000x256xf32, #tpu.memory_space<vmem>>, vector<1000x256xf32>
    tpu.vector_store %arg11[%swap3A_38, %swap3A_39], %add3A_22 {strides = array<i32>} : memref<1000x256xf32, #tpu.memory_space<vmem>>, vector<1000x256xf32>,
    %slice3A = vector.extract_strided_slice %add3A_35 {offsets = [0, 0], sizes = [1000, 128], strides = [1, 1]} : vector<1000x256xf32> to vector<1000x128xf32>
    %swap3A_41 = arith.constant 0 : index
    %swap3A_42 = arith.constant 0 : index
    %swap3A_43 = vector.load %arg12[%swap3A_41, %swap3A_42] : memref<1000x128xf32, #tpu.memory_space<vmem>>, vector<1000x128xf32>
    tpu.vector_store %arg12[%swap3A_41, %swap3A_42], %slice3A {strides = array<i32>} : memref<1000x128xf32, #tpu.memory_space<vmem>>, vector<1000x128xf32>,
    %slice3A_44 = vector.extract_strided_slice %add3A_35 {offsets = [0, 128], sizes = [1000, 128], strides = [1, 1]} : vector<1000x256xf32> to vector<1000x128xf32>
    %swap3A_45 = arith.constant 0 : index
    %swap3A_46 = arith.constant 0 : index
    %swap3A_47 = vector.load %arg13[%swap3A_45, %swap3A_46] : memref<1000x128xf32, #tpu.memory_space<vmem>>, vector<1000x128xf32>
    tpu.vector_store %arg13[%swap3A_45, %swap3A_46], %slice3A_44 {strides = array<i32>} : memref<1000x128xf32, #tpu.memory_space<vmem>>, vector<1000x128xf32>,
    return
  }
  func.func @transform_0(%arg0: i32) -> (i32, i32) {
    %c0_i32 = arith.constant 0 : i32
    %c0_i32_0 = arith.constant 0 : i32
    return %arg0, %c0_i32 : i32, i32
  }
  func.func @transform_1(%arg0: i32) -> (i32, i32) {
    %c0_i32 = arith.constant 0 : i32
    %c0_i32_0 = arith.constant 0 : i32
    return %arg0, %c0_i32 : i32, i32
  }
  func.func @transform_2(%arg0: i32) -> (i32, i32) {
    %c0_i32 = arith.constant 0 : i32
    %c0_i32_0 = arith.constant 0 : i32
    return %arg0, %c0_i32 : i32, i32
  }
  func.func @transform_3(%arg0: i32) -> (i32, i32) {
    %c0_i32 = arith.constant 0 : i32
    %c0_i32_0 = arith.constant 0 : i32
    %c0_i32_1 = arith.constant 0 : i32
    return %c0_i32, %c0_i32_0 : i32, i32
  }
  func.func @transform_4(%arg0: i32) -> (i32, i32) {
    %c0_i32 = arith.constant 0 : i32
    %c0_i32_0 = arith.constant 0 : i32
    %c0_i32_1 = arith.constant 0 : i32
    return %c0_i32, %c0_i32_0 : i32, i32
  }
  func.func @transform_5(%arg0: i32) -> (i32, i32) {
    %c0_i32 = arith.constant 0 : i32
    %c0_i32_0 = arith.constant 0 : i32
    %c0_i32_1 = arith.constant 0 : i32
    return %c0_i32, %c0_i32_0 : i32, i32
  }
  func.func @transform_6(%arg0: i32) -> (i32, i32) {
    %c0_i32 = arith.constant 0 : i32
    %c0_i32_0 = arith.constant 0 : i32
    %c0_i32_1 = arith.constant 0 : i32
    return %c0_i32, %c0_i32_0 : i32, i32
  }
  func.func @transform_7(%arg0: i32) -> (i32, i32) {
    %c0_i32 = arith.constant 0 : i32
    %c0_i32_0 = arith.constant 0 : i32
    %c0_i32_1 = arith.constant 0 : i32
    return %c0_i32, %c0_i32_0 : i32, i32
  }
  func.func @transform_8(%arg0: i32) -> (i32, i32) {
    %c0_i32 = arith.constant 0 : i32
    %c0_i32_0 = arith.constant 0 : i32
    %c0_i32_1 = arith.constant 0 : i32
    return %c0_i32, %c0_i32_0 : i32, i32
  }
  func.func @transform_9(%arg0: i32) -> (i32, i32) {
    %c0_i32 = arith.constant 0 : i32
    %c0_i32_0 = arith.constant 0 : i32
    return %arg0, %c0_i32 : i32, i32
  }
  func.func @transform_10(%arg0: i32) -> (i32, i32) {
    %c0_i32 = arith.constant 0 : i32
    %c0_i32_0 = arith.constant 0 : i32
    return %arg0, %c0_i32 : i32, i32
  }
  func.func @transform_11(%arg0: i32) -> (i32, i32) {
    %c0_i32 = arith.constant 0 : i32
    %c0_i32_0 = arith.constant 0 : i32
    return %arg0, %c0_i32 : i32, i32
  }
  func.func @transform_12(%arg0: i32) -> (i32, i32) {
    %c0_i32 = arith.constant 0 : i32
    %c0_i32_0 = arith.constant 0 : i32
    return %arg0, %c0_i32 : i32, i32
  }
}

module attributes {stable_mosaic.version = 14 : i64} {
  func.func @_scores_body(%arg0: i32, %arg1: memref<1000x256xf32, #tpu.memory_space<vmem>>, %arg2: memref<1000x256xf32, #tpu.memory_space<vmem>>, %arg3: memref<1000x256xf32, #tpu.memory_space<vmem>>, %arg4: memref<256x16xf32, #tpu.memory_space<vmem>>, %arg5: memref<1x16xf32, #tpu.memory_space<vmem>>, %arg6: memref<1000x16xf32, #tpu.memory_space<vmem>>) attributes {dimension_semantics = [#tpu.dimension_semantics<arbitrary>], iteration_bounds = array<i64: 160>, scalar_prefetch = 0 : i64, scratch_operands = 0 : i64, tpu.core_type = #tpu.core_type<tc>, window_params = [{transform_indices = @transform_0, window_bounds = array<i64: 1000, 256>}, {transform_indices = @transform_1, window_bounds = array<i64: 1000, 256>}, {transform_indices = @transform_2, window_bounds = array<i64: 1000, 256>}, {pipeline_mode = #tpu.pipeline_mode<synchronous>, transform_indices = @transform_3, window_bounds = array<i64: 256, 16>}, {pipeline_mode = #tpu.pipeline_mode<synchronous>, transform_indices = @transform_4, window_bounds = array<i64: 1, 16>}, {transform_indices = @transform_5, window_bounds = array<i64: 1000, 16>}]} {
    %iota3A = tpu.iota {dimensions = array<i32: 0>} : vector<256x16xi32>
    %jit3A = arith.constant 32 : i32
    %div3A = vector.broadcast %jit3A : i32 to vector<256x16xi32>
    %div3A_0 = arith.divsi %iota3A, %div3A : vector<256x16xi32>
    %sign3A = arith.constant 0 : i32
    %sign3A_1 = vector.broadcast %sign3A : i32 to vector<256x16xi32>
    %sign3A_2 = arith.cmpi sgt, %iota3A, %sign3A_1 : vector<256x16xi32>
    %sign3A_3 = arith.extui %sign3A_2 : vector<256x16xi1> to vector<256x16xi32>
    %sign3A_4 = arith.constant 0 : i32
    %sign3A_5 = vector.broadcast %sign3A_4 : i32 to vector<256x16xi32>
    %sign3A_6 = arith.cmpi slt, %iota3A, %sign3A_5 : vector<256x16xi32>
    %sign3A_7 = arith.extui %sign3A_6 : vector<256x16xi1> to vector<256x16xi32>
    %sign3A_8 = arith.subi %sign3A_3, %sign3A_7 : vector<256x16xi32>
    %sign3A_9 = arith.constant 0 : i32
    %sign3A_10 = arith.cmpi sgt, %jit3A, %sign3A_9 : i32
    %sign3A_11 = arith.extui %sign3A_10 : i1 to i32
    %sign3A_12 = arith.constant 0 : i32
    %sign3A_13 = arith.cmpi slt, %jit3A, %sign3A_12 : i32
    %sign3A_14 = arith.extui %sign3A_13 : i1 to i32
    %sign3A_15 = arith.subi %sign3A_11, %sign3A_14 : i32
    %ne3A = vector.broadcast %sign3A_15 : i32 to vector<256x16xi32>
    %ne3A_16 = arith.cmpi ne, %sign3A_8, %ne3A : vector<256x16xi32>
    %rem3A = vector.broadcast %jit3A : i32 to vector<256x16xi32>
    %rem3A_17 = arith.remsi %iota3A, %rem3A : vector<256x16xi32>
    %ne3A_18 = arith.constant 0 : i32
    %ne3A_19 = vector.broadcast %ne3A_18 : i32 to vector<256x16xi32>
    %ne3A_20 = arith.cmpi ne, %rem3A_17, %ne3A_19 : vector<256x16xi32>
    %and3A = arith.andi %ne3A_16, %ne3A_20 : vector<256x16xi1>
    %sub3A = arith.constant 1 : i32
    %sub3A_21 = vector.broadcast %sub3A : i32 to vector<256x16xi32>
    %sub3A_22 = arith.subi %div3A_0, %sub3A_21 : vector<256x16xi32>
    %select_n3A = arith.select %and3A, %sub3A_22, %div3A_0 : vector<256x16xi1>, vector<256x16xi32>
    %iota3A_23 = tpu.iota {dimensions = array<i32: 1>} : vector<256x16xi32>
    %eq3A = arith.cmpi eq, %select_n3A, %iota3A_23 : vector<256x16xi32>
    %convert_element_type3A = arith.extui %eq3A : vector<256x16xi1> to vector<256x16xi32>
    %convert_element_type3A_24 = arith.sitofp %convert_element_type3A : vector<256x16xi32> to vector<256x16xf32>
    %get3A = arith.constant 0 : index
    %get3A_25 = arith.constant 0 : index
    %get3A_26 = vector.load %arg1[%get3A, %get3A_25] : memref<1000x256xf32, #tpu.memory_space<vmem>>, vector<1000x256xf32>
    %get3A_27 = arith.constant 0 : index
    %get3A_28 = arith.constant 0 : index
    %get3A_29 = vector.load %arg2[%get3A_27, %get3A_28] : memref<1000x256xf32, #tpu.memory_space<vmem>>, vector<1000x256xf32>
    %mul3A = arith.mulf %get3A_26, %get3A_29 : vector<1000x256xf32>
    %dot_general3A = arith.constant dense<0.000000e+00> : vector<1000x16xf32>
    %dot_general3A_30 = tpu.matmul %mul3A, %convert_element_type3A_24, %dot_general3A {dimension_numbers = #tpu.dot_dimension_numbers<[1], [0], [0], [1], [0, 0, 1, 1], [], []>, transpose_lhs_hint = false} : vector<1000x256xf32>, vector<256x16xf32>, vector<1000x16xf32> -> vector<1000x16xf32>
    %mul3A_31 = arith.constant 0.176776692 : f32
    %mul3A_32 = vector.broadcast %mul3A_31 : f32 to vector<1000x16xf32>
    %mul3A_33 = arith.mulf %dot_general3A_30, %mul3A_32 : vector<1000x16xf32>
    %get3A_34 = arith.constant 0 : index
    %get3A_35 = arith.constant 0 : index
    %get3A_36 = vector.load %arg3[%get3A_34, %get3A_35] : memref<1000x256xf32, #tpu.memory_space<vmem>>, vector<1000x256xf32>
    %get3A_37 = arith.constant 0 : index
    %get3A_38 = arith.constant 0 : index
    %get3A_39 = vector.load %arg4[%get3A_37, %get3A_38] : memref<256x16xf32, #tpu.memory_space<vmem>>, vector<256x16xf32>
    %dot_general3A_40 = arith.constant dense<0.000000e+00> : vector<1000x16xf32>
    %dot_general3A_41 = tpu.matmul %get3A_36, %get3A_39, %dot_general3A_40 {dimension_numbers = #tpu.dot_dimension_numbers<[1], [0], [0], [1], [0, 0, 1, 1], [], []>, transpose_lhs_hint = false} : vector<1000x256xf32>, vector<256x16xf32>, vector<1000x16xf32> -> vector<1000x16xf32>
    %add3A = arith.addf %mul3A_33, %dot_general3A_41 : vector<1000x16xf32>
    %get3A_42 = arith.constant 0 : index
    %get3A_43 = arith.constant 0 : index
    %get3A_44 = vector.load %arg5[%get3A_42, %get3A_43] : memref<1x16xf32, #tpu.memory_space<vmem>>, vector<1x16xf32>
    %add3A_45 = vector.broadcast %get3A_44 : vector<1x16xf32> to vector<1000x16xf32>
    %add3A_46 = arith.addf %add3A, %add3A_45 : vector<1000x16xf32>
    %swap3A = arith.constant 0 : index
    %swap3A_47 = arith.constant 0 : index
    %swap3A_48 = vector.load %arg6[%swap3A, %swap3A_47] : memref<1000x16xf32, #tpu.memory_space<vmem>>, vector<1000x16xf32>
    tpu.vector_store %arg6[%swap3A, %swap3A_47], %add3A_46 {strides = array<i32>} : memref<1000x16xf32, #tpu.memory_space<vmem>>, vector<1000x16xf32>,
    return
  }
  func.func @transform_0(%arg0: i32) -> (i32, i32) {
    %c0_i32 = arith.constant 0 : i32
    %c0_i32_0 = arith.constant 0 : i32
    return %arg0, %c0_i32 : i32, i32
  }
  func.func @transform_1(%arg0: i32) -> (i32, i32) {
    %c0_i32 = arith.constant 0 : i32
    %c0_i32_0 = arith.constant 0 : i32
    return %arg0, %c0_i32 : i32, i32
  }
  func.func @transform_2(%arg0: i32) -> (i32, i32) {
    %c0_i32 = arith.constant 0 : i32
    %c0_i32_0 = arith.constant 0 : i32
    return %arg0, %c0_i32 : i32, i32
  }
  func.func @transform_3(%arg0: i32) -> (i32, i32) {
    %c0_i32 = arith.constant 0 : i32
    %c0_i32_0 = arith.constant 0 : i32
    %c0_i32_1 = arith.constant 0 : i32
    return %c0_i32, %c0_i32_0 : i32, i32
  }
  func.func @transform_4(%arg0: i32) -> (i32, i32) {
    %c0_i32 = arith.constant 0 : i32
    %c0_i32_0 = arith.constant 0 : i32
    %c0_i32_1 = arith.constant 0 : i32
    return %c0_i32, %c0_i32_0 : i32, i32
  }
  func.func @transform_5(%arg0: i32) -> (i32, i32) {
    %c0_i32 = arith.constant 0 : i32
    %c0_i32_0 = arith.constant 0 : i32
    return %arg0, %c0_i32 : i32, i32
  }
}

module attributes {stable_mosaic.version = 14 : i64} {
  func.func @_max_body(%arg0: i32, %arg1: memref<1000x16xf32, #tpu.memory_space<vmem>>, %arg2: memref<1x16xf32, #tpu.memory_space<vmem>>) attributes {dimension_semantics = [#tpu.dimension_semantics<arbitrary>], iteration_bounds = array<i64: 160>, scalar_prefetch = 0 : i64, scratch_operands = 0 : i64, tpu.core_type = #tpu.core_type<tc>, window_params = [{transform_indices = @transform_0, window_bounds = array<i64: 1000, 16>}, {pipeline_mode = #tpu.pipeline_mode<synchronous>, transform_indices = @transform_1, window_bounds = array<i64: 1, 16>}]} {
    %get3A = arith.constant 0 : index
    %get3A_0 = arith.constant 0 : index
    %get3A_1 = vector.load %arg1[%get3A, %get3A_0] : memref<1000x16xf32, #tpu.memory_space<vmem>>, vector<1000x16xf32>
    %reduce_max3A = arith.constant dense<0xFF800000> : vector<16xf32>
    %reduce_max3A_2 = vector.multi_reduction <maximumf>, %get3A_1, %reduce_max3A [0] : vector<1000x16xf32> to vector<16xf32>
    %broadcast_in_dim3A = vector.shape_cast %reduce_max3A_2 : vector<16xf32> to vector<1x16xf32>
    %eq3A = arith.constant 0 : i32
    %eq3A_3 = arith.cmpi eq, %arg0, %eq3A : i32
    %convert_element_type3A = arith.extui %eq3A_3 : i1 to i32
    %cond3A = arith.constant 0 : i32
    %cond3A_4 = arith.cmpi ne, %convert_element_type3A, %cond3A : i32
    scf.if %cond3A_4 {
      %swap3A = arith.constant 0 : index
      %swap3A_9 = arith.constant 0 : index
      %swap3A_10 = vector.load %arg2[%swap3A, %swap3A_9] : memref<1x16xf32, #tpu.memory_space<vmem>>, vector<1x16xf32>
      tpu.vector_store %arg2[%swap3A, %swap3A_9], %broadcast_in_dim3A {strides = array<i32>} : memref<1x16xf32, #tpu.memory_space<vmem>>, vector<1x16xf32>,
    } else {
    }
    %gt3A = arith.constant 0 : i32
    %gt3A_5 = arith.cmpi sgt, %arg0, %gt3A : i32
    %convert_element_type3A_6 = arith.extui %gt3A_5 : i1 to i32
    %cond3A_7 = arith.constant 0 : i32
    %cond3A_8 = arith.cmpi ne, %convert_element_type3A_6, %cond3A_7 : i32
    scf.if %cond3A_8 {
      %get3A_9 = arith.constant 0 : index
      %get3A_10 = arith.constant 0 : index
      %get3A_11 = vector.load %arg2[%get3A_9, %get3A_10] : memref<1x16xf32, #tpu.memory_space<vmem>>, vector<1x16xf32>
      %max3A = arith.maximumf %get3A_11, %broadcast_in_dim3A : vector<1x16xf32>
      %swap3A = arith.constant 0 : index
      %swap3A_12 = arith.constant 0 : index
      %swap3A_13 = vector.load %arg2[%swap3A, %swap3A_12] : memref<1x16xf32, #tpu.memory_space<vmem>>, vector<1x16xf32>
      tpu.vector_store %arg2[%swap3A, %swap3A_12], %max3A {strides = array<i32>} : memref<1x16xf32, #tpu.memory_space<vmem>>, vector<1x16xf32>,
    } else {
    }
    return
  }
  func.func @transform_0(%arg0: i32) -> (i32, i32) {
    %c0_i32 = arith.constant 0 : i32
    %c0_i32_0 = arith.constant 0 : i32
    return %arg0, %c0_i32 : i32, i32
  }
  func.func @transform_1(%arg0: i32) -> (i32, i32) {
    %c0_i32 = arith.constant 0 : i32
    %c0_i32_0 = arith.constant 0 : i32
    %c0_i32_1 = arith.constant 0 : i32
    return %c0_i32, %c0_i32_0 : i32, i32
  }
}

module attributes {stable_mosaic.version = 14 : i64} {
  func.func @_expand_body(%arg0: i32, %arg1: memref<1000x16xf32, #tpu.memory_space<vmem>>, %arg2: memref<1x16xf32, #tpu.memory_space<vmem>>, %arg3: memref<2x1000x128xf32, #tpu.memory_space<vmem>>) attributes {dimension_semantics = [#tpu.dimension_semantics<arbitrary>], iteration_bounds = array<i64: 160>, scalar_prefetch = 0 : i64, scratch_operands = 0 : i64, tpu.core_type = #tpu.core_type<tc>, window_params = [{transform_indices = @transform_0, window_bounds = array<i64: 1000, 16>}, {pipeline_mode = #tpu.pipeline_mode<synchronous>, transform_indices = @transform_1, window_bounds = array<i64: 1, 16>}, {transform_indices = @transform_2, window_bounds = array<i64: 2, 1000, 128>}]} {
    %get3A = arith.constant 0 : index
    %get3A_0 = arith.constant 0 : index
    %get3A_1 = vector.load %arg1[%get3A, %get3A_0] : memref<1000x16xf32, #tpu.memory_space<vmem>>, vector<1000x16xf32>
    %get3A_2 = arith.constant 0 : index
    %get3A_3 = arith.constant 0 : index
    %get3A_4 = vector.load %arg2[%get3A_2, %get3A_3] : memref<1x16xf32, #tpu.memory_space<vmem>>, vector<1x16xf32>
    %sub3A = vector.broadcast %get3A_4 : vector<1x16xf32> to vector<1000x16xf32>
    %sub3A_5 = arith.subf %get3A_1, %sub3A : vector<1000x16xf32>
    %exp3A = math.exp %sub3A_5 : vector<1000x16xf32>
    %iota3A = tpu.iota {dimensions = array<i32: 0>} : vector<16x128xi32>
    %iota3A_6 = tpu.iota {dimensions = array<i32: 1>} : vector<16x128xi32>
    %jit3A = arith.constant 32 : i32
    %div3A = vector.broadcast %jit3A : i32 to vector<16x128xi32>
    %div3A_7 = arith.divsi %iota3A_6, %div3A : vector<16x128xi32>
    %sign3A = arith.constant 0 : i32
    %sign3A_8 = vector.broadcast %sign3A : i32 to vector<16x128xi32>
    %sign3A_9 = arith.cmpi sgt, %iota3A_6, %sign3A_8 : vector<16x128xi32>
    %sign3A_10 = arith.extui %sign3A_9 : vector<16x128xi1> to vector<16x128xi32>
    %sign3A_11 = arith.constant 0 : i32
    %sign3A_12 = vector.broadcast %sign3A_11 : i32 to vector<16x128xi32>
    %sign3A_13 = arith.cmpi slt, %iota3A_6, %sign3A_12 : vector<16x128xi32>
    %sign3A_14 = arith.extui %sign3A_13 : vector<16x128xi1> to vector<16x128xi32>
    %sign3A_15 = arith.subi %sign3A_10, %sign3A_14 : vector<16x128xi32>
    %sign3A_16 = arith.constant 0 : i32
    %sign3A_17 = arith.cmpi sgt, %jit3A, %sign3A_16 : i32
    %sign3A_18 = arith.extui %sign3A_17 : i1 to i32
    %sign3A_19 = arith.constant 0 : i32
    %sign3A_20 = arith.cmpi slt, %jit3A, %sign3A_19 : i32
    %sign3A_21 = arith.extui %sign3A_20 : i1 to i32
    %sign3A_22 = arith.subi %sign3A_18, %sign3A_21 : i32
    %ne3A = vector.broadcast %sign3A_22 : i32 to vector<16x128xi32>
    %ne3A_23 = arith.cmpi ne, %sign3A_15, %ne3A : vector<16x128xi32>
    %rem3A = vector.broadcast %jit3A : i32 to vector<16x128xi32>
    %rem3A_24 = arith.remsi %iota3A_6, %rem3A : vector<16x128xi32>
    %ne3A_25 = arith.constant 0 : i32
    %ne3A_26 = vector.broadcast %ne3A_25 : i32 to vector<16x128xi32>
    %ne3A_27 = arith.cmpi ne, %rem3A_24, %ne3A_26 : vector<16x128xi32>
    %and3A = arith.andi %ne3A_23, %ne3A_27 : vector<16x128xi1>
    %sub3A_28 = arith.constant 1 : i32
    %sub3A_29 = vector.broadcast %sub3A_28 : i32 to vector<16x128xi32>
    %sub3A_30 = arith.subi %div3A_7, %sub3A_29 : vector<16x128xi32>
    %select_n3A = arith.select %and3A, %sub3A_30, %div3A_7 : vector<16x128xi1>, vector<16x128xi32>
    %eq3A = arith.cmpi eq, %iota3A, %select_n3A : vector<16x128xi32>
    %convert_element_type3A = arith.extui %eq3A : vector<16x128xi1> to vector<16x128xi32>
    %convert_element_type3A_31 = arith.sitofp %convert_element_type3A : vector<16x128xi32> to vector<16x128xf32>
    %add3A = arith.constant 4 : i32
    %add3A_32 = vector.broadcast %add3A : i32 to vector<16x128xi32>
    %add3A_33 = arith.addi %select_n3A, %add3A_32 : vector<16x128xi32>
    %eq3A_34 = arith.cmpi eq, %iota3A, %add3A_33 : vector<16x128xi32>
    %convert_element_type3A_35 = arith.extui %eq3A_34 : vector<16x128xi1> to vector<16x128xi32>
    %convert_element_type3A_36 = arith.sitofp %convert_element_type3A_35 : vector<16x128xi32> to vector<16x128xf32>
    %dot_general3A = arith.constant dense<0.000000e+00> : vector<1000x128xf32>
    %dot_general3A_37 = tpu.matmul %exp3A, %convert_element_type3A_31, %dot_general3A {dimension_numbers = #tpu.dot_dimension_numbers<[1], [0], [0], [1], [0, 0, 1, 1], [], []>, transpose_lhs_hint = false} : vector<1000x16xf32>, vector<16x128xf32>, vector<1000x128xf32> -> vector<1000x128xf32>
    %swap3A = arith.constant 0 : index
    %swap3A_38 = arith.constant 0 : index
    %swap3A_39 = arith.constant 0 : index
    %swap3A_40 = vector.load %arg3[%swap3A, %swap3A_38, %swap3A_39] : memref<2x1000x128xf32, #tpu.memory_space<vmem>>, vector<1x1000x128xf32>
    %swap3A_41 = vector.shape_cast %swap3A_40 : vector<1x1000x128xf32> to vector<1000x128xf32>
    %swap3A_42 = vector.shape_cast %dot_general3A_37 : vector<1000x128xf32> to vector<1x1000x128xf32>
    tpu.vector_store %arg3[%swap3A, %swap3A_38, %swap3A_39], %swap3A_42 {strides = array<i32>} : memref<2x1000x128xf32, #tpu.memory_space<vmem>>, vector<1x1000x128xf32>,
    %dot_general3A_43 = arith.constant dense<0.000000e+00> : vector<1000x128xf32>
    %dot_general3A_44 = tpu.matmul %exp3A, %convert_element_type3A_36, %dot_general3A_43 {dimension_numbers = #tpu.dot_dimension_numbers<[1], [0], [0], [1], [0, 0, 1, 1], [], []>, transpose_lhs_hint = false} : vector<1000x16xf32>, vector<16x128xf32>, vector<1000x128xf32> -> vector<1000x128xf32>
    %swap3A_45 = arith.constant 1 : index
    %swap3A_46 = arith.constant 0 : index
    %swap3A_47 = arith.constant 0 : index
    %swap3A_48 = vector.load %arg3[%swap3A_45, %swap3A_46, %swap3A_47] : memref<2x1000x128xf32, #tpu.memory_space<vmem>>, vector<1x1000x128xf32>
    %swap3A_49 = vector.shape_cast %swap3A_48 : vector<1x1000x128xf32> to vector<1000x128xf32>
    %swap3A_50 = vector.shape_cast %dot_general3A_44 : vector<1000x128xf32> to vector<1x1000x128xf32>
    tpu.vector_store %arg3[%swap3A_45, %swap3A_46, %swap3A_47], %swap3A_50 {strides = array<i32>} : memref<2x1000x128xf32, #tpu.memory_space<vmem>>, vector<1x1000x128xf32>,
    return
  }
  func.func @transform_0(%arg0: i32) -> (i32, i32) {
    %c0_i32 = arith.constant 0 : i32
    %c0_i32_0 = arith.constant 0 : i32
    return %arg0, %c0_i32 : i32, i32
  }
  func.func @transform_1(%arg0: i32) -> (i32, i32) {
    %c0_i32 = arith.constant 0 : i32
    %c0_i32_0 = arith.constant 0 : i32
    %c0_i32_1 = arith.constant 0 : i32
    return %c0_i32, %c0_i32_0 : i32, i32
  }
  func.func @transform_2(%arg0: i32) -> (i32, i32, i32) {
    %c0_i32 = arith.constant 0 : i32
    %c0_i32_0 = arith.constant 0 : i32
    %c0_i32_1 = arith.constant 0 : i32
    return %c0_i32, %arg0, %c0_i32_0 : i32, i32, i32
  }
}

module attributes {stable_mosaic.version = 14 : i64} {
  func.func @_outproj_body(%arg0: i32, %arg1: memref<1000x128xf32, #tpu.memory_space<vmem>>, %arg2: memref<1000x128xf32, #tpu.memory_space<vmem>>, %arg3: memref<2x1000x128xf32, #tpu.memory_space<vmem>>, %arg4: memref<256x256xf32, #tpu.memory_space<vmem>>, %arg5: memref<1x256xf32, #tpu.memory_space<vmem>>, %arg6: memref<1000x256xf32, #tpu.memory_space<vmem>>) attributes {dimension_semantics = [#tpu.dimension_semantics<arbitrary>], iteration_bounds = array<i64: 10>, scalar_prefetch = 0 : i64, scratch_operands = 0 : i64, tpu.core_type = #tpu.core_type<tc>, window_params = [{transform_indices = @transform_0, window_bounds = array<i64: 1000, 128>}, {transform_indices = @transform_1, window_bounds = array<i64: 1000, 128>}, {transform_indices = @transform_2, window_bounds = array<i64: 2, 1000, 128>}, {pipeline_mode = #tpu.pipeline_mode<synchronous>, transform_indices = @transform_3, window_bounds = array<i64: 256, 256>}, {pipeline_mode = #tpu.pipeline_mode<synchronous>, transform_indices = @transform_4, window_bounds = array<i64: 1, 256>}, {transform_indices = @transform_5, window_bounds = array<i64: 1000, 256>}]} {
    %get3A = arith.constant 0 : index
    %get3A_0 = arith.constant 0 : index
    %get3A_1 = vector.load %arg1[%get3A, %get3A_0] : memref<1000x128xf32, #tpu.memory_space<vmem>>, vector<1000x128xf32>
    %get3A_2 = arith.constant 0 : index
    %get3A_3 = arith.constant 0 : index
    %get3A_4 = arith.constant 0 : index
    %get3A_5 = vector.load %arg3[%get3A_2, %get3A_3, %get3A_4] : memref<2x1000x128xf32, #tpu.memory_space<vmem>>, vector<1x1000x128xf32>
    %get3A_6 = vector.shape_cast %get3A_5 : vector<1x1000x128xf32> to vector<1000x128xf32>
    %add3A = arith.constant 1.000000e-16 : f32
    %add3A_7 = vector.broadcast %add3A : f32 to vector<1000x128xf32>
    %add3A_8 = arith.addf %get3A_6, %add3A_7 : vector<1000x128xf32>
    %div3A = arith.divf %get3A_1, %add3A_8 : vector<1000x128xf32>
    %get3A_9 = arith.constant 0 : index
    %get3A_10 = arith.constant 0 : index
    %get3A_11 = vector.load %arg4[%get3A_9, %get3A_10] : memref<256x256xf32, #tpu.memory_space<vmem>>, vector<128x256xf32>
    %dot_general3A = arith.constant dense<0.000000e+00> : vector<1000x256xf32>
    %dot_general3A_12 = tpu.matmul %div3A, %get3A_11, %dot_general3A {dimension_numbers = #tpu.dot_dimension_numbers<[1], [0], [0], [1], [0, 0, 1, 1], [], []>, transpose_lhs_hint = false} : vector<1000x128xf32>, vector<128x256xf32>, vector<1000x256xf32> -> vector<1000x256xf32>
    %get3A_13 = arith.constant 0 : index
    %get3A_14 = arith.constant 0 : index
    %get3A_15 = vector.load %arg2[%get3A_13, %get3A_14] : memref<1000x128xf32, #tpu.memory_space<vmem>>, vector<1000x128xf32>
    %get3A_16 = arith.constant 1 : index
    %get3A_17 = arith.constant 0 : index
    %get3A_18 = arith.constant 0 : index
    %get3A_19 = vector.load %arg3[%get3A_16, %get3A_17, %get3A_18] : memref<2x1000x128xf32, #tpu.memory_space<vmem>>, vector<1x1000x128xf32>
    %get3A_20 = vector.shape_cast %get3A_19 : vector<1x1000x128xf32> to vector<1000x128xf32>
    %add3A_21 = arith.constant 1.000000e-16 : f32
    %add3A_22 = vector.broadcast %add3A_21 : f32 to vector<1000x128xf32>
    %add3A_23 = arith.addf %get3A_20, %add3A_22 : vector<1000x128xf32>
    %div3A_24 = arith.divf %get3A_15, %add3A_23 : vector<1000x128xf32>
    %get3A_25 = arith.constant 128 : index
    %get3A_26 = arith.constant 0 : index
    %get3A_27 = vector.load %arg4[%get3A_25, %get3A_26] : memref<256x256xf32, #tpu.memory_space<vmem>>, vector<128x256xf32>
    %dot_general3A_28 = arith.constant dense<0.000000e+00> : vector<1000x256xf32>
    %dot_general3A_29 = tpu.matmul %div3A_24, %get3A_27, %dot_general3A_28 {dimension_numbers = #tpu.dot_dimension_numbers<[1], [0], [0], [1], [0, 0, 1, 1], [], []>, transpose_lhs_hint = false} : vector<1000x128xf32>, vector<128x256xf32>, vector<1000x256xf32> -> vector<1000x256xf32>
    %add3A_30 = arith.addf %dot_general3A_12, %dot_general3A_29 : vector<1000x256xf32>
    %get3A_31 = arith.constant 0 : index
    %get3A_32 = arith.constant 0 : index
    %get3A_33 = vector.load %arg5[%get3A_31, %get3A_32] : memref<1x256xf32, #tpu.memory_space<vmem>>, vector<1x256xf32>
    %add3A_34 = vector.broadcast %get3A_33 : vector<1x256xf32> to vector<1000x256xf32>
    %add3A_35 = arith.addf %add3A_30, %add3A_34 : vector<1000x256xf32>
    %swap3A = arith.constant 0 : index
    %swap3A_36 = arith.constant 0 : index
    %swap3A_37 = vector.load %arg6[%swap3A, %swap3A_36] : memref<1000x256xf32, #tpu.memory_space<vmem>>, vector<1000x256xf32>
    tpu.vector_store %arg6[%swap3A, %swap3A_36], %add3A_35 {strides = array<i32>} : memref<1000x256xf32, #tpu.memory_space<vmem>>, vector<1000x256xf32>,
    return
  }
  func.func @transform_0(%arg0: i32) -> (i32, i32) {
    %c0_i32 = arith.constant 0 : i32
    %c0_i32_0 = arith.constant 0 : i32
    return %arg0, %c0_i32 : i32, i32
  }
  func.func @transform_1(%arg0: i32) -> (i32, i32) {
    %c0_i32 = arith.constant 0 : i32
    %c0_i32_0 = arith.constant 0 : i32
    return %arg0, %c0_i32 : i32, i32
  }
  func.func @transform_2(%arg0: i32) -> (i32, i32, i32) {
    %c0_i32 = arith.constant 0 : i32
    %c0_i32_0 = arith.constant 0 : i32
    %c0_i32_1 = arith.constant 0 : i32
    return %c0_i32, %arg0, %c0_i32_0 : i32, i32, i32
  }
  func.func @transform_3(%arg0: i32) -> (i32, i32) {
    %c0_i32 = arith.constant 0 : i32
    %c0_i32_0 = arith.constant 0 : i32
    %c0_i32_1 = arith.constant 0 : i32
    return %c0_i32, %c0_i32_0 : i32, i32
  }
  func.func @transform_4(%arg0: i32) -> (i32, i32) {
    %c0_i32 = arith.constant 0 : i32
    %c0_i32_0 = arith.constant 0 : i32
    %c0_i32_1 = arith.constant 0 : i32
    return %c0_i32, %c0_i32_0 : i32, i32
  }
  func.func @transform_5(%arg0: i32) -> (i32, i32) {
    %c0_i32 = arith.constant 0 : i32
    %c0_i32_0 = arith.constant 0 : i32
    return %arg0, %c0_i32 : i32, i32
  }
}

</mosaic_0001>

<sc_bundles>
// kernel: kernel.10.cloned.1.call-start
scs
__scs_entry_jumppad:
0x0: {  	(pc) =	sbr.rel $0x88, $3  }
0x1: {  	(tag) =	ssettag $0x0;
	lr =	simm.s32 $0x1  }
0x2: {  	[smem:$0x3F92] =	sst lr;
	_ =	strace $0xD0000000  }
0x3: {  	_ = 	snop  }
0x4: {  	_ = 	snop  }
0x5: {  	_ = 	snop  }
0x6: {  	_ = 	snop  }
0x7: {  	_ = 	snop  }
__scs_overlays_trampoline_lowered:
0x8: {  	[smem:$0x3FA1] =	sst s0  }
0x9: {  	[smem:$0x3FA2] =	sst s1  }
0xa: {  	[smem:$0x3FA3] =	sst s2  }
0xb: {  	[smem:$0x3FA4] =	sst s3  }
0xc: {  	[smem:$0x3FA5] =	sst s4  }
0xd: {  	[smem:$0x3FA6] =	sst s5  }
0xe: {  	[smem:$0x3FA7] =	sst s6  }
0xf: {  	[smem:$0x3FA8] =	sst s7  }
0x10: {  	[smem:$0x3FA9] =	sst s8  }
0x11: {  	[smem:$0x3FAA] =	sst s9;
	s0 =	simm.s32 @!p0 $0x0  }
0x12: {  	s1 =	sld [smem:$0x3F90];
	s0 =	simm.s32 @p0 $0x1  }
0x13: {  	[smem:$0x3FAB] =	sst s0;
	s0 =	simm.s32 @!p1 $0x0  }
0x14: {  	s2 =	sld [smem:$0x3F8F];
	s0 =	simm.s32 @p1 $0x1  }
0x15: {  	[smem:$0x3FAC] =	sst s0;
	s0 =	simm.s32 @!p2 $0x0  }
0x16: {  	s3 =	sld [smem:$0x3FDB];
	s0 =	simm.s32 @p2 $0x1  }
0x17: {  	s4 =	simm.s32 $0x1BF5;
	[smem:$0x3FAE] =	sst s0  }
0x18: {  	s0 =	sld [smem:$0x3F91];
	_ =	swait.ge [sflag:s4], $0x0  }
0x19: {  	s7 =	sld [smem:$0x3F92]  }
0x1a: {  	s8 =	sadd.s32 $0xFFFFE003, lr  }
0x1b: {  	s9 =	sadd.s32 $0xFFFFFEF7, lr;
	s5 =	simm.s32 $0xFFFFFFFF;
	p2 =	slt.u32 s8, $0xFFFFF086  }
0x1c: {  	p1 =	slt.u32 s9, $0xF7A;
	s5 =	simm.s32 @!p2 $0x0  }
0x1d: {  	s5 =	simm.s32 @p1 $0x1;
	p0 =	seq.s32 s7, s2  }
0x1e: {  	s7 =	smul.u32 @!p0 $0xF7A, s2;
	p2 =	seq.s32 @!p0 s5, $0x0  }
0x1f: {  	s9 =	smul.u32 $0xF7A, s1;
	s8 =	simm.s32 @!p0 $0x1BF5;
	p2 =	por !p2, p0  }
0x20: {  	[sflag:s8] =	ssyncset.s32 @!p0 $0xFFFFF086;
	s6 =	sadd.s32 @!p0 s3, s7;
	s7 =	simm.s32 @!p0 $0x108  }
0x21: {  	s3 =	sadd.s32 s3, s9;
	s6 =	sadd.s32 @!p0 $0x88, s6;
	s7 =	simm.s32 @p2 $0x1082  }
0x22: {  	[simem:s7], [sflag:s8] =	dma.local @!p0 [hbm:s6], $0xF7A  }
0x23: {  	s9 =	sor.u32 $0xD0000000, s2;
	s6 =	simm.s32 $0x108;
	_ =	swait.ge @!p0 [sflag:s8], $0x0  }
0x24: {  	s3 =	sadd.s32 $0x88, s3;
	s6 =	simm.s32 @!p1 $0x1082;
	[sflag:s4] =	ssyncset.s32 $0xFFFFF086  }
0x25: {  	[simem:s6], [sflag:s4] =	dma.local [hbm:s3], $0xF7A  }
0x26: {  	[smem:$0x3F92] =	sst s1;
	(tag) =	ssettag s2;
	_ =	strace s9  }
0x27: {  	s1 =	sld [smem:$0x3FA2]  }
0x28: {  	s2 =	sld [smem:$0x3FA3]  }
0x29: {  	s4 =	sld [smem:$0x3FA5]  }
0x2a: {  	p0 =	seq.s32 s5, $0x0;
	s5 =	sld [smem:$0x3FA6]  }
0x2b: {  	s6 =	sld [smem:$0x3FA7]  }
0x2c: {  	s7 =	sld [smem:$0x3FA8]  }
0x2d: {  	s3 =	simm.s32 $0x108;
	s8 =	sld [smem:$0x3FA9]  }
0x2e: {  	s3 =	simm.s32 @!p0 $0x1082;
	s9 =	sld [smem:$0x3FAA]  }
0x2f: {  	lr =	sadd.s32 s0, s3;
	s0 =	sld [smem:$0x3FA1]  }
0x30: {  	s3 =	sld [smem:$0x3FA4]  }
0x31: {  	[smem:$0x3FAD] =	sst s10  }
0x32: {  	s10 =	sld [smem:$0x3FAB];
	_ =	sdelay $0x3  }
0x33: {  	p0 =	seq.s32 s10, $0x1;
	s10 =	sld [smem:$0x3FAD];
	_ =	sdelay $0x3  }
0x34: {  	[smem:$0x3FAD] =	sst s10  }
0x35: {  	s10 =	sld [smem:$0x3FAC];
	_ =	sdelay $0x3  }
0x36: {  	p1 =	seq.s32 s10, $0x1;
	s10 =	sld [smem:$0x3FAD];
	_ =	sdelay $0x3  }
0x37: {  	[smem:$0x3FAD] =	sst s10  }
0x38: {  	s10 =	sld [smem:$0x3FAE]  }
0x39: {  	_ = 	snop;
	(pc) =	sbr.ind lr, $3  }
0x3a: {  	_ = 	snop  }
0x3b: {  	_ = 	snop  }
0x3c: {  	p2 =	seq.s32 s10, $0x1;
	s10 =	sld [smem:$0x3FAD]  }
0x3d: {  	_ =	shalt  }
0x3e: {  	_ =	shalt  }
0x3f: {  	_ =	shalt  }
0x40: {  	_ =	shalt  }
0x41: {  	_ =	shalt  }
0x42: {  	_ =	shalt  }
0x43: {  	_ =	shalt  }
0x44: {  	_ =	shalt  }
0x45: {  	_ =	shalt  }
0x46: {  	_ =	shalt  }
0x47: {  	_ =	shalt  }
0x48: {  	_ =	shalt  }
0x49: {  	_ =	shalt  }
0x4a: {  	_ =	shalt  }
0x4b: {  	_ =	shalt  }
0x4c: {  	_ =	shalt  }
0x4d: {  	_ =	shalt  }
0x4e: {  	_ =	shalt  }
0x4f: {  	_ =	shalt  }
0x50: {  	_ =	shalt  }
0x51: {  	_ =	shalt  }
0x52: {  	_ =	shalt  }
0x53: {  	_ =	shalt  }
0x54: {  	_ =	shalt  }
0x55: {  	_ =	shalt  }
0x56: {  	_ =	shalt  }
0x57: {  	_ =	shalt  }
0x58: {  	_ =	shalt  }
0x59: {  	_ =	shalt  }
0x5a: {  	_ =	shalt  }
0x5b: {  	_ =	shalt  }
0x5c: {  	_ =	shalt  }
0x5d: {  	_ =	shalt  }
0x5e: {  	_ =	shalt  }
0x5f: {  	_ =	shalt  }
0x60: {  	_ =	shalt  }
0x61: {  	_ =	shalt  }
0x62: {  	_ =	shalt  }
0x63: {  	_ =	shalt  }
0x64: {  	_ =	shalt  }
0x65: {  	_ =	shalt  }
0x66: {  	_ =	shalt  }
0x67: {  	_ =	shalt  }
0x68: {  	_ =	shalt  }
0x69: {  	_ =	shalt  }
0x6a: {  	_ =	shalt  }
0x6b: {  	_ =	shalt  }
0x6c: {  	_ =	shalt  }
0x6d: {  	_ =	shalt  }
0x6e: {  	_ =	shalt  }
0x6f: {  	_ =	shalt  }
0x70: {  	_ =	shalt  }
0x71: {  	_ =	shalt  }
0x72: {  	_ =	shalt  }
0x73: {  	_ =	shalt  }
0x74: {  	_ =	shalt  }
0x75: {  	_ =	shalt  }
0x76: {  	_ =	shalt  }
0x77: {  	_ =	shalt  }
0x78: {  	_ =	shalt  }
0x79: {  	_ =	shalt  }
0x7a: {  	_ =	shalt  }
0x7b: {  	_ =	shalt  }
0x7c: {  	_ =	shalt  }
0x7d: {  	_ =	shalt  }
0x7e: {  	_ =	shalt  }
0x7f: {  	_ =	shalt  }
0x80: {  	_ =	shalt  }
0x81: {  	_ =	shalt  }
0x82: {  	_ =	shalt  }
0x83: {  	_ =	shalt  }
0x84: {  	_ =	shalt  }
0x85: {  	_ =	shalt  }
0x86: {  	_ =	shalt  }
0x87: {  	_ =	shalt  }
.Lfunc_end0:
.L_simem_size_0:
called_computation_lowered:
.L_overlay_start_0:
0x88: {  	s2 =	sld [smem:$0x3FD9]  }
0x89: {  	s3 =	sld [smem:$0x3FFE];
	_ =	sdelay $0x1  }
0x8a: {  	s1 =	srdreg.scid  }
0x8b: {  	s0 =	sand.u32 $0x1, s1  }
0x8c: {  	s17 =	sshll.u32 s0, $0xA;
	s2 =	sadd.s32 s3, s2  }
0x8d: {  	s2 =	sadd.s32 s2, s17  }
0x8e: {  	[smem:$0x3FB9] =	sst s2  }
0x8f: {  	_ = 	snop  }
0x90: {  	s2 =	sld [smem:$0x3FD0];
	(tm) =	ssettm $0x1  }
0x91: {  	s18 =	sld [smem:$0x3FFB];
	_ =	sdelay $0x3  }
0x92: {  	_ =	strace s18  }
0x93: {  	s3 =	sld [smem:$0x3FFC];
	_ =	sdelay $0x3  }
0x94: {  	_ =	strace s3  }
0x95: {  	s3 =	sld [smem:$0x3FFD];
	_ =	sdelay $0x3  }
0x96: {  	_ =	strace s3  }
0x97: {  	_ =	strace $0x8FFFFFFF  }
0x98: {  	s19 =	sld [smem:$0x3FDB];
	_ =	sdelay $0x1  }
0x99: {  	s4 =	simm.s32 $_scs_section_size  }
0x9a: {  	s5 =	simm.s32 $_size__tile_overlayer_lowered;
	s6 =	simm.s32 $_tile_overlayer_lowered  }
0x9b: {  	s22 =	simm.s32 $0x1BFF;
	s21 =	sshll.u32 s6, $0x1;
	s3 =	sadd.s32 s4, s19  }
0x9c: {  	s7 =	simm.s32 $0x0;
	s20 =	sshll.u32 s5, $0x1;
	s5 =	sadd.s32 s21, s3  }
0x9d: {  	[timem:s7], [sflag:s22] =	dma.local [hbm:s5], s20  }
0x9e: {  	_ =	swait.ge [sflag:s22], s20  }
0x9f: {  	s4 =	ssub.s32 $0x0, s20;
	[sflag:s22] =	ssyncset.done $0x0  }
0xa0: {  	[sflag:s22] =	ssyncadd.s32 s4;
	_ =	sdelay $0x1  }
0xa1: {  	s23 =	simm.s32 $0x1B8B  }
0xa2: {  	_ =	swait.ge [sflag:s23], $0x1  }
0xa3: {  	[sflag:s23] =	ssyncset.done $0x0  }
0xa4: {  	s25 =	simm.s32 $0x1B8E;
	s24 =	sld [smem:$0x3FFE];
	[sflag:s23] =	ssyncadd.s32 $0xFFFFFFFF  }
0xa5: {  	s26 =	simm.s32 $execute0_lowered;
	[smem:$0x3FD2] =	sst s25  }
0xa6: {  	s5 =	sshll.u32 s26, $0x1;
	_ =	strace $0x80000046;
	[dreg:$0x1] =	wrdreg $0xFFFFFFFF  }
0xa7: {  	s28 =	simm.s32 $_size_execute0_lowered;
	s3 =	sadd.s32 s3, s5;
	[dreg:$0x0] =	wrdreg $0x0  }
0xa8: {  	s5 =	sshll.u32 s28, $0x1;
	[dreg:$0x2] =	wrdreg s3  }
0xa9: {  	[dreg:$0x3] =	wrdreg s5  }
0xaa: {  	[dreg:$0x4] =	wrdreg $0xC0  }
0xab: {  	_ =	task [dreg:s7], $0x5FFFF  }
0xac: {  	[dreg:$0x1] =	wrdreg $0xFFFFFFFF  }
0xad: {  	[dreg:$0x0] =	wrdreg $0x60  }
0xae: {  	[dreg:$0x2] =	wrdreg s24  }
0xaf: {  	[dreg:$0x3] =	wrdreg s2  }
0xb0: {  	[dreg:$0x4] =	wrdreg $0x9  }
0xb1: {  	_ =	task.clear_ibuf [dreg:s7], $0x5FFFF;
	_ =	strace $0x90000046  }
0xb2: {  	s29 =	simm.s32 $0x9;
	_ =	strace $0x80000048  }
0xb3: {  	_ =	swait.ge [sflag:s29], $0x1  }
0xb4: {  	[sflag:s29] =	ssyncadd.s32 $0xFFFFFFFF  }
0xb5: {  	_ =	strace $0x90000048  }
0xb6: {  	_ =	sfence  }
0xb7: {  	s30 =	sld [smem:$0x0];
	_ =	sdelay $0x2  }
0xb8: {  	s31 =	sshll.u32 s1, $0xD;
	s1 =	sshrl.u32 s1, $0x2  }
0xb9: {  	s3 =	sand.u32 $0x4000, s31;
	s1 =	sadd.s32 s1, s30  }
0xba: {  	s0 =	sor.u32 s3, s0;
	s1 =	sshll.u32 s1, $0x11  }
0xbb: {  	s0 =	sor.u32 s1, s0  }
0xbc: {  	s0 =	sadd.s32 $0x8F2B, s0  }
0xbd: {  	[sflag:s0] =	ssyncadd.remote.s32 $0x1  }
0xbe: {  	_ =	sfence.sel $0xFFFF  }
0xbf: {  	[dreg:$0x0] =	wrdreg $0xFFFFFFFF;
	(pc) =	sbr.abs _section_cstart, $3  }
0xc0: {  	[dreg:$0x1] =	wrdreg $0xFFFFFFFF  }
0xc1: {  	_ =	task.clear_ibuf [dreg:s7], $0x2FFFF;
	_ =	strace $0x9FFFFFFF  }
0xc2: {  	(tm) =	ssettm $0x7FFFFFFF  }
0xc3: {  	_ =	shalt  }
tec
execute0_lowered:
.L_overlay_start_1:
0x0: {  	(tag) =	ssettag $0x1  }
0x1: {  	s0 =	rddreg [dreg:$0x0]  }
0x2: {  	s1 =	rddreg [dreg:$0x1];
	s2 =	simm.s32 $0x0;
	s8 =	stileid.u32  }
0x3: {  	s5 =	srdreg.scid;
	[smem:$0x7FF] =	sst s2;
	s3 =	sadd.s32 $0x7400, s0  }
0x4: {  	s24 =	sadd.s32 $0x2400, s0;
	_ =	strace $0x80000047;
	[dreg:$0x3] =	wrdreg s3  }
0x5: {  	s26 =	simm.s32 $0x900;
	s31 =	simm.s32 $0x1100;
	[dreg:$0x4] =	wrdreg s24  }
0x6: {  	s9 =	simm.s32 $0x1900;
	s10 =	simm.s32 $0x2100;
	[dreg:$0x5] =	wrdreg s26  }
0x7: {  	s12 =	simm.s32 $0x2900;
	s13 =	simm.s32 $0x3100;
	[dreg:$0x6] =	wrdreg s31  }
0x8: {  	s15 =	simm.s32 $0x3900;
	s16 =	simm.s32 $0x4100;
	[dreg:$0x7] =	wrdreg s9  }
0x9: {  	s17 =	simm.s32 $0x4900;
	s19 =	simm.s32 $0x5100;
	[dreg:$0x8] =	wrdreg s10  }
0xa: {  	s22 =	simm.s32 $0x6100;
	s23 =	simm.s32 $0x6900;
	[dreg:$0x9] =	wrdreg s12  }
0xb: {  	s28 =	simm.s32 $0x2;
	s29 =	simm.s32 $0x0;
	[dreg:$0xa] =	wrdreg s13  }
0xc: {  	s4 =	sadd.s32 $0xC400, s0;
	s25 =	sshll.u32 s8, $0xD;
	[dreg:$0xb] =	wrdreg s15  }
0xd: {  	s5 =	sand.u32 $0x1, s5;
	s11 =	sshll.u32 s8, $0x1;
	[dreg:$0xc] =	wrdreg s16  }
0xe: {  	s18 =	sshll.u32 s8, $0x8;
	s6 =	sadd.s32 s25, s0;
	[dreg:$0xd] =	wrdreg s17  }
0xf: {  	s30 =	ssub.s32 $0x2, s5;
	s14 =	sor.u32 s11, s5;
	[dreg:$0xe] =	wrdreg s19  }
0x10: {  	s20 =	sshll.u32 s5, $0x7;
	s9 =	simm.s32 $0x5900;
	[dreg:$0x10] =	wrdreg s22  }
0x11: {  	s5 =	sshll.u32 s5, $0xC;
	[dreg:$0x11] =	wrdreg s23;
	s24 =	simm.s32 $0x7100  }
0x12: {  	s25 =	simm.s32 $0x7900;
	s26 =	simm.s32 $0x80;
	s10 =	simm.s32 $0x3  }
0x13: {  	s11 =	simm.s32 $0x100;
	s31 =	simm.s32 $0x9100;
	s12 =	simm.s32 $0x1  }
0x14: {  	s13 =	simm.s32 $0x8100;
	s15 =	simm.s32 $0xA100;
	[dreg:$0xf] =	wrdreg s9  }
0x15: {  	s16 =	simm.s32 $0xA900;
	s17 =	simm.s32 $0xB100;
	[dreg:$0x12] =	wrdreg s24  }
0x16: {  	s19 =	simm.s32 $0xC100;
	s22 =	simm.s32 $0xD900;
	[dreg:$0x13] =	wrdreg s25  }
0x17: {  	s23 =	simm.s32 $0xE100;
	s7 =	sshrl.u32 s30, $0x1;
	[dreg:$0x14] =	wrdreg s26  }
0x18: {  	s21 =	sor.u32 s20, s18;
	s5 =	sadd.s32 s5, s6;
	[dreg:$0x16] =	wrdreg s31  }
0x19: {  	s18 =	simm.s32 $0xB900;
	s20 =	simm.s32 $0xC900;
	s24 =	simm.s32 $0xE900  }
0x1a: {  	s25 =	simm.s32 $0xF100;
	s26 =	simm.s32 $0xF900;
	s3 =	ssub.s32 s30, s7  }
0x1b: {  	[dreg:$0x19] =	wrdreg s21;
	s8 =	sadd.s32 $0x5A600, s5;
	s3 =	smax.u32 s3, $0x1  }
0x1c: {  	v2 =	vlaneseq.u32;
	s30 =	simm.s32 $0x8900;
	[dreg:$0x17] =	wrdreg s3;
	s3 =	ssub.s32 $0x501, s14  }
0x1d: {  	vm0 =	vmmov $0xffff;
	v1 =	vshrl.u32 v2, $0x3;
	s9 =	sadd.s32 $0x53C600, s5;
	[dreg:$0x15] =	wrdreg s30;
	s3 =	sshrl.u32 s3, $0x5  }
0x1e: {  	v0 =	vand.u32 $0x7, v2;
	v2 =	vor.u32 $0x8, v2;
	v1 =	vmul.u32 $0x8, v1;
	s21 =	simm.s32 $0xD100;
	s14 =	simm.s32 $0x9900;
	[dreg:$0x18] =	wrdreg s3  }
.LBB2_1:
0x1f: {  	s7 =	rddreg [dreg:$0x19]  }
0x20: {  	s30 =	smov.u32 s9;
	s31 =	smov.u32 s8;
	s6 =	rddreg [dreg:$0x18]  }
.LBB2_2:
0x21: {  	s3 =	rddreg [dreg:$0x3];
	s5 =	sshrl.u32 s7, $0x3  }
0x22: {  	s3 =	sadd.s32 s3, s5  }
0x23: {  	[tilespmem:s2], [sflag:$0x3] =	stream.linear.gather [hbm4b:s3+s2], $0x80, $0x38;
	[tilespmem:$0x10100] =	vst v63  }
0x24: {  	_ =	swait.ge [sflag:s10], $0x80  }
0x25: {  	[sflag:s10] =	ssyncset.done $0x0  }
0x26: {  	[sflag:s10] =	ssyncadd.s32 $0xFFFFFF80  }
0x27: {  	v3 =	vld [tilespmem:$0x0];
	_ =	sdelay $0x4  }
0x28: {  	v4 =	vshll.u32 v3, $0x1  }
0x29: {  	v3 =	vand.u32 $0x7, v3;
	v4 =	vand.u32 $0xFFFFFFF0, v4  }
0x2a: {  	v3 =	vor.u32 v3, v4  }
0x2b: {  	v4 =	vperm.xlane v3, v0;
	_ =	sdelay $0x1  }
0x2c: {  	v3 =	vperm.xlane v3, v2;
	v4 =	vadd.s32 v1, v4;
	_ =	sdelay $0x1  }
0x2d: {  	v3 =	vadd.s32 v1, v3;
	_ =	sdelay $0x2  }
0x2e: {  	[tilespmem:s11], [sflag:$0x1] =	stream.indirect_vreg.gather [hbm4b:s4+s2], $0x80, v4, vm0, $0xb8;
	[tilespmem:$0x10100] =	vst v63  }
0x2f: {  	s0 =	rddreg [dreg:$0x5]  }
0x30: {  	[tilespmem:s0], [sflag:$0x1] =	stream.indirect_vreg.gather [hbm4b:s4+s2], $0x80, v3, vm0, $0xb8;
	[tilespmem:$0x10100] =	vst v63  }
0x31: {  	v3 =	vld [tilespmem:$0x10];
	_ =	sdelay $0x4  }
0x32: {  	v49 =	vshll.u32 v3, $0x1  }
0x33: {  	v3 =	vand.u32 $0x7, v3;
	v4 =	vand.u32 $0xFFFFFFF0, v49  }
0x34: {  	v3 =	vor.u32 v3, v4  }
0x35: {  	v4 =	vperm.xlane v3, v0;
	_ =	sdelay $0x1  }
0x36: {  	v3 =	vperm.xlane v3, v2;
	v4 =	vadd.s32 v1, v4;
	_ =	sdelay $0x1  }
0x37: {  	v3 =	vadd.s32 v1, v3;
	_ =	sdelay $0x1  }
0x38: {  	s3 =	rddreg [dreg:$0x6]  }
0x39: {  	[tilespmem:s3], [sflag:$0x1] =	stream.indirect_vreg.gather [hbm4b:s4+s2], $0x80, v4, vm0, $0xb8;
	[tilespmem:$0x10100] =	vst v63  }
0x3a: {  	s0 =	rddreg [dreg:$0x7]  }
0x3b: {  	[tilespmem:s0], [sflag:$0x1] =	stream.indirect_vreg.gather [hbm4b:s4+s2], $0x80, v3, vm0, $0xb8;
	[tilespmem:$0x10100] =	vst v63  }
0x3c: {  	v3 =	vld [tilespmem:$0x20];
	_ =	sdelay $0x4  }
0x3d: {  	v50 =	vshll.u32 v3, $0x1  }
0x3e: {  	v3 =	vand.u32 $0x7, v3;
	v4 =	vand.u32 $0xFFFFFFF0, v50  }
0x3f: {  	v3 =	vor.u32 v3, v4  }
0x40: {  	v4 =	vperm.xlane v3, v0;
	_ =	sdelay $0x1  }
0x41: {  	v3 =	vperm.xlane v3, v2;
	v4 =	vadd.s32 v1, v4;
	_ =	sdelay $0x1  }
0x42: {  	v3 =	vadd.s32 v1, v3;
	_ =	sdelay $0x1  }
0x43: {  	s0 =	rddreg [dreg:$0x8]  }
0x44: {  	[tilespmem:s0], [sflag:$0x1] =	stream.indirect_vreg.gather [hbm4b:s4+s2], $0x80, v4, vm0, $0xb8;
	[tilespmem:$0x10100] =	vst v63  }
0x45: {  	s3 =	rddreg [dreg:$0x9]  }
0x46: {  	[tilespmem:s3], [sflag:$0x1] =	stream.indirect_vreg.gather [hbm4b:s4+s2], $0x80, v3, vm0, $0xb8;
	[tilespmem:$0x10100] =	vst v63  }
0x47: {  	v3 =	vld [tilespmem:$0x30];
	_ =	sdelay $0x4  }
0x48: {  	v51 =	vshll.u32 v3, $0x1  }
0x49: {  	v3 =	vand.u32 $0x7, v3;
	v4 =	vand.u32 $0xFFFFFFF0, v51  }
0x4a: {  	v3 =	vor.u32 v3, v4  }
0x4b: {  	v4 =	vperm.xlane v3, v0;
	_ =	sdelay $0x1  }
0x4c: {  	v3 =	vperm.xlane v3, v2;
	v4 =	vadd.s32 v1, v4;
	_ =	sdelay $0x1  }
0x4d: {  	v3 =	vadd.s32 v1, v3;
	_ =	sdelay $0x1  }
0x4e: {  	s0 =	rddreg [dreg:$0xa]  }
0x4f: {  	[tilespmem:s0], [sflag:$0x1] =	stream.indirect_vreg.gather [hbm4b:s4+s2], $0x80, v4, vm0, $0xb8;
	[tilespmem:$0x10100] =	vst v63  }
0x50: {  	s3 =	rddreg [dreg:$0xb]  }
0x51: {  	[tilespmem:s3], [sflag:$0x1] =	stream.indirect_vreg.gather [hbm4b:s4+s2], $0x80, v3, vm0, $0xb8;
	[tilespmem:$0x10100] =	vst v63  }
0x52: {  	v3 =	vld [tilespmem:$0x40];
	_ =	sdelay $0x4  }
0x53: {  	v52 =	vshll.u32 v3, $0x1  }
0x54: {  	v3 =	vand.u32 $0x7, v3;
	v4 =	vand.u32 $0xFFFFFFF0, v52  }
0x55: {  	v3 =	vor.u32 v3, v4  }
0x56: {  	v4 =	vperm.xlane v3, v0;
	_ =	sdelay $0x1  }
0x57: {  	v3 =	vperm.xlane v3, v2;
	v4 =	vadd.s32 v1, v4;
	_ =	sdelay $0x1  }
0x58: {  	v3 =	vadd.s32 v1, v3;
	_ =	sdelay $0x1  }
0x59: {  	s0 =	rddreg [dreg:$0xc]  }
0x5a: {  	[tilespmem:s0], [sflag:$0x1] =	stream.indirect_vreg.gather [hbm4b:s4+s2], $0x80, v4, vm0, $0xb8;
	[tilespmem:$0x10100] =	vst v63  }
0x5b: {  	s3 =	rddreg [dreg:$0xd]  }
0x5c: {  	[tilespmem:s3], [sflag:$0x1] =	stream.indirect_vreg.gather [hbm4b:s4+s2], $0x80, v3, vm0, $0xb8;
	[tilespmem:$0x10100] =	vst v63  }
0x5d: {  	v3 =	vld [tilespmem:$0x50];
	_ =	sdelay $0x4  }
0x5e: {  	v53 =	vshll.u32 v3, $0x1  }
0x5f: {  	v3 =	vand.u32 $0x7, v3;
	v4 =	vand.u32 $0xFFFFFFF0, v53  }
0x60: {  	v3 =	vor.u32 v3, v4  }
0x61: {  	v4 =	vperm.xlane v3, v0;
	_ =	sdelay $0x1  }
0x62: {  	v3 =	vperm.xlane v3, v2;
	v4 =	vadd.s32 v1, v4;
	_ =	sdelay $0x1  }
0x63: {  	v3 =	vadd.s32 v1, v3;
	_ =	sdelay $0x1  }
0x64: {  	s0 =	rddreg [dreg:$0xe]  }
0x65: {  	[tilespmem:s0], [sflag:$0x1] =	stream.indirect_vreg.gather [hbm4b:s4+s2], $0x80, v4, vm0, $0xb8;
	[tilespmem:$0x10100] =	vst v63  }
0x66: {  	s3 =	rddreg [dreg:$0xf]  }
0x67: {  	[tilespmem:s3], [sflag:$0x1] =	stream.indirect_vreg.gather [hbm4b:s4+s2], $0x80, v3, vm0, $0xb8;
	[tilespmem:$0x10100] =	vst v63  }
0x68: {  	v3 =	vld [tilespmem:$0x60];
	_ =	sdelay $0x4  }
0x69: {  	v54 =	vshll.u32 v3, $0x1  }
0x6a: {  	v3 =	vand.u32 $0x7, v3;
	v4 =	vand.u32 $0xFFFFFFF0, v54  }
0x6b: {  	v3 =	vor.u32 v3, v4  }
0x6c: {  	v4 =	vperm.xlane v3, v0;
	_ =	sdelay $0x1  }
0x6d: {  	v3 =	vperm.xlane v3, v2;
	v4 =	vadd.s32 v1, v4;
	_ =	sdelay $0x1  }
0x6e: {  	v3 =	vadd.s32 v1, v3;
	_ =	sdelay $0x1  }
0x6f: {  	s0 =	rddreg [dreg:$0x10]  }
0x70: {  	[tilespmem:s0], [sflag:$0x1] =	stream.indirect_vreg.gather [hbm4b:s4+s2], $0x80, v4, vm0, $0xb8;
	[tilespmem:$0x10100] =	vst v63  }
0x71: {  	s3 =	rddreg [dreg:$0x11]  }
0x72: {  	[tilespmem:s3], [sflag:$0x1] =	stream.indirect_vreg.gather [hbm4b:s4+s2], $0x80, v3, vm0, $0xb8;
	[tilespmem:$0x10100] =	vst v63  }
0x73: {  	v3 =	vld [tilespmem:$0x70];
	_ =	sdelay $0x4  }
0x74: {  	v55 =	vshll.u32 v3, $0x1  }
0x75: {  	v3 =	vand.u32 $0x7, v3;
	v4 =	vand.u32 $0xFFFFFFF0, v55  }
0x76: {  	v3 =	vor.u32 v3, v4  }
0x77: {  	v4 =	vperm.xlane v3, v0;
	_ =	sdelay $0x1  }
0x78: {  	v3 =	vperm.xlane v3, v2;
	v4 =	vadd.s32 v1, v4;
	_ =	sdelay $0x1  }
0x79: {  	v3 =	vadd.s32 v1, v3;
	_ =	sdelay $0x1  }
0x7a: {  	s0 =	rddreg [dreg:$0x12]  }
0x7b: {  	[tilespmem:s0], [sflag:$0x1] =	stream.indirect_vreg.gather [hbm4b:s4+s2], $0x80, v4, vm0, $0xb8;
	[tilespmem:$0x10100] =	vst v63  }
0x7c: {  	s3 =	rddreg [dreg:$0x13]  }
0x7d: {  	[tilespmem:s3], [sflag:$0x1] =	stream.indirect_vreg.gather [hbm4b:s4+s2], $0x80, v3, vm0, $0xb8;
	[tilespmem:$0x10100] =	vst v63  }
0x7e: {  	_ =	swait.ge [sflag:s12], $0x8000  }
0x7f: {  	[sflag:s12] =	ssyncset.done $0x0  }
0x80: {  	[sflag:s12] =	ssyncadd.s32 $0xFFFF8000  }
0x81: {  	[hbm4b:s31+s2] =	stream.linear.scatter [tilespmem:s11], [sflag:$0x3], $0x8000, $0x38;
	[tilespmem:$0x10100] =	vst v63  }
0x82: {  	_ =	swait.ge [sflag:s10], $0x8000  }
0x83: {  	s0 =	rddreg [dreg:$0x4];
	[sflag:s10] =	ssyncset.done $0x0  }
0x84: {  	s3 =	rddreg [dreg:$0x14];
	s0 =	sadd.s32 s0, s5;
	[sflag:s10] =	ssyncadd.s32 $0xFFFF8000  }
0x85: {  	[tilespmem:s3], [sflag:$0x3] =	stream.linear.gather [hbm4b:s0+s2], $0x80, $0x38;
	[tilespmem:$0x10100] =	vst v63  }
0x86: {  	_ =	swait.ge [sflag:s10], $0x80  }
0x87: {  	[sflag:s10] =	ssyncset.done $0x0  }
0x88: {  	[sflag:s10] =	ssyncadd.s32 $0xFFFFFF80  }
0x89: {  	v3 =	vld [tilespmem:$0x80];
	_ =	sdelay $0x4  }
0x8a: {  	v56 =	vshll.u32 v3, $0x1  }
0x8b: {  	v3 =	vand.u32 $0x7, v3;
	v4 =	vand.u32 $0xFFFFFFF0, v56  }
0x8c: {  	v3 =	vor.u32 v3, v4  }
0x8d: {  	v4 =	vperm.xlane v3, v0;
	_ =	sdelay $0x1  }
0x8e: {  	v3 =	vperm.xlane v3, v2;
	v4 =	vadd.s32 v1, v4;
	_ =	sdelay $0x1  }
0x8f: {  	v3 =	vadd.s32 v1, v3;
	_ =	sdelay $0x2  }
0x90: {  	[tilespmem:s13], [sflag:$0x2] =	stream.indirect_vreg.gather [hbm4b:s1+s2], $0x80, v4, vm0, $0xb8;
	[tilespmem:$0x10100] =	vst v63  }
0x91: {  	s3 =	rddreg [dreg:$0x15]  }
0x92: {  	[tilespmem:s3], [sflag:$0x2] =	stream.indirect_vreg.gather [hbm4b:s1+s2], $0x80, v3, vm0, $0xb8;
	[tilespmem:$0x10100] =	vst v63  }
0x93: {  	v3 =	vld [tilespmem:$0x90];
	_ =	sdelay $0x4  }
0x94: {  	v57 =	vshll.u32 v3, $0x1  }
0x95: {  	v3 =	vand.u32 $0x7, v3;
	v4 =	vand.u32 $0xFFFFFFF0, v57  }
0x96: {  	v3 =	vor.u32 v3, v4  }
0x97: {  	v4 =	vperm.xlane v3, v0;
	_ =	sdelay $0x1  }
0x98: {  	v3 =	vperm.xlane v3, v2;
	v4 =	vadd.s32 v1, v4;
	_ =	sdelay $0x1  }
0x99: {  	v3 =	vadd.s32 v1, v3;
	_ =	sdelay $0x1  }
0x9a: {  	s5 =	rddreg [dreg:$0x16]  }
0x9b: {  	[tilespmem:s5], [sflag:$0x2] =	stream.indirect_vreg.gather [hbm4b:s1+s2], $0x80, v4, vm0, $0xb8;
	[tilespmem:$0x10100] =	vst v63  }
0x9c: {  	_ = 	snop  }
0x9d: {  	[tilespmem:s14], [sflag:$0x2] =	stream.indirect_vreg.gather [hbm4b:s1+s2], $0x80, v3, vm0, $0xb8;
	[tilespmem:$0x10100] =	vst v63  }
0x9e: {  	v3 =	vld [tilespmem:$0xA0];
	_ =	sdelay $0x4  }
0x9f: {  	v58 =	vshll.u32 v3, $0x1  }
0xa0: {  	v3 =	vand.u32 $0x7, v3;
	v4 =	vand.u32 $0xFFFFFFF0, v58  }
0xa1: {  	v3 =	vor.u32 v3, v4  }
0xa2: {  	v4 =	vperm.xlane v3, v0;
	_ =	sdelay $0x1  }
0xa3: {  	v3 =	vperm.xlane v3, v2;
	v4 =	vadd.s32 v1, v4;
	_ =	sdelay $0x1  }
0xa4: {  	v3 =	vadd.s32 v1, v3;
	_ =	sdelay $0x2  }
0xa5: {  	[tilespmem:s15], [sflag:$0x2] =	stream.indirect_vreg.gather [hbm4b:s1+s2], $0x80, v4, vm0, $0xb8;
	[tilespmem:$0x10100] =	vst v63  }
0xa6: {  	_ = 	snop  }
0xa7: {  	[tilespmem:s16], [sflag:$0x2] =	stream.indirect_vreg.gather [hbm4b:s1+s2], $0x80, v3, vm0, $0xb8;
	[tilespmem:$0x10100] =	vst v63  }
0xa8: {  	v3 =	vld [tilespmem:$0xB0];
	_ =	sdelay $0x4  }
0xa9: {  	v59 =	vshll.u32 v3, $0x1  }
0xaa: {  	v3 =	vand.u32 $0x7, v3;
	v4 =	vand.u32 $0xFFFFFFF0, v59  }
0xab: {  	v3 =	vor.u32 v3, v4  }
0xac: {  	v4 =	vperm.xlane v3, v0;
	_ =	sdelay $0x1  }
0xad: {  	v3 =	vperm.xlane v3, v2;
	v4 =	vadd.s32 v1, v4;
	_ =	sdelay $0x1  }
0xae: {  	v3 =	vadd.s32 v1, v3;
	_ =	sdelay $0x2  }
0xaf: {  	[tilespmem:s17], [sflag:$0x2] =	stream.indirect_vreg.gather [hbm4b:s1+s2], $0x80, v4, vm0, $0xb8;
	[tilespmem:$0x10100] =	vst v63  }
0xb0: {  	_ = 	snop  }
0xb1: {  	[tilespmem:s18], [sflag:$0x2] =	stream.indirect_vreg.gather [hbm4b:s1+s2], $0x80, v3, vm0, $0xb8;
	[tilespmem:$0x10100] =	vst v63  }
0xb2: {  	v3 =	vld [tilespmem:$0xC0];
	_ =	sdelay $0x4  }
0xb3: {  	v60 =	vshll.u32 v3, $0x1  }
0xb4: {  	v3 =	vand.u32 $0x7, v3;
	v4 =	vand.u32 $0xFFFFFFF0, v60  }
0xb5: {  	v3 =	vor.u32 v3, v4  }
0xb6: {  	v4 =	vperm.xlane v3, v0;
	_ =	sdelay $0x1  }
0xb7: {  	v3 =	vperm.xlane v3, v2;
	v4 =	vadd.s32 v1, v4;
	_ =	sdelay $0x1  }
0xb8: {  	v3 =	vadd.s32 v1, v3;
	_ =	sdelay $0x2  }
0xb9: {  	[tilespmem:s19], [sflag:$0x2] =	stream.indirect_vreg.gather [hbm4b:s1+s2], $0x80, v4, vm0, $0xb8;
	[tilespmem:$0x10100] =	vst v63  }
0xba: {  	_ = 	snop  }
0xbb: {  	[tilespmem:s20], [sflag:$0x2] =	stream.indirect_vreg.gather [hbm4b:s1+s2], $0x80, v3, vm0, $0xb8;
	[tilespmem:$0x10100] =	vst v63  }
0xbc: {  	v3 =	vld [tilespmem:$0xD0];
	_ =	sdelay $0x4  }
0xbd: {  	v61 =	vshll.u32 v3, $0x1  }
0xbe: {  	v3 =	vand.u32 $0x7, v3;
	v4 =	vand.u32 $0xFFFFFFF0, v61  }
0xbf: {  	v3 =	vor.u32 v3, v4  }
0xc0: {  	v4 =	vperm.xlane v3, v0;
	_ =	sdelay $0x1  }
0xc1: {  	v3 =	vperm.xlane v3, v2;
	v4 =	vadd.s32 v1, v4;
	_ =	sdelay $0x1  }
0xc2: {  	v3 =	vadd.s32 v1, v3;
	_ =	sdelay $0x2  }
0xc3: {  	[tilespmem:s21], [sflag:$0x2] =	stream.indirect_vreg.gather [hbm4b:s1+s2], $0x80, v4, vm0, $0xb8;
	[tilespmem:$0x10100] =	vst v63  }
0xc4: {  	_ = 	snop  }
0xc5: {  	[tilespmem:s22], [sflag:$0x2] =	stream.indirect_vreg.gather [hbm4b:s1+s2], $0x80, v3, vm0, $0xb8;
	[tilespmem:$0x10100] =	vst v63  }
0xc6: {  	v3 =	vld [tilespmem:$0xE0];
	_ =	sdelay $0x4  }
0xc7: {  	v62 =	vshll.u32 v3, $0x1  }
0xc8: {  	v3 =	vand.u32 $0x7, v3;
	v4 =	vand.u32 $0xFFFFFFF0, v62  }
0xc9: {  	v3 =	vor.u32 v3, v4  }
0xca: {  	v4 =	vperm.xlane v3, v0;
	_ =	sdelay $0x1  }
0xcb: {  	v3 =	vperm.xlane v3, v2;
	v4 =	vadd.s32 v1, v4;
	_ =	sdelay $0x1  }
0xcc: {  	v3 =	vadd.s32 v1, v3;
	_ =	sdelay $0x2  }
0xcd: {  	[tilespmem:s23], [sflag:$0x2] =	stream.indirect_vreg.gather [hbm4b:s1+s2], $0x80, v4, vm0, $0xb8;
	[tilespmem:$0x10100] =	vst v63  }
0xce: {  	_ = 	snop  }
0xcf: {  	[tilespmem:s24], [sflag:$0x2] =	stream.indirect_vreg.gather [hbm4b:s1+s2], $0x80, v3, vm0, $0xb8;
	[tilespmem:$0x10100] =	vst v63  }
0xd0: {  	v3 =	vld [tilespmem:$0xF0];
	_ =	sdelay $0x4  }
0xd1: {  	v63 =	vshll.u32 v3, $0x1  }
0xd2: {  	v3 =	vand.u32 $0x7, v3;
	v4 =	vand.u32 $0xFFFFFFF0, v63  }
0xd3: {  	v3 =	vor.u32 v3, v4  }
0xd4: {  	v4 =	vperm.xlane v3, v0;
	_ =	sdelay $0x1  }
0xd5: {  	v3 =	vperm.xlane v3, v2;
	v4 =	vadd.s32 v1, v4;
	_ =	sdelay $0x1  }
0xd6: {  	v3 =	vadd.s32 v1, v3;
	_ =	sdelay $0x2  }
0xd7: {  	[tilespmem:s25], [sflag:$0x2] =	stream.indirect_vreg.gather [hbm4b:s1+s2], $0x80, v4, vm0, $0xb8;
	[tilespmem:$0x10100] =	vst v63  }
0xd8: {  	_ = 	snop  }
0xd9: {  	[tilespmem:s26], [sflag:$0x2] =	stream.indirect_vreg.gather [hbm4b:s1+s2], $0x80, v3, vm0, $0xb8;
	[tilespmem:$0x10100] =	vst v63  }
0xda: {  	_ =	swait.ge [sflag:s28], $0x8000  }
0xdb: {  	p0 =	sne.s32 s6, $0x1;
	[sflag:s28] =	ssyncset.done $0x0  }
.Ltmp0:
0xdc: {  	[sflag:s28] =	ssyncadd.s32 $0xFFFF8000;
	(pc) =	sbr.rel @p0 .LBB2_2-.Ltmp0, $4  }
0xdd: {  	[hbm4b:s30+s2] =	stream.linear.scatter [tilespmem:s13], [sflag:$0x3], $0x8000, $0x38;
	[tilespmem:$0x10100] =	vst v63  }
0xde: {  	_ =	swait.ge [sflag:s10], $0x8000  }
0xdf: {  	s7 =	sadd.s32 $0x1000, s7;
	s6 =	sadd.s32 $0xFFFFFFFF, s6;
	[sflag:s10] =	ssyncset.done $0x0  }
0xe0: {  	s31 =	sadd.s32 $0x20000, s31;
	s30 =	sadd.s32 $0x20000, s30;
	[sflag:s10] =	ssyncadd.s32 $0xFFFF8000  }
0xe1: {  	s29 =	sadd.s32 $0x1, s29;
	s0 =	rddreg [dreg:$0x17]  }
0xe2: {  	p0 =	sne.s32 s29, s0  }
.Ltmp1:
0xe3: {  	_ = 	snop;
	(pc) =	sbr.rel @p0 .LBB2_1-.Ltmp1, $1  }
0xe4: {  	_ =	sdelay $0x3  }
0xe5: {  	_ =	sfence.sel $0x180000  }
0xe6: {  	[bflag:$0x0] =	sbarrier.arrive $0xFFFF  }
0xe7: {  	_ =	strace $0x90000047  }
0xe8: {  	s0 =	stileid.u32;
	[bflag:$0x2] =	sbarrier.arrive $0xFFFF  }
0xe9: {  	p0 =	sne.s32 s0, $0x0;
	s0 =	rddreg [dreg:$0x2]  }
0xea: {  	s0 =	sadd.s32 @!p0 $0x100000, s0  }
0xeb: {  	[sflag:s0] =	ssyncadd.tile.s32 @!p0 $0x1;
	_ =	shalt  }
.Lfunc_end2:
_tile_overlayer_lowered:
.L_overlay_start_2:
0xec: {  	(tag) =	ssettag $0x2  }
0xed: {  	s0 =	rddreg [dreg:$0x0];
	s2 =	stileid.u32  }
0xee: {  	s1 =	rddreg [dreg:$0x1];
	p0 =	sne.s32 s2, $0x0  }
0xef: {  	s3 =	rddreg [dreg:$0x2];
	[bflag:$0x3] =	sbarrier.arrive $0xFFFF;
	s2 =	simm.s32 @!p0 $0x1C03  }
0xf0: {  	[timem:s3], [sflag:s2] =	dma.local @!p0 [hbm:s0], s1  }
0xf1: {  	s0 =	simm.s32 @!p0 $0x3  }
0xf2: {  	_ =	swait.ge @!p0 [sflag:s0], s1  }
0xf3: {  	s1 =	ssub.s32 @!p0 $0x0, s1;
	[sflag:s0] =	ssyncset.done @!p0 $0x0  }
0xf4: {  	[sflag:s0] =	ssyncadd.s32 @!p0 s1  }
0xf5: {  	[bflag:$0x3] =	sbarrier.arrive $0xFFFF  }
0xf6: {  	_ =	shalt  }

// kernel: kernel.13.cloned.1.call-start
scs
__scs_entry_jumppad:
0x0: {  	(pc) =	sbr.rel $0x88, $3  }
0x1: {  	(tag) =	ssettag $0x0;
	lr =	simm.s32 $0x1  }
0x2: {  	[smem:$0x3F92] =	sst lr;
	_ =	strace $0xD0000000  }
0x3: {  	_ = 	snop  }
0x4: {  	_ = 	snop  }
0x5: {  	_ = 	snop  }
0x6: {  	_ = 	snop  }
0x7: {  	_ = 	snop  }
__scs_overlays_trampoline_lowered:
0x8: {  	[smem:$0x3FA1] =	sst s0  }
0x9: {  	[smem:$0x3FA2] =	sst s1  }
0xa: {  	[smem:$0x3FA3] =	sst s2  }
0xb: {  	[smem:$0x3FA4] =	sst s3  }
0xc: {  	[smem:$0x3FA5] =	sst s4  }
0xd: {  	[smem:$0x3FA6] =	sst s5  }
0xe: {  	[smem:$0x3FA7] =	sst s6  }
0xf: {  	[smem:$0x3FA8] =	sst s7  }
0x10: {  	[smem:$0x3FA9] =	sst s8  }
0x11: {  	[smem:$0x3FAA] =	sst s9;
	s0 =	simm.s32 @!p0 $0x0  }
0x12: {  	s1 =	sld [smem:$0x3F90];
	s0 =	simm.s32 @p0 $0x1  }
0x13: {  	[smem:$0x3FAB] =	sst s0;
	s0 =	simm.s32 @!p1 $0x0  }
0x14: {  	s2 =	sld [smem:$0x3F8F];
	s0 =	simm.s32 @p1 $0x1  }
0x15: {  	[smem:$0x3FAC] =	sst s0;
	s0 =	simm.s32 @!p2 $0x0  }
0x16: {  	s3 =	sld [smem:$0x3FDB];
	s0 =	simm.s32 @p2 $0x1  }
0x17: {  	s4 =	simm.s32 $0x1BF5;
	[smem:$0x3FAE] =	sst s0  }
0x18: {  	s0 =	sld [smem:$0x3F91];
	_ =	swait.ge [sflag:s4], $0x0  }
0x19: {  	s7 =	sld [smem:$0x3F92]  }
0x1a: {  	s8 =	sadd.s32 $0xFFFFE003, lr  }
0x1b: {  	s9 =	sadd.s32 $0xFFFFFEF7, lr;
	s5 =	simm.s32 $0xFFFFFFFF;
	p2 =	slt.u32 s8, $0xFFFFF086  }
0x1c: {  	p1 =	slt.u32 s9, $0xF7A;
	s5 =	simm.s32 @!p2 $0x0  }
0x1d: {  	s5 =	simm.s32 @p1 $0x1;
	p0 =	seq.s32 s7, s2  }
0x1e: {  	s7 =	smul.u32 @!p0 $0xF7A, s2;
	p2 =	seq.s32 @!p0 s5, $0x0  }
0x1f: {  	s9 =	smul.u32 $0xF7A, s1;
	s8 =	simm.s32 @!p0 $0x1BF5;
	p2 =	por !p2, p0  }
0x20: {  	[sflag:s8] =	ssyncset.s32 @!p0 $0xFFFFF086;
	s6 =	sadd.s32 @!p0 s3, s7;
	s7 =	simm.s32 @!p0 $0x108  }
0x21: {  	s3 =	sadd.s32 s3, s9;
	s6 =	sadd.s32 @!p0 $0x88, s6;
	s7 =	simm.s32 @p2 $0x1082  }
0x22: {  	[simem:s7], [sflag:s8] =	dma.local @!p0 [hbm:s6], $0xF7A  }
0x23: {  	s9 =	sor.u32 $0xD0000000, s2;
	s6 =	simm.s32 $0x108;
	_ =	swait.ge @!p0 [sflag:s8], $0x0  }
0x24: {  	s3 =	sadd.s32 $0x88, s3;
	s6 =	simm.s32 @!p1 $0x1082;
	[sflag:s4] =	ssyncset.s32 $0xFFFFF086  }
0x25: {  	[simem:s6], [sflag:s4] =	dma.local [hbm:s3], $0xF7A  }
0x26: {  	[smem:$0x3F92] =	sst s1;
	(tag) =	ssettag s2;
	_ =	strace s9  }
0x27: {  	s1 =	sld [smem:$0x3FA2]  }
0x28: {  	s2 =	sld [smem:$0x3FA3]  }
0x29: {  	s4 =	sld [smem:$0x3FA5]  }
0x2a: {  	p0 =	seq.s32 s5, $0x0;
	s5 =	sld [smem:$0x3FA6]  }
0x2b: {  	s6 =	sld [smem:$0x3FA7]  }
0x2c: {  	s7 =	sld [smem:$0x3FA8]  }
0x2d: {  	s3 =	simm.s32 $0x108;
	s8 =	sld [smem:$0x3FA9]  }
0x2e: {  	s3 =	simm.s32 @!p0 $0x1082;
	s9 =	sld [smem:$0x3FAA]  }
0x2f: {  	lr =	sadd.s32 s0, s3;
	s0 =	sld [smem:$0x3FA1]  }
0x30: {  	s3 =	sld [smem:$0x3FA4]  }
0x31: {  	[smem:$0x3FAD] =	sst s10  }
0x32: {  	s10 =	sld [smem:$0x3FAB];
	_ =	sdelay $0x3  }
0x33: {  	p0 =	seq.s32 s10, $0x1;
	s10 =	sld [smem:$0x3FAD];
	_ =	sdelay $0x3  }
0x34: {  	[smem:$0x3FAD] =	sst s10  }
0x35: {  	s10 =	sld [smem:$0x3FAC];
	_ =	sdelay $0x3  }
0x36: {  	p1 =	seq.s32 s10, $0x1;
	s10 =	sld [smem:$0x3FAD];
	_ =	sdelay $0x3  }
0x37: {  	[smem:$0x3FAD] =	sst s10  }
0x38: {  	s10 =	sld [smem:$0x3FAE]  }
0x39: {  	_ = 	snop;
	(pc) =	sbr.ind lr, $3  }
0x3a: {  	_ = 	snop  }
0x3b: {  	_ = 	snop  }
0x3c: {  	p2 =	seq.s32 s10, $0x1;
	s10 =	sld [smem:$0x3FAD]  }
0x3d: {  	_ =	shalt  }
0x3e: {  	_ =	shalt  }
0x3f: {  	_ =	shalt  }
0x40: {  	_ =	shalt  }
0x41: {  	_ =	shalt  }
0x42: {  	_ =	shalt  }
0x43: {  	_ =	shalt  }
0x44: {  	_ =	shalt  }
0x45: {  	_ =	shalt  }
0x46: {  	_ =	shalt  }
0x47: {  	_ =	shalt  }
0x48: {  	_ =	shalt  }
0x49: {  	_ =	shalt  }
0x4a: {  	_ =	shalt  }
0x4b: {  	_ =	shalt  }
0x4c: {  	_ =	shalt  }
0x4d: {  	_ =	shalt  }
0x4e: {  	_ =	shalt  }
0x4f: {  	_ =	shalt  }
0x50: {  	_ =	shalt  }
0x51: {  	_ =	shalt  }
0x52: {  	_ =	shalt  }
0x53: {  	_ =	shalt  }
0x54: {  	_ =	shalt  }
0x55: {  	_ =	shalt  }
0x56: {  	_ =	shalt  }
0x57: {  	_ =	shalt  }
0x58: {  	_ =	shalt  }
0x59: {  	_ =	shalt  }
0x5a: {  	_ =	shalt  }
0x5b: {  	_ =	shalt  }
0x5c: {  	_ =	shalt  }
0x5d: {  	_ =	shalt  }
0x5e: {  	_ =	shalt  }
0x5f: {  	_ =	shalt  }
0x60: {  	_ =	shalt  }
0x61: {  	_ =	shalt  }
0x62: {  	_ =	shalt  }
0x63: {  	_ =	shalt  }
0x64: {  	_ =	shalt  }
0x65: {  	_ =	shalt  }
0x66: {  	_ =	shalt  }
0x67: {  	_ =	shalt  }
0x68: {  	_ =	shalt  }
0x69: {  	_ =	shalt  }
0x6a: {  	_ =	shalt  }
0x6b: {  	_ =	shalt  }
0x6c: {  	_ =	shalt  }
0x6d: {  	_ =	shalt  }
0x6e: {  	_ =	shalt  }
0x6f: {  	_ =	shalt  }
0x70: {  	_ =	shalt  }
0x71: {  	_ =	shalt  }
0x72: {  	_ =	shalt  }
0x73: {  	_ =	shalt  }
0x74: {  	_ =	shalt  }
0x75: {  	_ =	shalt  }
0x76: {  	_ =	shalt  }
0x77: {  	_ =	shalt  }
0x78: {  	_ =	shalt  }
0x79: {  	_ =	shalt  }
0x7a: {  	_ =	shalt  }
0x7b: {  	_ =	shalt  }
0x7c: {  	_ =	shalt  }
0x7d: {  	_ =	shalt  }
0x7e: {  	_ =	shalt  }
0x7f: {  	_ =	shalt  }
0x80: {  	_ =	shalt  }
0x81: {  	_ =	shalt  }
0x82: {  	_ =	shalt  }
0x83: {  	_ =	shalt  }
0x84: {  	_ =	shalt  }
0x85: {  	_ =	shalt  }
0x86: {  	_ =	shalt  }
0x87: {  	_ =	shalt  }
.Lfunc_end0:
.L_simem_size_0:
called_computation.1_lowered:
.L_overlay_start_0:
0x88: {  	s2 =	sld [smem:$0x3FD9]  }
0x89: {  	s3 =	sld [smem:$0x3FFE];
	_ =	sdelay $0x1  }
0x8a: {  	s1 =	srdreg.scid  }
0x8b: {  	s0 =	sand.u32 $0x1, s1  }
0x8c: {  	s17 =	sshll.u32 s0, $0xA;
	s2 =	sadd.s32 s3, s2  }
0x8d: {  	s2 =	sadd.s32 s2, s17  }
0x8e: {  	[smem:$0x3FB9] =	sst s2  }
0x8f: {  	_ = 	snop  }
0x90: {  	s18 =	sld [smem:$0x3FD0];
	(tm) =	ssettm $0x1  }
0x91: {  	s19 =	sld [smem:$0x3FFB];
	_ =	sdelay $0x3  }
0x92: {  	_ =	strace s19  }
0x93: {  	s2 =	sld [smem:$0x3FFC];
	_ =	sdelay $0x3  }
0x94: {  	_ =	strace s2  }
0x95: {  	s2 =	sld [smem:$0x3FFD];
	_ =	sdelay $0x3  }
0x96: {  	_ =	strace s2  }
0x97: {  	_ =	strace $0x8FFFFFFF  }
0x98: {  	s20 =	sld [smem:$0x3FDB];
	_ =	sdelay $0x1  }
0x99: {  	s4 =	simm.s32 $_scs_section_size  }
0x9a: {  	s5 =	simm.s32 $_size__tile_overlayer_lowered;
	s6 =	simm.s32 $_tile_overlayer_lowered  }
0x9b: {  	s7 =	simm.s32 $0x1BFF;
	s21 =	sshll.u32 s6, $0x1;
	s4 =	sadd.s32 s4, s20  }
0x9c: {  	s22 =	simm.s32 $0x0;
	s5 =	sshll.u32 s5, $0x1;
	s6 =	sadd.s32 s21, s4  }
0x9d: {  	[timem:s22], [sflag:s7] =	dma.local [hbm:s6], s5  }
0x9e: {  	_ =	swait.ge [sflag:s7], s5  }
0x9f: {  	s5 =	ssub.s32 $0x0, s5;
	[sflag:s7] =	ssyncset.done $0x0  }
0xa0: {  	[sflag:s7] =	ssyncadd.s32 s5;
	_ =	sdelay $0x1  }
0xa1: {  	s23 =	simm.s32 $0x1B8B  }
0xa2: {  	_ =	swait.ge [sflag:s23], $0x1  }
0xa3: {  	[sflag:s23] =	ssyncset.done $0x0  }
0xa4: {  	[sflag:s23] =	ssyncadd.s32 $0xFFFFFFFF  }
0xa5: {  	s5 =	sld [smem:$0x0]  }
0xa6: {  	s6 =	sand.u32 $0xFFFFFFFE, s1  }
0xa7: {  	p0 =	sne.s32 s1, s6  }
0xa8: {  	s6 =	sshll.u32 @p0 s6, $0xE  }
0xa9: {  	s6 =	sadd.s32 @p0 $0x11B8D, s6;
	s7 =	sshll.u32 @p0 s5, $0x11  }
0xaa: {  	s6 =	sor.u32 @p0 s7, s6  }
0xab: {  	[sflag:s6] =	ssyncadd.remote.s32 @p0 $0x1;
	_ =	sdelay $0x1  }
0xac: {  	s6 =	simm.s32 @p0 $0x1B8D  }
0xad: {  	_ =	swait.eq @p0 [sflag:s6], $0x1  }
0xae: {  	[sflag:s6] =	ssyncadd.s32 @p0 $0xFFFFFFFF  }
0xaf: {  	s7 =	sshll.u32 @!p0 s1, $0xE  }
0xb0: {  	s7 =	sor.u32 @!p0 $0x4000, s7;
	s6 =	simm.s32 @!p0 $0x1B8D  }
0xb1: {  	s5 =	sshll.u32 @!p0 s5, $0x11;
	s7 =	sadd.s32 @!p0 $0x11B8D, s7;
	_ =	swait.eq @!p0 [sflag:s6], $0x1  }
0xb2: {  	s5 =	sor.u32 @!p0 s5, s7;
	[sflag:s6] =	ssyncadd.s32 @!p0 $0xFFFFFFFF  }
0xb3: {  	s25 =	simm.s32 $0x1B8E;
	s24 =	sld [smem:$0x3FFE];
	[sflag:s5] =	ssyncadd.remote.s32 @!p0 $0x1  }
0xb4: {  	s26 =	simm.s32 $execute0_lowered;
	[smem:$0x3FD2] =	sst s25  }
0xb5: {  	s6 =	sshll.u32 s26, $0x1;
	_ =	strace $0x8000004C;
	[dreg:$0x1] =	wrdreg $0xFFFFFFFF  }
0xb6: {  	s28 =	simm.s32 $_size_execute0_lowered;
	s4 =	sadd.s32 s4, s6;
	[dreg:$0x0] =	wrdreg $0x0  }
0xb7: {  	s6 =	sshll.u32 s28, $0x1;
	[dreg:$0x2] =	wrdreg s4  }
0xb8: {  	[dreg:$0x3] =	wrdreg s6  }
0xb9: {  	[dreg:$0x4] =	wrdreg $0xC0  }
0xba: {  	_ =	task [dreg:s22], $0x5FFFF  }
0xbb: {  	[dreg:$0x1] =	wrdreg $0xFFFFFFFF  }
0xbc: {  	[dreg:$0x0] =	wrdreg $0x60  }
0xbd: {  	[dreg:$0x2] =	wrdreg s24  }
0xbe: {  	[dreg:$0x3] =	wrdreg s18  }
0xbf: {  	[dreg:$0x4] =	wrdreg $0x40800  }
0xc0: {  	[dreg:$0x5] =	wrdreg $0x9  }
0xc1: {  	_ =	task.clear_ibuf [dreg:s22], $0x6FFFF;
	_ =	strace $0x9000004C  }
0xc2: {  	s29 =	simm.s32 $0x9;
	_ =	strace $0x8000004E  }
0xc3: {  	_ =	swait.ge [sflag:s29], $0x1  }
0xc4: {  	[sflag:s29] =	ssyncadd.s32 $0xFFFFFFFF  }
0xc5: {  	_ =	strace $0x9000004E  }
0xc6: {  	_ =	sfence  }
0xc7: {  	s30 =	sld [smem:$0x0];
	_ =	sdelay $0x2  }
0xc8: {  	s31 =	sshll.u32 s1, $0xD;
	s1 =	sshrl.u32 s1, $0x2  }
0xc9: {  	s4 =	sand.u32 $0x4000, s31;
	s1 =	sadd.s32 s1, s30  }
0xca: {  	s0 =	sor.u32 s4, s0;
	s1 =	sshll.u32 s1, $0x11  }
0xcb: {  	s0 =	sor.u32 s1, s0  }
0xcc: {  	s0 =	sadd.s32 $0x8F2B, s0  }
0xcd: {  	[sflag:s0] =	ssyncadd.remote.s32 $0x1  }
0xce: {  	_ =	sfence.sel $0xFFFF  }
0xcf: {  	[dreg:$0x0] =	wrdreg $0xFFFFFFFF;
	(pc) =	sbr.abs _section_cstart, $3  }
0xd0: {  	[dreg:$0x1] =	wrdreg $0xFFFFFFFF  }
0xd1: {  	_ =	task.clear_ibuf [dreg:s22], $0x2FFFF;
	_ =	strace $0x9FFFFFFF  }
0xd2: {  	(tm) =	ssettm $0x7FFFFFFF  }
0xd3: {  	_ =	shalt  }
tec
execute0_lowered:
.L_overlay_start_1:
0x0: {  	(tag) =	ssettag $0x1  }
0x1: {  	s4 =	rddreg [dreg:$0x0]  }
0x2: {  	s1 =	rddreg [dreg:$0x1]  }
0x3: {  	s0 =	srdreg.scid;
	s2 =	rddreg [dreg:$0x2]  }
0x4: {  	s3 =	simm.s32 $0x0;
	s12 =	stileid.u32;
	s14 =	simm.s32 $0x0  }
0x5: {  	s5 =	sand.u32 $0x1, s0;
	s0 =	rddreg [dreg:$0x3];
	s9 =	smul.u32 $0x2800, s12  }
0x6: {  	[smem:$0x7FF] =	sst s3;
	s8 =	sshll.u32 s12, $0x4;
	s26 =	smul.u32 $0x50000, s12  }
0x7: {  	s29 =	ssub.s32 $0x4F1, s12;
	s31 =	sshll.u32 s12, $0xB;
	s6 =	smul.u32 $0x271000, s5  }
0x8: {  	p0 =	sne.s32 s12, $0x0;
	s12 =	sshll.u32 s12, $0x6;
	s7 =	smul.u32 $0x28000, s5  }
0x9: {  	_ =	strace $0x8000004D;
	s8 =	sadd.s32 s8, s4;
	s5 =	ssub.s32 $0x2, s5  }
0xa: {  	s12 =	sor.u32 $0x1C01, s12;
	s28 =	sshrl.u32 s5, $0x1;
	s30 =	sshrl.u32 s26, $0x2  }
0xb: {  	s8 =	sadd.s32 $0x7400, s8;
	s10 =	sadd.s32 s6, s4;
	s25 =	sadd.s32 s9, s7  }
0xc: {  	s11 =	ssub.s32 s5, s28;
	s13 =	sadd.s32 s30, s2;
	s9 =	sshrl.u32 @!p0 s2, $0x3  }
0xd: {  	s6 =	sadd.s32 s25, s4;
	s4 =	sshrl.u32 s29, $0x4;
	s7 =	sadd.s32 s31, s10  }
0xe: {  	s10 =	simm.s32 $0x1;
	s13 =	sshrl.u32 s13, $0x3;
	s5 =	sadd.s32 $0x53E400, s6  }
0xf: {  	s6 =	smax.u32 s11, $0x1;
	s7 =	sadd.s32 $0xC400, s7;
	s11 =	simm.s32 $0x80  }
.LBB2_1:
0x10: {  	s15 =	simm.s32 @!p0 $0x1C01  }
0x11: {  	[spmem:s9], [sflag:s15] =	dma.local @!p0 [hbm:s1], $0x28000  }
0x12: {  	s15 =	simm.s32 @!p0 $0x1  }
0x13: {  	_ =	swait.ge @!p0 [sflag:s15], $0x28000  }
0x14: {  	[sflag:s15] =	ssyncset.done @!p0 $0x0  }
0x15: {  	[sflag:s15] =	ssyncadd.s32 @!p0 $0xFFFD8000  }
0x16: {  	[bflag:$0x0] =	sbarrier.arrive $0xFFFF  }
0x17: {  	[tilespmem:s3], [sflag:$0x1] =	stream.linear.gather [hbm4b:s8+s3], $0x80, $0x38;
	[tilespmem:$0x18080] =	vst v63  }
0x18: {  	_ =	swait.ge [sflag:s10], $0x80  }
0x19: {  	[sflag:s10] =	ssyncset.done $0x0  }
0x1a: {  	[sflag:s10] =	ssyncadd.s32 $0xFFFFFF80  }
0x1b: {  	[tilespmem:s11], [sflag:$0x1] =	stream.linear.gather [hbm4b:s7+s3], $0x4000, $0x38;
	[tilespmem:$0x18080] =	vst v63  }
0x1c: {  	p1 =	sne.s32 s4, $0x1;
	_ =	swait.ge [sflag:s10], $0x4000  }
.Ltmp0:
0x1d: {  	[sflag:s10] =	ssyncset.done $0x0;
	(pc) =	sbr.rel @!p1 .LBB2_3-.Ltmp0, $4  }
0x1e: {  	[sflag:s10] =	ssyncadd.s32 $0xFFFFC000  }
0x1f: {  	[spmem:s2] =	stream.indirect.scatter.add.f32 [tilespmem:s11], [sflag:$0x1], $0x80, s3, s11, $0xb8;
	[tilespmem:$0x18080] =	vst v63  }
0x20: {  	s16 =	smov.u32 s7;
	_ =	swait.ge [sflag:s10], $0x4000  }
0x21: {  	s17 =	smov.u32 s8;
	s15 =	sadd.s32 $0xFFFFFFFF, s4;
	[sflag:s10] =	ssyncset.done $0x0  }
.LBB2_2:
0x22: {  	[sflag:s10] =	ssyncadd.s32 $0xFFFFC000;
	s16 =	sadd.s32 $0x8000, s16;
	s17 =	sadd.s32 $0x100, s17  }
0x23: {  	[tilespmem:s3], [sflag:$0x1] =	stream.linear.gather [hbm4b:s17+s3], $0x80, $0x38;
	[tilespmem:$0x18080] =	vst v63  }
0x24: {  	p1 =	sne.s32 s15, $0x1;
	s15 =	sadd.s32 $0xFFFFFFFF, s15;
	_ =	swait.ge [sflag:s10], $0x80  }
0x25: {  	[sflag:s10] =	ssyncset.done $0x0  }
0x26: {  	[sflag:s10] =	ssyncadd.s32 $0xFFFFFF80  }
0x27: {  	[tilespmem:s11], [sflag:$0x1] =	stream.linear.gather [hbm4b:s16+s3], $0x4000, $0x38;
	[tilespmem:$0x18080] =	vst v63  }
0x28: {  	_ =	swait.ge [sflag:s10], $0x4000  }
.Ltmp1:
0x29: {  	[sflag:s10] =	ssyncset.done $0x0;
	(pc) =	sbr.rel @p1 .LBB2_2-.Ltmp1, $4  }
0x2a: {  	[sflag:s10] =	ssyncadd.s32 $0xFFFFC000  }
0x2b: {  	[spmem:s2] =	stream.indirect.scatter.add.f32 [tilespmem:s11], [sflag:$0x1], $0x80, s3, s11, $0xb8;
	[tilespmem:$0x18080] =	vst v63  }
0x2c: {  	_ =	swait.ge [sflag:s10], $0x4000  }
0x2d: {  	[sflag:s10] =	ssyncset.done $0x0  }
.LBB2_3:
0x2e: {  	s14 =	sadd.s32 $0x1, s14  }
0x2f: {  	[sflag:s10] =	ssyncadd.s32 $0xFFFFC000;
	p1 =	sne.s32 s14, s6  }
.Ltmp2:
0x30: {  	[bflag:$0x0] =	sbarrier.arrive $0xFFFF;
	(pc) =	sbr.rel @p1 .LBB2_1-.Ltmp2, $4  }
0x31: {  	[hbm:s5], [sflag:s12] =	dma.local [spmem:s13], $0x2800  }
0x32: {  	_ =	swait.ge [sflag:s10], $0x2800  }
0x33: {  	[sflag:s10] =	ssyncset.done $0x0  }
0x34: {  	[sflag:s10] =	ssyncadd.s32 $0xFFFFD800  }
0x35: {  	_ =	sfence.sel $0x180000  }
0x36: {  	[bflag:$0x0] =	sbarrier.arrive $0xFFFF  }
0x37: {  	_ =	strace $0x9000004D  }
0x38: {  	s0 =	sadd.s32 @!p0 $0x100000, s0;
	[bflag:$0x2] =	sbarrier.arrive $0xFFFF  }
0x39: {  	[sflag:s0] =	ssyncadd.tile.s32 @!p0 $0x1;
	_ =	shalt  }
.Lfunc_end2:
_tile_overlayer_lowered:
.L_overlay_start_2:
0x3a: {  	(tag) =	ssettag $0x2  }
0x3b: {  	s0 =	rddreg [dreg:$0x0];
	s2 =	stileid.u32  }
0x3c: {  	s1 =	rddreg [dreg:$0x1];
	p0 =	sne.s32 s2, $0x0  }
0x3d: {  	s3 =	rddreg [dreg:$0x2];
	[bflag:$0x3] =	sbarrier.arrive $0xFFFF;
	s2 =	simm.s32 @!p0 $0x1C01  }
0x3e: {  	[timem:s3], [sflag:s2] =	dma.local @!p0 [hbm:s0], s1  }
0x3f: {  	s0 =	simm.s32 @!p0 $0x1  }
0x40: {  	_ =	swait.ge @!p0 [sflag:s0], s1  }
0x41: {  	s1 =	ssub.s32 @!p0 $0x0, s1;
	[sflag:s0] =	ssyncset.done @!p0 $0x0  }
0x42: {  	[sflag:s0] =	ssyncadd.s32 @!p0 s1  }
0x43: {  	[bflag:$0x3] =	sbarrier.arrive $0xFFFF  }
0x44: {  	_ =	shalt  }

// kernel: kernel.16.cloned.1.call-start
scs
__scs_entry_jumppad:
0x0: {  	(pc) =	sbr.rel $0x88, $3  }
0x1: {  	(tag) =	ssettag $0x0;
	lr =	simm.s32 $0x1  }
0x2: {  	[smem:$0x3F92] =	sst lr;
	_ =	strace $0xD0000000  }
0x3: {  	_ = 	snop  }
0x4: {  	_ = 	snop  }
0x5: {  	_ = 	snop  }
0x6: {  	_ = 	snop  }
0x7: {  	_ = 	snop  }
__scs_overlays_trampoline_lowered:
0x8: {  	[smem:$0x3FA1] =	sst s0  }
0x9: {  	[smem:$0x3FA2] =	sst s1  }
0xa: {  	[smem:$0x3FA3] =	sst s2  }
0xb: {  	[smem:$0x3FA4] =	sst s3  }
0xc: {  	[smem:$0x3FA5] =	sst s4  }
0xd: {  	[smem:$0x3FA6] =	sst s5  }
0xe: {  	[smem:$0x3FA7] =	sst s6  }
0xf: {  	[smem:$0x3FA8] =	sst s7  }
0x10: {  	[smem:$0x3FA9] =	sst s8  }
0x11: {  	[smem:$0x3FAA] =	sst s9;
	s0 =	simm.s32 @!p0 $0x0  }
0x12: {  	s1 =	sld [smem:$0x3F90];
	s0 =	simm.s32 @p0 $0x1  }
0x13: {  	[smem:$0x3FAB] =	sst s0;
	s0 =	simm.s32 @!p1 $0x0  }
0x14: {  	s2 =	sld [smem:$0x3F8F];
	s0 =	simm.s32 @p1 $0x1  }
0x15: {  	[smem:$0x3FAC] =	sst s0;
	s0 =	simm.s32 @!p2 $0x0  }
0x16: {  	s3 =	sld [smem:$0x3FDB];
	s0 =	simm.s32 @p2 $0x1  }
0x17: {  	s4 =	simm.s32 $0x1BF5;
	[smem:$0x3FAE] =	sst s0  }
0x18: {  	s0 =	sld [smem:$0x3F91];
	_ =	swait.ge [sflag:s4], $0x0  }
0x19: {  	s7 =	sld [smem:$0x3F92]  }
0x1a: {  	s8 =	sadd.s32 $0xFFFFE003, lr  }
0x1b: {  	s9 =	sadd.s32 $0xFFFFFEF7, lr;
	s5 =	simm.s32 $0xFFFFFFFF;
	p2 =	slt.u32 s8, $0xFFFFF086  }
0x1c: {  	p1 =	slt.u32 s9, $0xF7A;
	s5 =	simm.s32 @!p2 $0x0  }
0x1d: {  	s5 =	simm.s32 @p1 $0x1;
	p0 =	seq.s32 s7, s2  }
0x1e: {  	s7 =	smul.u32 @!p0 $0xF7A, s2;
	p2 =	seq.s32 @!p0 s5, $0x0  }
0x1f: {  	s9 =	smul.u32 $0xF7A, s1;
	s8 =	simm.s32 @!p0 $0x1BF5;
	p2 =	por !p2, p0  }
0x20: {  	[sflag:s8] =	ssyncset.s32 @!p0 $0xFFFFF086;
	s6 =	sadd.s32 @!p0 s3, s7;
	s7 =	simm.s32 @!p0 $0x108  }
0x21: {  	s3 =	sadd.s32 s3, s9;
	s6 =	sadd.s32 @!p0 $0x88, s6;
	s7 =	simm.s32 @p2 $0x1082  }
0x22: {  	[simem:s7], [sflag:s8] =	dma.local @!p0 [hbm:s6], $0xF7A  }
0x23: {  	s9 =	sor.u32 $0xD0000000, s2;
	s6 =	simm.s32 $0x108;
	_ =	swait.ge @!p0 [sflag:s8], $0x0  }
0x24: {  	s3 =	sadd.s32 $0x88, s3;
	s6 =	simm.s32 @!p1 $0x1082;
	[sflag:s4] =	ssyncset.s32 $0xFFFFF086  }
0x25: {  	[simem:s6], [sflag:s4] =	dma.local [hbm:s3], $0xF7A  }
0x26: {  	[smem:$0x3F92] =	sst s1;
	(tag) =	ssettag s2;
	_ =	strace s9  }
0x27: {  	s1 =	sld [smem:$0x3FA2]  }
0x28: {  	s2 =	sld [smem:$0x3FA3]  }
0x29: {  	s4 =	sld [smem:$0x3FA5]  }
0x2a: {  	p0 =	seq.s32 s5, $0x0;
	s5 =	sld [smem:$0x3FA6]  }
0x2b: {  	s6 =	sld [smem:$0x3FA7]  }
0x2c: {  	s7 =	sld [smem:$0x3FA8]  }
0x2d: {  	s3 =	simm.s32 $0x108;
	s8 =	sld [smem:$0x3FA9]  }
0x2e: {  	s3 =	simm.s32 @!p0 $0x1082;
	s9 =	sld [smem:$0x3FAA]  }
0x2f: {  	lr =	sadd.s32 s0, s3;
	s0 =	sld [smem:$0x3FA1]  }
0x30: {  	s3 =	sld [smem:$0x3FA4]  }
0x31: {  	[smem:$0x3FAD] =	sst s10  }
0x32: {  	s10 =	sld [smem:$0x3FAB];
	_ =	sdelay $0x3  }
0x33: {  	p0 =	seq.s32 s10, $0x1;
	s10 =	sld [smem:$0x3FAD];
	_ =	sdelay $0x3  }
0x34: {  	[smem:$0x3FAD] =	sst s10  }
0x35: {  	s10 =	sld [smem:$0x3FAC];
	_ =	sdelay $0x3  }
0x36: {  	p1 =	seq.s32 s10, $0x1;
	s10 =	sld [smem:$0x3FAD];
	_ =	sdelay $0x3  }
0x37: {  	[smem:$0x3FAD] =	sst s10  }
0x38: {  	s10 =	sld [smem:$0x3FAE]  }
0x39: {  	_ = 	snop;
	(pc) =	sbr.ind lr, $3  }
0x3a: {  	_ = 	snop  }
0x3b: {  	_ = 	snop  }
0x3c: {  	p2 =	seq.s32 s10, $0x1;
	s10 =	sld [smem:$0x3FAD]  }
0x3d: {  	_ =	shalt  }
0x3e: {  	_ =	shalt  }
0x3f: {  	_ =	shalt  }
0x40: {  	_ =	shalt  }
0x41: {  	_ =	shalt  }
0x42: {  	_ =	shalt  }
0x43: {  	_ =	shalt  }
0x44: {  	_ =	shalt  }
0x45: {  	_ =	shalt  }
0x46: {  	_ =	shalt  }
0x47: {  	_ =	shalt  }
0x48: {  	_ =	shalt  }
0x49: {  	_ =	shalt  }
0x4a: {  	_ =	shalt  }
0x4b: {  	_ =	shalt  }
0x4c: {  	_ =	shalt  }
0x4d: {  	_ =	shalt  }
0x4e: {  	_ =	shalt  }
0x4f: {  	_ =	shalt  }
0x50: {  	_ =	shalt  }
0x51: {  	_ =	shalt  }
0x52: {  	_ =	shalt  }
0x53: {  	_ =	shalt  }
0x54: {  	_ =	shalt  }
0x55: {  	_ =	shalt  }
0x56: {  	_ =	shalt  }
0x57: {  	_ =	shalt  }
0x58: {  	_ =	shalt  }
0x59: {  	_ =	shalt  }
0x5a: {  	_ =	shalt  }
0x5b: {  	_ =	shalt  }
0x5c: {  	_ =	shalt  }
0x5d: {  	_ =	shalt  }
0x5e: {  	_ =	shalt  }
0x5f: {  	_ =	shalt  }
0x60: {  	_ =	shalt  }
0x61: {  	_ =	shalt  }
0x62: {  	_ =	shalt  }
0x63: {  	_ =	shalt  }
0x64: {  	_ =	shalt  }
0x65: {  	_ =	shalt  }
0x66: {  	_ =	shalt  }
0x67: {  	_ =	shalt  }
0x68: {  	_ =	shalt  }
0x69: {  	_ =	shalt  }
0x6a: {  	_ =	shalt  }
0x6b: {  	_ =	shalt  }
0x6c: {  	_ =	shalt  }
0x6d: {  	_ =	shalt  }
0x6e: {  	_ =	shalt  }
0x6f: {  	_ =	shalt  }
0x70: {  	_ =	shalt  }
0x71: {  	_ =	shalt  }
0x72: {  	_ =	shalt  }
0x73: {  	_ =	shalt  }
0x74: {  	_ =	shalt  }
0x75: {  	_ =	shalt  }
0x76: {  	_ =	shalt  }
0x77: {  	_ =	shalt  }
0x78: {  	_ =	shalt  }
0x79: {  	_ =	shalt  }
0x7a: {  	_ =	shalt  }
0x7b: {  	_ =	shalt  }
0x7c: {  	_ =	shalt  }
0x7d: {  	_ =	shalt  }
0x7e: {  	_ =	shalt  }
0x7f: {  	_ =	shalt  }
0x80: {  	_ =	shalt  }
0x81: {  	_ =	shalt  }
0x82: {  	_ =	shalt  }
0x83: {  	_ =	shalt  }
0x84: {  	_ =	shalt  }
0x85: {  	_ =	shalt  }
0x86: {  	_ =	shalt  }
0x87: {  	_ =	shalt  }
.Lfunc_end0:
.L_simem_size_0:
called_computation.2_lowered:
.L_overlay_start_0:
0x88: {  	s2 =	sld [smem:$0x3FD9]  }
0x89: {  	s3 =	sld [smem:$0x3FFE];
	_ =	sdelay $0x1  }
0x8a: {  	s1 =	srdreg.scid  }
0x8b: {  	s0 =	sand.u32 $0x1, s1  }
0x8c: {  	s17 =	sshll.u32 s0, $0xA;
	s2 =	sadd.s32 s3, s2  }
0x8d: {  	s2 =	sadd.s32 s2, s17  }
0x8e: {  	[smem:$0x3FB9] =	sst s2  }
0x8f: {  	_ = 	snop  }
0x90: {  	s2 =	sld [smem:$0x3FD0];
	(tm) =	ssettm $0x1  }
0x91: {  	s18 =	sld [smem:$0x3FFB];
	_ =	sdelay $0x3  }
0x92: {  	_ =	strace s18  }
0x93: {  	s3 =	sld [smem:$0x3FFC];
	_ =	sdelay $0x3  }
0x94: {  	_ =	strace s3  }
0x95: {  	s3 =	sld [smem:$0x3FFD];
	_ =	sdelay $0x3  }
0x96: {  	_ =	strace s3  }
0x97: {  	_ =	strace $0x8FFFFFFF  }
0x98: {  	s19 =	sld [smem:$0x3FDB];
	_ =	sdelay $0x1  }
0x99: {  	s4 =	simm.s32 $_scs_section_size  }
0x9a: {  	s5 =	simm.s32 $_size__tile_overlayer_lowered;
	s6 =	simm.s32 $_tile_overlayer_lowered  }
0x9b: {  	s22 =	simm.s32 $0x1BFF;
	s21 =	sshll.u32 s6, $0x1;
	s3 =	sadd.s32 s4, s19  }
0x9c: {  	s7 =	simm.s32 $0x0;
	s20 =	sshll.u32 s5, $0x1;
	s5 =	sadd.s32 s21, s3  }
0x9d: {  	[timem:s7], [sflag:s22] =	dma.local [hbm:s5], s20  }
0x9e: {  	_ =	swait.ge [sflag:s22], s20  }
0x9f: {  	s4 =	ssub.s32 $0x0, s20;
	[sflag:s22] =	ssyncset.done $0x0  }
0xa0: {  	[sflag:s22] =	ssyncadd.s32 s4;
	_ =	sdelay $0x1  }
0xa1: {  	s23 =	simm.s32 $0x1B8B  }
0xa2: {  	_ =	swait.ge [sflag:s23], $0x1  }
0xa3: {  	[sflag:s23] =	ssyncset.done $0x0  }
0xa4: {  	s25 =	simm.s32 $0x1B8E;
	s24 =	sld [smem:$0x3FFE];
	[sflag:s23] =	ssyncadd.s32 $0xFFFFFFFF  }
0xa5: {  	s26 =	simm.s32 $execute0_lowered;
	[smem:$0x3FD2] =	sst s25  }
0xa6: {  	s5 =	sshll.u32 s26, $0x1;
	_ =	strace $0x80000049;
	[dreg:$0x1] =	wrdreg $0xFFFFFFFF  }
0xa7: {  	s28 =	simm.s32 $_size_execute0_lowered;
	s3 =	sadd.s32 s3, s5;
	[dreg:$0x0] =	wrdreg $0x0  }
0xa8: {  	s5 =	sshll.u32 s28, $0x1;
	[dreg:$0x2] =	wrdreg s3  }
0xa9: {  	[dreg:$0x3] =	wrdreg s5  }
0xaa: {  	[dreg:$0x4] =	wrdreg $0xC0  }
0xab: {  	_ =	task [dreg:s7], $0x5FFFF  }
0xac: {  	[dreg:$0x1] =	wrdreg $0xFFFFFFFF  }
0xad: {  	[dreg:$0x0] =	wrdreg $0x60  }
0xae: {  	[dreg:$0x2] =	wrdreg s24  }
0xaf: {  	[dreg:$0x3] =	wrdreg s2  }
0xb0: {  	[dreg:$0x4] =	wrdreg $0x81000  }
0xb1: {  	[dreg:$0x5] =	wrdreg $0xA  }
0xb2: {  	_ =	task.clear_ibuf [dreg:s7], $0x6FFFF;
	_ =	strace $0x90000049  }
0xb3: {  	s29 =	simm.s32 $0xA;
	_ =	strace $0x8000004B  }
0xb4: {  	_ =	swait.ge [sflag:s29], $0x1  }
0xb5: {  	[sflag:s29] =	ssyncadd.s32 $0xFFFFFFFF  }
0xb6: {  	_ =	strace $0x9000004B  }
0xb7: {  	_ =	sfence  }
0xb8: {  	s30 =	sld [smem:$0x0];
	_ =	sdelay $0x2  }
0xb9: {  	s31 =	sshll.u32 s1, $0xD;
	s1 =	sshrl.u32 s1, $0x2  }
0xba: {  	s3 =	sand.u32 $0x4000, s31;
	s1 =	sadd.s32 s1, s30  }
0xbb: {  	s0 =	sor.u32 s3, s0;
	s1 =	sshll.u32 s1, $0x11  }
0xbc: {  	s0 =	sor.u32 s1, s0  }
0xbd: {  	s0 =	sadd.s32 $0x8F2B, s0  }
0xbe: {  	[sflag:s0] =	ssyncadd.remote.s32 $0x1  }
0xbf: {  	_ =	sfence.sel $0xFFFF  }
0xc0: {  	[dreg:$0x0] =	wrdreg $0xFFFFFFFF;
	(pc) =	sbr.abs _section_cstart, $3  }
0xc1: {  	[dreg:$0x1] =	wrdreg $0xFFFFFFFF  }
0xc2: {  	_ =	task.clear_ibuf [dreg:s7], $0x2FFFF;
	_ =	strace $0x9FFFFFFF  }
0xc3: {  	(tm) =	ssettm $0x7FFFFFFF  }
tec
execute0_lowered:
.L_overlay_start_1:
0x0: {  	(tag) =	ssettag $0x1  }
0x1: {  	s8 =	rddreg [dreg:$0x0]  }
0x2: {  	s1 =	rddreg [dreg:$0x1]  }
0x3: {  	s2 =	rddreg [dreg:$0x2]  }
0x4: {  	s0 =	rddreg [dreg:$0x3];
	s3 =	simm.s32 $0x0;
	s4 =	srdreg.scid  }
0x5: {  	s19 =	stileid.u32;
	s14 =	simm.s32 $0x2;
	s15 =	simm.s32 $0x80  }
0x6: {  	s16 =	simm.s32 $0x100;
	s17 =	simm.s32 $0x4100;
	s18 =	simm.s32 $0x1  }
0x7: {  	[smem:$0x7FF] =	sst s3;
	s9 =	sand.u32 $0x1, s4;
	s11 =	smul.u32 $0x2800, s19  }
0x8: {  	s4 =	sadd.s32 $0xA1E600, s8;
	s5 =	sadd.s32 $0xC400, s8;
	s6 =	sadd.s32 $0x7400, s8  }
0x9: {  	s7 =	sadd.s32 $0x2400, s8;
	s29 =	smul.u32 $0x50000, s19;
	s30 =	ssub.s32 $0x4F1, s19  }
0xa: {  	p0 =	sne.s32 s19, $0x0;
	s10 =	smul.u32 $0x28000, s9;
	s26 =	ssub.s32 $0x2, s9  }
0xb: {  	_ =	strace $0x8000004A;
	s20 =	smul.u32 $0x2710, s9;
	s28 =	sshrl.u32 s26, $0x1  }
0xc: {  	s31 =	sshrl.u32 s29, $0x2;
	s10 =	sadd.s32 s11, s10;
	s13 =	ssub.s32 s26, s28  }
0xd: {  	s21 =	sadd.s32 s31, s2;
	s12 =	sadd.s32 s10, s8;
	s8 =	smul.u32 $0x27100, s9  }
0xe: {  	s9 =	sshrl.u32 s30, $0x4;
	s10 =	sshll.u32 s19, $0x7;
	s19 =	sshll.u32 s19, $0x6  }
0xf: {  	v0 =	vmov s20;
	s20 =	sshrl.u32 s21, $0x3;
	s21 =	simm.s32 $0x0;
	s11 =	sadd.s32 $0x4EE400, s12  }
0x10: {  	s12 =	smax.u32 s13, $0x1;
	s13 =	sshrl.u32 @!p0 s2, $0x3;
	s19 =	sor.u32 $0x1C02, s19  }
.LBB2_1:
0x11: {  	s22 =	simm.s32 @!p0 $0x1C02  }
0x12: {  	[spmem:s13], [sflag:s22] =	dma.local @!p0 [hbm:s1], $0x28000  }
0x13: {  	s22 =	simm.s32 @!p0 $0x2  }
0x14: {  	_ =	swait.ge @!p0 [sflag:s22], $0x28000  }
0x15: {  	[sflag:s22] =	ssyncset.done @!p0 $0x0  }
0x16: {  	[sflag:s22] =	ssyncadd.s32 @!p0 $0xFFFD8000  }
0x17: {  	s22 =	simm.s32 $0x0;
	[bflag:$0x0] =	sbarrier.arrive $0xFFFF  }
.LBB2_2:
0x18: {  	s23 =	sshll.u32 s22, $0xB  }
0x19: {  	s23 =	sor.u32 s10, s23  }
0x1a: {  	s24 =	sshrl.u32 s23, $0x3  }
0x1b: {  	s25 =	sadd.s32 s6, s24  }
0x1c: {  	[tilespmem:s3], [sflag:$0x2] =	stream.linear.gather [hbm4b:s25+s3], $0x80, $0x38;
	[tilespmem:$0x1C100] =	vst v63  }
0x1d: {  	_ =	swait.ge [sflag:s14], $0x80  }
0x1e: {  	[sflag:s14] =	ssyncset.done $0x0  }
0x1f: {  	s24 =	sadd.s32 s7, s24;
	[sflag:s14] =	ssyncadd.s32 $0xFFFFFF80  }
0x20: {  	[tilespmem:s15], [sflag:$0x2] =	stream.linear.gather [hbm4b:s24+s3], $0x80, $0x38;
	[tilespmem:$0x1C100] =	vst v63  }
0x21: {  	_ =	swait.ge [sflag:s14], $0x80  }
0x22: {  	[sflag:s14] =	ssyncset.done $0x0  }
0x23: {  	[sflag:s14] =	ssyncadd.s32 $0xFFFFFF80  }
0x24: {  	v1 =	vld [tilespmem:$0x80]  }
0x25: {  	v2 =	vld [tilespmem:$0x90]  }
0x26: {  	v3 =	vld [tilespmem:$0xA0]  }
0x27: {  	v4 =	vld [tilespmem:$0xB0]  }
0x28: {  	v5 =	vld [tilespmem:$0xC0]  }
0x29: {  	v6 =	vld [tilespmem:$0xD0];
	v1 =	vadd.s32 v0, v1  }
0x2a: {  	[tilespmem:$0x80] =	vst v1;
	v1 =	vadd.s32 v0, v2;
	v2 =	vld [tilespmem:$0xE0]  }
0x2b: {  	[tilespmem:$0x90] =	vst v1;
	v1 =	vadd.s32 v0, v3;
	v3 =	vld [tilespmem:$0xF0]  }
0x2c: {  	[tilespmem:$0xA0] =	vst v1;
	v1 =	vadd.s32 v0, v4  }
0x2d: {  	[tilespmem:$0xB0] =	vst v1;
	v1 =	vadd.s32 v0, v5  }
0x2e: {  	[tilespmem:$0xC0] =	vst v1;
	v1 =	vadd.s32 v0, v6  }
0x2f: {  	s23 =	sadd.s32 s8, s23;
	[tilespmem:$0xD0] =	vst v1;
	v1 =	vadd.s32 v0, v2  }
0x30: {  	s23 =	sshll.u32 s23, $0x4;
	[tilespmem:$0xE0] =	vst v1;
	v1 =	vadd.s32 v0, v3  }
0x31: {  	s23 =	sadd.s32 s5, s23;
	[tilespmem:$0xF0] =	vst v1  }
0x32: {  	[tilespmem:s16], [sflag:$0x2] =	stream.linear.gather [hbm4b:s23+s3], $0x4000, $0x38;
	[tilespmem:$0x1C100] =	vst v63  }
0x33: {  	_ =	swait.ge [sflag:s14], $0x4000  }
0x34: {  	[sflag:s14] =	ssyncset.done $0x0  }
0x35: {  	[sflag:s14] =	ssyncadd.s32 $0xFFFFC000  }
0x36: {  	[tilespmem:s17], [sflag:$0x1] =	stream.indirect.gather [hbm4b:s4+s15], $0x80, s15, s15, $0xb8;
	[tilespmem:$0x1C100] =	vst v63  }
0x37: {  	_ =	swait.ge [sflag:s18], $0x4000  }
0x38: {  	[sflag:s18] =	ssyncset.done $0x0  }
0x39: {  	s23 =	simm.s32 $0x4180;
	[sflag:s18] =	ssyncadd.s32 $0xFFFFC000  }
0x3a: {  	s24 =	simm.s32 $0x180;
	v1 =	vld [tilespmem:s23+$0xFFFFFF80]  }
0x3b: {  	v2 =	vld [tilespmem:s24+$0xFFFFFF80];
	_ =	sdelay $0x4  }
0x3c: {  	v1 =	vmul.f32 v2, v1;
	_ =	sdelay $0x1  }
0x3d: {  	[tilespmem:s23+$0xFFFFFF80] =	vst v1;
	v1 =	vld [tilespmem:s23+$0xFFFFFF90]  }
0x3e: {  	v2 =	vld [tilespmem:s24+$0xFFFFFF90];
	_ =	sdelay $0x4  }
0x3f: {  	v1 =	vmul.f32 v2, v1;
	_ =	sdelay $0x1  }
0x40: {  	[tilespmem:s23+$0xFFFFFF90] =	vst v1;
	v1 =	vld [tilespmem:s23+$0xFFFFFFA0]  }
0x41: {  	v2 =	vld [tilespmem:s24+$0xFFFFFFA0];
	_ =	sdelay $0x4  }
0x42: {  	v1 =	vmul.f32 v2, v1;
	_ =	sdelay $0x1  }
0x43: {  	[tilespmem:s23+$0xFFFFFFA0] =	vst v1;
	v1 =	vld [tilespmem:s23+$0xFFFFFFB0]  }
0x44: {  	v2 =	vld [tilespmem:s24+$0xFFFFFFB0];
	_ =	sdelay $0x4  }
0x45: {  	v1 =	vmul.f32 v2, v1;
	_ =	sdelay $0x1  }
0x46: {  	[tilespmem:s23+$0xFFFFFFB0] =	vst v1;
	v1 =	vld [tilespmem:s23+$0xFFFFFFC0]  }
0x47: {  	v2 =	vld [tilespmem:s24+$0xFFFFFFC0];
	_ =	sdelay $0x4  }
0x48: {  	v1 =	vmul.f32 v2, v1;
	_ =	sdelay $0x1  }
0x49: {  	[tilespmem:s23+$0xFFFFFFC0] =	vst v1;
	v1 =	vld [tilespmem:s23+$0xFFFFFFD0]  }
0x4a: {  	v2 =	vld [tilespmem:s24+$0xFFFFFFD0];
	_ =	sdelay $0x4  }
0x4b: {  	v1 =	vmul.f32 v2, v1;
	_ =	sdelay $0x1  }
0x4c: {  	[tilespmem:s23+$0xFFFFFFD0] =	vst v1;
	v1 =	vld [tilespmem:s23+$0xFFFFFFE0]  }
0x4d: {  	v2 =	vld [tilespmem:s24+$0xFFFFFFE0];
	_ =	sdelay $0x4  }
0x4e: {  	v1 =	vmul.f32 v2, v1;
	_ =	sdelay $0x1  }
0x4f: {  	[tilespmem:s23+$0xFFFFFFE0] =	vst v1;
	v1 =	vld [tilespmem:s23+$0xFFFFFFF0]  }
0x50: {  	v2 =	vld [tilespmem:s24+$0xFFFFFFF0];
	_ =	sdelay $0x4  }
0x51: {  	v1 =	vmul.f32 v2, v1;
	_ =	sdelay $0x1  }
0x52: {  	[tilespmem:s23+$0xFFFFFFF0] =	vst v1;
	v1 =	vld [tilespmem:s23+$0x0]  }
0x53: {  	v2 =	vld [tilespmem:s24+$0x0];
	_ =	sdelay $0x4  }
0x54: {  	v1 =	vmul.f32 v2, v1;
	_ =	sdelay $0x1  }
0x55: {  	[tilespmem:s23+$0x0] =	vst v1;
	v1 =	vld [tilespmem:s23+$0x10]  }
0x56: {  	v2 =	vld [tilespmem:s24+$0x10];
	_ =	sdelay $0x4  }
0x57: {  	v1 =	vmul.f32 v2, v1;
	_ =	sdelay $0x1  }
0x58: {  	[tilespmem:s23+$0x10] =	vst v1;
	v1 =	vld [tilespmem:s23+$0x20]  }
0x59: {  	v2 =	vld [tilespmem:s24+$0x20];
	_ =	sdelay $0x4  }
0x5a: {  	v1 =	vmul.f32 v2, v1;
	_ =	sdelay $0x1  }
0x5b: {  	[tilespmem:s23+$0x20] =	vst v1;
	v1 =	vld [tilespmem:s23+$0x30]  }
0x5c: {  	v2 =	vld [tilespmem:s24+$0x30];
	_ =	sdelay $0x4  }
0x5d: {  	v1 =	vmul.f32 v2, v1;
	_ =	sdelay $0x1  }
0x5e: {  	[tilespmem:s23+$0x30] =	vst v1;
	v1 =	vld [tilespmem:s23+$0x40]  }
0x5f: {  	v2 =	vld [tilespmem:s24+$0x40];
	_ =	sdelay $0x4  }
0x60: {  	v1 =	vmul.f32 v2, v1;
	_ =	sdelay $0x1  }
0x61: {  	[tilespmem:s23+$0x40] =	vst v1;
	v1 =	vld [tilespmem:s23+$0x50]  }
0x62: {  	v2 =	vld [tilespmem:s24+$0x50];
	_ =	sdelay $0x4  }
0x63: {  	v1 =	vmul.f32 v2, v1;
	_ =	sdelay $0x1  }
0x64: {  	[tilespmem:s23+$0x50] =	vst v1;
	v1 =	vld [tilespmem:s23+$0x60]  }
0x65: {  	v2 =	vld [tilespmem:s24+$0x60];
	_ =	sdelay $0x4  }
0x66: {  	v1 =	vmul.f32 v2, v1;
	_ =	sdelay $0x1  }
0x67: {  	[tilespmem:s23+$0x60] =	vst v1;
	v1 =	vld [tilespmem:s23+$0x70]  }
0x68: {  	v2 =	vld [tilespmem:s24+$0x70];
	_ =	sdelay $0x4  }
0x69: {  	v1 =	vmul.f32 v2, v1  }
0x6a: {  	s26 =	simm.s32 $0x4280;
	s25 =	simm.s32 $0x0  }
.LBB2_3:
0x6b: {  	v2 =	vld [tilespmem:s26+$0xFFFFFF80];
	[tilespmem:s23+$0x70] =	vst v1;
	s24 =	sadd.s32 $0x100, s24;
	s23 =	smov.u32 s26  }
0x6c: {  	s25 =	sadd.s32 $0x2, s25;
	v1 =	vld [tilespmem:s24+$0xFFFFFF80]  }
0x6d: {  	p1 =	slt.u32 s25, $0x7E;
	_ =	sdelay $0x3  }
0x6e: {  	v1 =	vmul.f32 v1, v2;
	_ =	sdelay $0x1  }
0x6f: {  	[tilespmem:s26+$0xFFFFFF80] =	vst v1;
	v1 =	vld [tilespmem:s26+$0xFFFFFF90]  }
0x70: {  	v2 =	vld [tilespmem:s24+$0xFFFFFF90];
	_ =	sdelay $0x4  }
0x71: {  	v1 =	vmul.f32 v2, v1;
	_ =	sdelay $0x1  }
0x72: {  	[tilespmem:s26+$0xFFFFFF90] =	vst v1;
	v1 =	vld [tilespmem:s26+$0xFFFFFFA0]  }
0x73: {  	v2 =	vld [tilespmem:s24+$0xFFFFFFA0];
	_ =	sdelay $0x4  }
0x74: {  	v1 =	vmul.f32 v2, v1;
	_ =	sdelay $0x1  }
0x75: {  	[tilespmem:s26+$0xFFFFFFA0] =	vst v1;
	v1 =	vld [tilespmem:s26+$0xFFFFFFB0]  }
0x76: {  	v2 =	vld [tilespmem:s24+$0xFFFFFFB0];
	_ =	sdelay $0x4  }
0x77: {  	v1 =	vmul.f32 v2, v1;
	_ =	sdelay $0x1  }
0x78: {  	[tilespmem:s26+$0xFFFFFFB0] =	vst v1;
	v1 =	vld [tilespmem:s26+$0xFFFFFFC0]  }
0x79: {  	v2 =	vld [tilespmem:s24+$0xFFFFFFC0];
	_ =	sdelay $0x4  }
0x7a: {  	v1 =	vmul.f32 v2, v1;
	_ =	sdelay $0x1  }
0x7b: {  	[tilespmem:s26+$0xFFFFFFC0] =	vst v1;
	v1 =	vld [tilespmem:s26+$0xFFFFFFD0]  }
0x7c: {  	v2 =	vld [tilespmem:s24+$0xFFFFFFD0];
	_ =	sdelay $0x4  }
0x7d: {  	v1 =	vmul.f32 v2, v1;
	_ =	sdelay $0x1  }
0x7e: {  	[tilespmem:s26+$0xFFFFFFD0] =	vst v1;
	v1 =	vld [tilespmem:s26+$0xFFFFFFE0]  }
0x7f: {  	v2 =	vld [tilespmem:s24+$0xFFFFFFE0];
	_ =	sdelay $0x4  }
0x80: {  	v1 =	vmul.f32 v2, v1;
	_ =	sdelay $0x1  }
0x81: {  	[tilespmem:s26+$0xFFFFFFE0] =	vst v1;
	v1 =	vld [tilespmem:s26+$0xFFFFFFF0]  }
0x82: {  	v2 =	vld [tilespmem:s24+$0xFFFFFFF0];
	_ =	sdelay $0x4  }
0x83: {  	v1 =	vmul.f32 v2, v1;
	_ =	sdelay $0x1  }
0x84: {  	[tilespmem:s26+$0xFFFFFFF0] =	vst v1;
	v1 =	vld [tilespmem:s26+$0x0]  }
0x85: {  	v2 =	vld [tilespmem:s24+$0x0];
	_ =	sdelay $0x4  }
0x86: {  	v1 =	vmul.f32 v2, v1;
	_ =	sdelay $0x1  }
0x87: {  	[tilespmem:s26+$0x0] =	vst v1;
	v1 =	vld [tilespmem:s26+$0x10]  }
0x88: {  	v2 =	vld [tilespmem:s24+$0x10];
	_ =	sdelay $0x4  }
0x89: {  	v1 =	vmul.f32 v2, v1;
	_ =	sdelay $0x1  }
0x8a: {  	[tilespmem:s26+$0x10] =	vst v1;
	v1 =	vld [tilespmem:s26+$0x20]  }
0x8b: {  	v2 =	vld [tilespmem:s24+$0x20];
	_ =	sdelay $0x4  }
0x8c: {  	v1 =	vmul.f32 v2, v1;
	_ =	sdelay $0x1  }
0x8d: {  	[tilespmem:s26+$0x20] =	vst v1;
	v1 =	vld [tilespmem:s26+$0x30]  }
0x8e: {  	v2 =	vld [tilespmem:s24+$0x30];
	_ =	sdelay $0x4  }
0x8f: {  	v1 =	vmul.f32 v2, v1;
	_ =	sdelay $0x1  }
0x90: {  	[tilespmem:s26+$0x30] =	vst v1;
	v1 =	vld [tilespmem:s26+$0x40]  }
0x91: {  	v2 =	vld [tilespmem:s24+$0x40];
	_ =	sdelay $0x4  }
0x92: {  	v1 =	vmul.f32 v2, v1;
	_ =	sdelay $0x1  }
0x93: {  	[tilespmem:s26+$0x40] =	vst v1;
	v1 =	vld [tilespmem:s26+$0x50]  }
0x94: {  	v2 =	vld [tilespmem:s24+$0x50];
	_ =	sdelay $0x4  }
0x95: {  	v1 =	vmul.f32 v2, v1;
	_ =	sdelay $0x1  }
0x96: {  	[tilespmem:s26+$0x50] =	vst v1;
	v1 =	vld [tilespmem:s26+$0x60]  }
0x97: {  	v2 =	vld [tilespmem:s24+$0x60];
	_ =	sdelay $0x4  }
0x98: {  	v1 =	vmul.f32 v2, v1;
	_ =	sdelay $0x1  }
0x99: {  	[tilespmem:s26+$0x60] =	vst v1;
	v1 =	vld [tilespmem:s26+$0x70]  }
0x9a: {  	v2 =	vld [tilespmem:s24+$0x70];
	_ =	sdelay $0x1  }
.Ltmp0:
0x9b: {  	(pc) =	sbr.rel @p1 .LBB2_3-.Ltmp0, $3  }
0x9c: {  	_ =	sdelay $0x1  }
0x9d: {  	v1 =	vmul.f32 v2, v1  }
0x9e: {  	s26 =	sadd.s32 $0x100, s26  }
0x9f: {  	s22 =	sadd.s32 $0x1, s22  }
0xa0: {  	p1 =	sne.s32 s22, s9  }
.Ltmp1:
0xa1: {  	[tilespmem:s23+$0x70] =	vst v1;
	(pc) =	sbr.rel @p1 .LBB2_2-.Ltmp1, $4  }
0xa2: {  	[spmem:s2] =	stream.indirect.scatter.add.f32 [tilespmem:s17], [sflag:$0x2], $0x80, s3, s15, $0xb8;
	[tilespmem:$0x1C100] =	vst v63  }
0xa3: {  	_ =	swait.ge [sflag:s14], $0x4000  }
0xa4: {  	[sflag:s14] =	ssyncset.done $0x0  }
0xa5: {  	[sflag:s14] =	ssyncadd.s32 $0xFFFFC000  }
0xa6: {  	s21 =	sadd.s32 $0x1, s21  }
0xa7: {  	p1 =	sne.s32 s21, s12  }
.Ltmp2:
0xa8: {  	[bflag:$0x0] =	sbarrier.arrive $0xFFFF;
	(pc) =	sbr.rel @p1 .LBB2_1-.Ltmp2, $4  }
0xa9: {  	[hbm:s11], [sflag:s19] =	dma.local [spmem:s20], $0x2800  }
0xaa: {  	_ =	swait.ge [sflag:s14], $0x2800  }
0xab: {  	[sflag:s14] =	ssyncset.done $0x0  }
0xac: {  	[sflag:s14] =	ssyncadd.s32 $0xFFFFD800  }
0xad: {  	_ =	sfence.sel $0x180000  }
0xae: {  	[bflag:$0x0] =	sbarrier.arrive $0xFFFF  }
0xaf: {  	_ =	strace $0x9000004A  }
0xb0: {  	s0 =	sadd.s32 @!p0 $0x100000, s0;
	[bflag:$0x2] =	sbarrier.arrive $0xFFFF  }
0xb1: {  	[sflag:s0] =	ssyncadd.tile.s32 @!p0 $0x1;
	_ =	shalt  }
.Lfunc_end2:
_tile_overlayer_lowered:
.L_overlay_start_2:
0xb2: {  	(tag) =	ssettag $0x2  }
0xb3: {  	s0 =	rddreg [dreg:$0x0];
	s2 =	stileid.u32  }
0xb4: {  	s1 =	rddreg [dreg:$0x1];
	p0 =	sne.s32 s2, $0x0  }
0xb5: {  	s3 =	rddreg [dreg:$0x2];
	[bflag:$0x3] =	sbarrier.arrive $0xFFFF;
	s2 =	simm.s32 @!p0 $0x1C02  }
0xb6: {  	[timem:s3], [sflag:s2] =	dma.local @!p0 [hbm:s0], s1  }
0xb7: {  	s0 =	simm.s32 @!p0 $0x2  }
0xb8: {  	_ =	swait.ge @!p0 [sflag:s0], s1  }
0xb9: {  	s1 =	ssub.s32 @!p0 $0x0, s1;
	[sflag:s0] =	ssyncset.done @!p0 $0x0  }
0xba: {  	[sflag:s0] =	ssyncadd.s32 @!p0 s1  }
0xbb: {  	[bflag:$0x3] =	sbarrier.arrive $0xFFFF  }
0xbc: {  	_ =	shalt  }

</sc_bundles>
